<compile_context>
chip_gen: v7x
topology: tpu7x:2x2x1
jax: 0.10.2.dev20260603
libtpu: 0.0.44.dev20260713+nightly
codegen_flags: <defaults>
</compile_context>

<pallas_src>
import functools

import numpy as np
import jax
import jax.numpy as jnp
from jax import lax
from jax.experimental import pallas as pl
from jax.experimental.pallas import tpu as pltpu
from jax.experimental.pallas import tpu_sc as plsc

_CAPACITY_FACTOR = 1.2
_ROW_BLK = 256


def _bits_masked(k0, k1, n, n_max):
    ji = jnp.arange(n_max, dtype=jnp.int32)
    half = (n + 1) // 2
    x0 = ji.astype(jnp.uint32)
    x1 = jnp.where(ji < (n // 2), ji + half, 0).astype(jnp.uint32)
    ks2 = k0 ^ k1 ^ jnp.uint32(0x1BD11BDA)
    ks = (k0, k1, ks2)
    v0 = x0 + ks[0]
    v1 = x1 + ks[1]
    rotations = ((13, 15, 26, 6), (17, 29, 16, 24))
    for i in range(5):
        for r in rotations[i % 2]:
            v0 = v0 + v1
            v1 = (v1 << jnp.uint32(r)) | (v1 >> jnp.uint32(32 - r))
            v1 = v0 ^ v1
        v0 = v0 + ks[(i + 1) % 3]
        v1 = v1 + ks[(i + 2) % 3] + jnp.uint32(i + 1)
    lo = v1[jnp.clip(ji - half, 0, n_max - 1)]
    return jnp.where(ji < half, v0, lo)


def _round_key_data(E, max_rounds):
    keys = [jax.random.fold_in(jax.random.key(1), i) for i in range(E)]
    rows = []
    for _ in range(max_rounds):
        subs = []
        for i in range(E):
            keys[i], sub = jax.random.split(keys[i])
            subs.append(jax.random.key_data(sub))
        rows.append(jnp.stack(subs))
    return jnp.stack(rows)


_NW = 32
_L = 16


def _sc_radix_sigma(keys_t, nr16, rows, n, n_exp):
    V = n // _L
    vshift = V.bit_length() - 1
    mesh = plsc.VectorSubcoreMesh(core_axis_name="c", subcore_axis_name="s")

    @functools.partial(
        pl.kernel, mesh=mesh,
        out_type=jax.ShapeDtypeStruct((rows, n), jnp.int32),
        compiler_params=pltpu.CompilerParams(use_tc_tiling_on_sc=False,
                                             needs_layout_passes=False),
        scratch_types=[
            pltpu.VMEM((n,), jnp.int32),
            pltpu.VMEM((n,), jnp.int32),
            pltpu.VMEM((n,), jnp.int32),
            pltpu.VMEM((n,), jnp.int32),
            pltpu.VMEM((256 * _L,), jnp.int32),
            pltpu.VMEM((n,), jnp.int32),
            pltpu.VMEM((_L,), jnp.int32),
        ],
    )
    def sort_kernel(keys_hbm, nr_hbm, sig_hbm, ka, kb, pa, pb, offs, occ,
                    nr_v):
        wid = lax.axis_index("s") * 2 + lax.axis_index("c")
        lanes = lax.iota(jnp.int32, 16)
        pltpu.sync_copy(nr_hbm, nr_v)

        def radix_pass(p, src_k, src_p, dst_k, dst_p):
            shift = jnp.int32(8 * p)
            last = p == 3

            def zero_body(i, c):
                offs[pl.ds(i * 4 * _L, _L)] = jnp.zeros((_L,), jnp.int32)
                offs[pl.ds((i * 4 + 1) * _L, _L)] = jnp.zeros((_L,), jnp.int32)
                offs[pl.ds((i * 4 + 2) * _L, _L)] = jnp.zeros((_L,), jnp.int32)
                offs[pl.ds((i * 4 + 3) * _L, _L)] = jnp.zeros((_L,), jnp.int32)
                return c
            lax.fori_loop(0, 64, zero_body, 0)

            def count_one(v):
                kv = src_k[pl.ds(v * _L, _L)]
                d = lax.shift_right_logical(kv, shift) & jnp.int32(0xFF)
                addr = d * _L + lanes
                cur = plsc.load_gather(offs, [addr])
                plsc.store_scatter(offs, [addr], cur + 1)
                occ[pl.ds(v * _L, _L)] = cur

            def count_body(u, c):
                count_one(2 * u)
                count_one(2 * u + 1)
                return c
            lax.fori_loop(0, V // 2, count_body, 0)

            def scan_body(i, carry):
                h = offs[pl.ds(i * _L, _L)]
                offs[pl.ds(i * _L, _L)] = plsc.cumsum(h) - h + carry
                return carry + jnp.sum(h)
            lax.fori_loop(0, 256, scan_body, jnp.int32(0))

            def permute_one(v):
                kv = src_k[pl.ds(v * _L, _L)]
                pv = src_p[pl.ds(v * _L, _L)]
                d = lax.shift_right_logical(kv, shift) & jnp.int32(0xFF)
                addr = d * _L + lanes
                rho = plsc.load_gather(offs, [addr]) + occ[pl.ds(v * _L, _L)]
                if last:
                    dest = rho
                else:
                    dest = ((rho & jnp.int32(V - 1)) * _L
                            + lax.shift_right_logical(rho, jnp.int32(vshift)))
                    plsc.store_scatter(dst_k, [dest], kv)
                plsc.store_scatter(dst_p, [dest], pv)

            def permute_body(u, c):
                permute_one(2 * u)
                permute_one(2 * u + 1)
                return c
            lax.fori_loop(0, V // 2, permute_body, 0)

        def full_sort(ridx):
            pltpu.sync_copy(keys_hbm.at[ridx], ka)

            def init_body(v, c):
                pa[pl.ds(2 * v * _L, _L)] = lanes * V + 2 * v
                pa[pl.ds((2 * v + 1) * _L, _L)] = lanes * V + 2 * v + 1
                return c
            lax.fori_loop(0, V // 2, init_body, 0)

            radix_pass(0, ka, pa, kb, pb)
            radix_pass(1, kb, pb, ka, pa)
            radix_pass(2, ka, pa, kb, pb)
            radix_pass(3, kb, pb, ka, pa)
            pltpu.sync_copy(pa, sig_hbm.at[ridx])

        def identity_row(ridx):
            def init_body(v, c):
                pa[pl.ds(2 * v * _L, _L)] = lanes + 2 * v * _L
                pa[pl.ds((2 * v + 1) * _L, _L)] = lanes + (2 * v + 1) * _L
                return c
            lax.fori_loop(0, V // 2, init_body, 0)
            pltpu.sync_copy(pa, sig_hbm.at[ridx])

        n_iter = (rows + _NW - 1) // _NW

        def outer_body(k, c):
            ridx = wid + k * _NW

            @pl.when(ridx < rows)
            def _():
                r = lax.div(ridx, n_exp)
                i = lax.rem(ridx, n_exp)
                nri = jnp.sum(jnp.where(lanes == i, nr_v[...], 0))

                @pl.when(r < nri)
                def _():
                    full_sort(ridx)

                @pl.when(r >= nri)
                def _():
                    identity_row(ridx)
            return c
        lax.fori_loop(0, n_iter, outer_body, 0)

    return sort_kernel(keys_t, nr16)


def _sc_compose_kept(sigma, nr16, rows, n, n_exp, capacity):
    V = n // _L
    mesh = plsc.VectorSubcoreMesh(core_axis_name="c", subcore_axis_name="s")

    @functools.partial(
        pl.kernel, mesh=mesh,
        out_type=jax.ShapeDtypeStruct((n_exp, n), jnp.int32),
        compiler_params=pltpu.CompilerParams(use_tc_tiling_on_sc=False,
                                             needs_layout_passes=False),
        scratch_types=[
            pltpu.VMEM((n,), jnp.int32),
            pltpu.VMEM((n,), jnp.int32),
            pltpu.VMEM((n,), jnp.int32),
            pltpu.VMEM((_L,), jnp.int32),
        ],
    )
    def compose_kernel(sig_hbm, nr_hbm, mask_hbm, srow, g, mask, nr_v):
        wid = lax.axis_index("s") * 2 + lax.axis_index("c")
        lanes = lax.iota(jnp.int32, 16)
        pltpu.sync_copy(nr_hbm, nr_v)

        @pl.when(wid < n_exp)
        def _():
            i = wid
            nri = jnp.sum(jnp.where(lanes == i, nr_v[...], 0))

            def zero_body(v, c):
                mask[pl.ds(v * _L, _L)] = jnp.zeros((_L,), jnp.int32)
                return c
            lax.fori_loop(0, V, zero_body, 0)

            @pl.when(nri > 0)
            def _():
                pltpu.sync_copy(sig_hbm.at[(nri - 1) * n_exp + i], g)

                def round_body(k, c):
                    r = nri - 2 - k
                    pltpu.sync_copy(sig_hbm.at[r * n_exp + i], srow)

                    def gather_body(v, c2):
                        gv = g[pl.ds(v * _L, _L)]
                        g[pl.ds(v * _L, _L)] = plsc.load_gather(srow, [gv])
                        return c2
                    lax.fori_loop(0, V, gather_body, 0)
                    return c
                lax.fori_loop(0, nri - 1, round_body, 0)

                nfull = capacity // _L
                ntail = capacity - nfull * _L

                def mark_body(v, c):
                    gv = g[pl.ds(v * _L, _L)]
                    plsc.store_scatter(mask, [gv], jnp.ones((_L,), jnp.int32))
                    return c
                lax.fori_loop(0, nfull, mark_body, 0)
                if ntail:
                    gv = g[pl.ds(nfull * _L, _L)]
                    plsc.store_scatter(mask, [gv],
                                       jnp.ones((_L,), jnp.int32),
                                       mask=lanes < ntail)

            pltpu.sync_copy(mask, mask_hbm.at[i])

    return compose_kernel(sigma, nr16)


def _expert_matmul_kernel(x_ref, w_ref, b_ref, o_ref):
    acc = jax.lax.dot_general(
        x_ref[0], w_ref[0],
        dimension_numbers=(((1,), (1,)), ((), ())),
        preferred_element_type=jnp.float32,
    )
    o_ref[0] = acc + b_ref[0]


def _expert_matmul(xg, W_experts, b_experts, cap_pad):
    E, D = W_experts.shape[0], W_experts.shape[1]
    grid = (E, cap_pad // _ROW_BLK)
    return pl.pallas_call(
        _expert_matmul_kernel,
        grid=grid,
        in_specs=[
            pl.BlockSpec((1, _ROW_BLK, D), lambda i, c: (i, c, 0)),
            pl.BlockSpec((1, D, D), lambda i, c: (i, 0, 0)),
            pl.BlockSpec((1, 1, D), lambda i, c: (i, 0, 0)),
        ],
        out_specs=pl.BlockSpec((1, _ROW_BLK, D), lambda i, c: (i, c, 0)),
        out_shape=jax.ShapeDtypeStruct((E, cap_pad, D), jnp.float32),
    )(xg.reshape(E, cap_pad, D), W_experts, b_experts.reshape(E, 1, D))


def kernel(x, W_switch, b_switch, W_experts, b_experts):
    b, s, d = x.shape
    E = W_switch.shape[0]
    n_tok = b * s
    xf = x.reshape(-1, d)

    logits = xf @ W_switch.T + b_switch
    probs = jax.nn.softmax(logits, axis=-1)
    route_probs = jnp.max(probs, axis=-1)
    routes = jnp.argmax(probs, axis=-1).astype(jnp.int32)

    capacity = int(_CAPACITY_FACTOR * n_tok / E)
    cap_pad = ((capacity + _ROW_BLK - 1) // _ROW_BLK) * _ROW_BLK
    rounds_np = np.array([int(np.ceil(3 * np.log(max(1, t)) / np.log(2)))
                          for t in range(n_tok + 1)], dtype=np.int32)
    rounds_table = jnp.asarray(rounds_np)
    max_rounds = int(rounds_np.max())

    eids = jnp.arange(E, dtype=jnp.int32)
    counts = jnp.sum(routes[None, :] == eids[:, None], axis=1).astype(jnp.int32)
    num_rounds = rounds_table[counts]
    r_needed = jnp.max(num_rounds)

    rk = _round_key_data(E, max_rounds)
    ji = jnp.arange(n_tok, dtype=jnp.int32)

    kflat = rk.reshape(max_rounds * E, 2)
    nflat = jnp.tile(counts, max_rounds)
    bits = jax.vmap(lambda a, c, n: _bits_masked(a, c, n, n_tok))(
        kflat[:, 0], kflat[:, 1], nflat)
    active = ((ji[None, :] < nflat[:, None])
              & (jnp.repeat(jnp.arange(max_rounds, dtype=jnp.int32), E)[:, None]
                 < jnp.tile(num_rounds, max_rounds)[:, None]))
    keys = jnp.where(active, bits, jnp.uint32(0xFFFFFFFF))
    n_rows = max_rounds * E
    keys_i = jax.lax.bitcast_convert_type(keys, jnp.int32)
    keys_t = keys_i.reshape(n_rows, _L, n_tok // _L).transpose(0, 2, 1)
    nr16 = jnp.zeros((_L,), jnp.int32).at[:E].set(num_rounds)
    sigma = _sc_radix_sigma(keys_t.reshape(n_rows, n_tok), nr16,
                            n_rows, n_tok, E)

    kept_mask = _sc_compose_kept(sigma, nr16, n_rows, n_tok, E, capacity)
    keep_rank = (counts[:, None] <= capacity) | (kept_mask > 0)

    sorted_tok = jnp.argsort(routes, stable=True).astype(jnp.int32)
    e_sorted = routes[sorted_tok]
    starts = jnp.concatenate([jnp.zeros((1,), jnp.int32),
                              jnp.cumsum(counts)[:-1].astype(jnp.int32)])
    pos = ji - starts[e_sorted]
    kept_sorted = keep_rank[e_sorted, pos]

    kept_count = jnp.minimum(counts, capacity)
    kept_before = jnp.concatenate([jnp.zeros((1,), jnp.int32),
                                   jnp.cumsum(kept_count)[:-1].astype(jnp.int32)])
    kc = jnp.cumsum(kept_sorted.astype(jnp.int32))
    slot = e_sorted * cap_pad + (kc - 1 - kept_before[e_sorted])

    d_flat = jnp.arange(E * cap_pad, dtype=jnp.int32) % n_tok
    d_flat = d_flat.at[jnp.where(kept_sorted, slot, E * cap_pad)].set(
        sorted_tok, mode="drop")
    g = jnp.zeros((n_tok,), jnp.int32).at[sorted_tok].set(
        jnp.where(kept_sorted, slot, E * cap_pad + sorted_tok))

    xg = xf[d_flat]
    yg = _expert_matmul(xg, W_experts, b_experts, cap_pad).reshape(-1, d)
    table = jnp.concatenate([yg, xf], axis=0)
    out = table[g] * route_probs[:, None]
    return out.reshape(b, s, d)

# --- scband reference (transcript-rebuilt; emitter-appended) ---
"""Pipeline reference for scband-switch-linear-16183436771716 (READ-ONLY COPY).

The authoritative reference and input builder live on the scoring server;
editing this copy changes nothing except your own understanding.
"""

import jax, jax.numpy as jnp
import numpy as np

E = 8
D = 1024
B = 4
S = 2048
CAPACITY_FACTOR = 1.2


def setup_inputs(seed: int = 0) -> dict:
    key = jax.random.key(seed)
    k1, k2, k3, k4 = jax.random.split(key, 4)
    x = jax.random.normal(k1, (B, S, D), dtype=jnp.float32)
    W_switch = jax.random.normal(k2, (E, D), dtype=jnp.float32) * 0.02
    b_switch = jnp.zeros((E,), dtype=jnp.float32)
    W_experts = jax.random.normal(k3, (E, D, D), dtype=jnp.float32) * 0.02
    b_experts = jnp.zeros((E, D), dtype=jnp.float32)
    return {"x": x, "W_switch": W_switch, "b_switch": b_switch,
            "W_experts": W_experts, "b_experts": b_experts}


def _threefry_bits_masked(k0, k1, n, n_max):
    ji = jnp.arange(n_max, dtype=jnp.int32)
    half = (n + 1) // 2
    x0 = ji.astype(jnp.uint32)
    x1 = jnp.where(ji < (n // 2), ji + half, 0).astype(jnp.uint32)
    ks2 = k0 ^ k1 ^ jnp.uint32(0x1BD11BDA)
    ks = (k0, k1, ks2)
    v0 = x0 + ks[0]
    v1 = x1 + ks[1]
    rotations = ((13, 15, 26, 6), (17, 29, 16, 24))
    for i in range(5):
        for r in rotations[i % 2]:
            v0 = v0 + v1
            v1 = (v1 << jnp.uint32(r)) | (v1 >> jnp.uint32(32 - r))
            v1 = v0 ^ v1
        v0 = v0 + ks[(i + 1) % 3]
        v1 = v1 + ks[(i + 2) % 3] + jnp.uint32(i + 1)
    lo = v1[jnp.clip(ji - half, 0, n_max - 1)]
    return jnp.where(ji < half, v0, lo)


def reference(x, W_switch, b_switch, W_experts, b_experts):
    b, s, d = x.shape
    xf = x.reshape(-1, d)
    n_tok = xf.shape[0]
    logits = xf @ W_switch.T + b_switch
    probs = jax.nn.softmax(logits, axis=-1)
    route_probs = jnp.max(probs, axis=-1)
    routes = jnp.argmax(probs, axis=-1)
    capacity = int(CAPACITY_FACTOR * n_tok / E)
    rounds_np = np.array([int(np.ceil(3 * np.log(max(1, t)) / np.log(2)))
                          for t in range(n_tok + 1)], dtype=np.int32)
    rounds_table = jnp.asarray(rounds_np)
    max_rounds = int(rounds_np.max())
    token_pos = jnp.arange(n_tok, dtype=jnp.int32)
    final = jnp.zeros_like(xf)
    dropped = jnp.zeros((n_tok,), dtype=bool)
    for i in range(E):
        sel = routes == i
        n_i = jnp.sum(sel).astype(jnp.int32)
        order = jnp.argsort(jnp.where(sel, 0, 1), stable=True)
        num_rounds = rounds_table[n_i]
        key_i = jax.random.fold_in(jax.random.key(1), i)
        perm = token_pos
        pad = (token_pos >= n_i).astype(jnp.uint32)
        for r in range(max_rounds):
            key_i, sub = jax.random.split(key_i)
            kd = jax.random.key_data(sub)
            bits = _threefry_bits_masked(kd[0], kd[1], n_i, n_tok)
            _, _, perm_r = jax.lax.sort((pad, bits, perm), num_keys=2,
                                        is_stable=True)
            perm = jnp.where(r < num_rounds, perm_r, perm)
        inv = jnp.zeros((n_tok,), dtype=jnp.int32).at[perm].set(token_pos)
        keep_rank = (n_i <= capacity) | (inv < capacity)
        kept_tok = jnp.zeros((n_tok,), dtype=bool).at[order].set(
            (token_pos < n_i) & keep_rank)
        out_i = xf @ W_experts[i].T + b_experts[i]
        final = jnp.where((sel & kept_tok)[:, None], out_i, final)
        dropped = dropped | (sel & ~kept_tok)
    final = jnp.where(dropped[:, None], xf, final)
    final = final * route_probs[:, None]
    return final.reshape(b, s, d)

if __name__ == "__main__":
    import jax
    _d = setup_inputs()
    print(jax.jit(kernel)(*tuple(_d.values())))

</pallas_src>

<mosaic_0001>
#map = affine_map<(d0, d1) -> (0, 0)>
#map1 = affine_map<(d0, d1) -> (0)>
module attributes {stable_mosaic.version = 14 : i64} {
  func.func @sort_kernel(%arg0: i32, %arg1: i32, %arg2: memref<312x8192xi32, #tpu.memory_space<hbm>>, %arg3: memref<16xi32, #tpu.memory_space<hbm>>, %arg4: memref<312x8192xi32, #tpu.memory_space<hbm>>, %arg5: memref<8192xi32, #tpu.memory_space<vmem>>, %arg6: memref<8192xi32, #tpu.memory_space<vmem>>, %arg7: memref<8192xi32, #tpu.memory_space<vmem>>, %arg8: memref<8192xi32, #tpu.memory_space<vmem>>, %arg9: memref<4096xi32, #tpu.memory_space<vmem>>, %arg10: memref<8192xi32, #tpu.memory_space<vmem>>, %arg11: memref<16xi32, #tpu.memory_space<vmem>>) attributes {dimension_semantics = [#tpu.dimension_semantics<core_parallel>, #tpu.dimension_semantics<subcore_parallel>], iteration_bounds = array<i64: 2, 16>, scalar_prefetch = 0 : i64, scratch_operands = 7 : i64, tpu.core_type = #tpu.core_type<sc_vector_subcore>, window_params = [{transform_indices = #map}, {transform_indices = #map1}, {transform_indices = #map}]} {
    %mul3A = arith.constant 2 : i32
    %mul3A_0 = arith.muli %arg1, %mul3A : i32
    %add3A = arith.addi %mul3A_0, %arg0 : i32
    %iota3A = tpu.iota {dimensions = array<i32: 0>} : vector<16xi32>
    "tpu.region"() ({
      %run_scoped3A = tpu.sem_alloc : memref<!tpu.dma_semaphore, #tpu.memory_space<semaphore_mem>>
      tpu.enqueue_dma source(%arg3 : memref<16xi32, #tpu.memory_space<hbm>>) target(%arg11 : memref<16xi32, #tpu.memory_space<vmem>>) target_semaphore(%run_scoped3A : memref<!tpu.dma_semaphore, #tpu.memory_space<semaphore_mem>>)
      tpu.wait_dma2 semaphore(%run_scoped3A : memref<!tpu.dma_semaphore, #tpu.memory_space<semaphore_mem>>) src(%arg3 : memref<16xi32, #tpu.memory_space<hbm>>) dst(%arg11 : memref<16xi32, #tpu.memory_space<vmem>>)
      tpu.yield
    }) : () -> ()
    %scan3A = arith.constant 0 : i32
    %scan3A_1 = arith.constant 0 : i32
    %scan3A_2 = arith.constant 10 : i32
    %scan3A_3 = arith.addi %scan3A_1, %scan3A_2 : i32
    %scan3A_4 = arith.constant 1 : i32
    scf.for %scan3A_6 = %scan3A_1 to %scan3A_3 step %scan3A_4  : i32 {
      %mul3A_7 = arith.constant 32 : i32
      %mul3A_8 = arith.muli %scan3A_6, %mul3A_7 : i32
      %add3A_9 = arith.addi %add3A, %mul3A_8 : i32
      %lt3A = arith.constant 312 : i32
      %lt3A_10 = arith.cmpi slt, %add3A_9, %lt3A : i32
      %convert_element_type3A = arith.extui %lt3A_10 : i1 to i32
      %cond3A = arith.constant 0 : i32
      %cond3A_11 = arith.cmpi ne, %convert_element_type3A, %cond3A : i32
      scf.if %cond3A_11 {
        %div3A = arith.constant 8 : i32
        %div3A_12 = arith.divsi %add3A_9, %div3A : i32
        %rem3A = arith.constant 8 : i32
        %rem3A_13 = arith.remsi %add3A_9, %rem3A : i32
        %eq3A = vector.broadcast %rem3A_13 : i32 to vector<16xi32>
        %eq3A_14 = arith.cmpi eq, %iota3A, %eq3A : vector<16xi32>
        %get3A = arith.constant 0 : index
        %get3A_15 = tpu.vector_load %arg11[%get3A] {strides = array<i32>} : memref<16xi32, #tpu.memory_space<vmem>>, vector<16xi32>,
        %jit3A = arith.constant 0 : i32
        %broadcast_in_dim3A = vector.broadcast %jit3A : i32 to vector<16xi32>
        %select_n3A = arith.select %eq3A_14, %get3A_15, %broadcast_in_dim3A : vector<16xi1>, vector<16xi32>
        %reduce_sum3A = arith.constant true
        %reduce_sum3A_16 = vector.broadcast %reduce_sum3A : i1 to vector<16xi1>
        %reduce_sum3A_17 = tpu.scan <sum>, %select_n3A masked %reduce_sum3A_16 : vector<16xi32>, vector<16xi1> -> vector<16xi32>
        %reduce_sum3A_18 = vector.extract %reduce_sum3A_17[15] : i32 from vector<16xi32>
        %lt3A_19 = arith.cmpi slt, %div3A_12, %reduce_sum3A_18 : i32
        %convert_element_type3A_20 = arith.extui %lt3A_19 : i1 to i32
        %cond3A_21 = arith.constant 0 : i32
        %cond3A_22 = arith.cmpi ne, %convert_element_type3A_20, %cond3A_21 : i32
        scf.if %cond3A_22 {
          "tpu.region"() ({
            %run_scoped3A = tpu.sem_alloc : memref<!tpu.dma_semaphore, #tpu.memory_space<semaphore_mem>>
            %dma_start3A = arith.constant 0 : i32
            %dma_start3A_140 = tpu.memref_slice %arg2[%add3A_9, %dma_start3A] : memref<312x8192xi32, #tpu.memory_space<hbm>> -> memref<1x8192xi32, #tpu.memory_space<hbm>>
            %dma_start3A_141 = tpu.memref_squeeze %dma_start3A_140 : memref<1x8192xi32, #tpu.memory_space<hbm>> -> memref<8192xi32, #tpu.memory_space<hbm>>
            %dma_start3A_142 = arith.constant 0 : i32
            %dma_start3A_143 = tpu.memref_slice %arg2[%add3A_9, %dma_start3A_142] : memref<312x8192xi32, #tpu.memory_space<hbm>> -> memref<1x8192xi32, #tpu.memory_space<hbm>>
            %dma_start3A_144 = tpu.memref_squeeze %dma_start3A_143 : memref<1x8192xi32, #tpu.memory_space<hbm>> -> memref<8192xi32, #tpu.memory_space<hbm>>
            tpu.enqueue_dma source(%dma_start3A_144 : memref<8192xi32, #tpu.memory_space<hbm>>) target(%arg5 : memref<8192xi32, #tpu.memory_space<vmem>>) target_semaphore(%run_scoped3A : memref<!tpu.dma_semaphore, #tpu.memory_space<semaphore_mem>>)
            %dma_wait3A = arith.constant 0 : i32
            %dma_wait3A_145 = tpu.memref_slice %arg2[%add3A_9, %dma_wait3A] : memref<312x8192xi32, #tpu.memory_space<hbm>> -> memref<1x8192xi32, #tpu.memory_space<hbm>>
            %dma_wait3A_146 = tpu.memref_squeeze %dma_wait3A_145 : memref<1x8192xi32, #tpu.memory_space<hbm>> -> memref<8192xi32, #tpu.memory_space<hbm>>
            %dma_wait3A_147 = arith.constant 0 : i32
            %dma_wait3A_148 = tpu.memref_slice %arg2[%add3A_9, %dma_wait3A_147] : memref<312x8192xi32, #tpu.memory_space<hbm>> -> memref<1x8192xi32, #tpu.memory_space<hbm>>
            %dma_wait3A_149 = tpu.memref_squeeze %dma_wait3A_148 : memref<1x8192xi32, #tpu.memory_space<hbm>> -> memref<8192xi32, #tpu.memory_space<hbm>>
            tpu.wait_dma2 semaphore(%run_scoped3A : memref<!tpu.dma_semaphore, #tpu.memory_space<semaphore_mem>>) src(%dma_wait3A_149 : memref<8192xi32, #tpu.memory_space<hbm>>) dst(%arg5 : memref<8192xi32, #tpu.memory_space<vmem>>)
            tpu.yield
          }) : () -> ()
          %scan3A_26 = arith.constant 0 : i32
          %scan3A_27 = arith.constant 0 : i32
          %scan3A_28 = arith.constant 256 : i32
          %scan3A_29 = arith.addi %scan3A_27, %scan3A_28 : i32
          %scan3A_30 = arith.constant 1 : i32
          scf.for %scan3A_140 = %scan3A_27 to %scan3A_29 step %scan3A_30  : i32 {
            %mul3A_141 = arith.constant 512 : i32
            %mul3A_142 = vector.broadcast %mul3A_141 : i32 to vector<16xi32>
            %mul3A_143 = arith.muli %iota3A, %mul3A_142 : vector<16xi32>
            %mul3A_144 = arith.constant 2 : i32
            %mul3A_145 = arith.muli %mul3A_144, %scan3A_140 : i32
            %add3A_146 = vector.broadcast %mul3A_145 : i32 to vector<16xi32>
            %add3A_147 = arith.addi %mul3A_143, %add3A_146 : vector<16xi32>
            %mul3A_148 = arith.constant 2 : i32
            %mul3A_149 = arith.muli %mul3A_148, %scan3A_140 : i32
            %mul3A_150 = arith.constant 16 : i32
            %mul3A_151 = arith.muli %mul3A_149, %mul3A_150 : i32
            %swap3A = arith.index_cast %mul3A_151 : i32 to index
            %swap3A_152 = tpu.vector_load %arg7[%swap3A] {strides = array<i32>} : memref<8192xi32, #tpu.memory_space<vmem>>, vector<16xi32>,
            tpu.vector_store %arg7[%swap3A], %add3A_147 {strides = array<i32>} : memref<8192xi32, #tpu.memory_space<vmem>>, vector<16xi32>,
            %mul3A_153 = arith.constant 512 : i32
            %mul3A_154 = vector.broadcast %mul3A_153 : i32 to vector<16xi32>
            %mul3A_155 = arith.muli %iota3A, %mul3A_154 : vector<16xi32>
            %mul3A_156 = arith.constant 2 : i32
            %mul3A_157 = arith.muli %mul3A_156, %scan3A_140 : i32
            %add3A_158 = vector.broadcast %mul3A_157 : i32 to vector<16xi32>
            %add3A_159 = arith.addi %mul3A_155, %add3A_158 : vector<16xi32>
            %add3A_160 = arith.constant 1 : i32
            %add3A_161 = vector.broadcast %add3A_160 : i32 to vector<16xi32>
            %add3A_162 = arith.addi %add3A_159, %add3A_161 : vector<16xi32>
            %mul3A_163 = arith.constant 2 : i32
            %mul3A_164 = arith.muli %mul3A_163, %scan3A_140 : i32
            %add3A_165 = arith.constant 1 : i32
            %add3A_166 = arith.addi %mul3A_164, %add3A_165 : i32
            %mul3A_167 = arith.constant 16 : i32
            %mul3A_168 = arith.muli %add3A_166, %mul3A_167 : i32
            %swap3A_169 = arith.index_cast %mul3A_168 : i32 to index
            %swap3A_170 = tpu.vector_load %arg7[%swap3A_169] {strides = array<i32>} : memref<8192xi32, #tpu.memory_space<vmem>>, vector<16xi32>,
            tpu.vector_store %arg7[%swap3A_169], %add3A_162 {strides = array<i32>} : memref<8192xi32, #tpu.memory_space<vmem>>, vector<16xi32>,
          }
          %scan3A_31 = arith.constant 256 : i32
          %scan3A_32 = arith.constant 0 : i32
          %scan3A_33 = arith.constant 0 : i32
          %scan3A_34 = arith.constant 64 : i32
          %scan3A_35 = arith.addi %scan3A_33, %scan3A_34 : i32
          %scan3A_36 = arith.constant 1 : i32
          scf.for %scan3A_140 = %scan3A_33 to %scan3A_35 step %scan3A_36  : i32 {
            %broadcast_in_dim3A_141 = arith.constant 0 : i32
            %broadcast_in_dim3A_142 = vector.broadcast %broadcast_in_dim3A_141 : i32 to vector<16xi32>
            %mul3A_143 = arith.constant 4 : i32
            %mul3A_144 = arith.muli %scan3A_140, %mul3A_143 : i32
            %mul3A_145 = arith.constant 16 : i32
            %mul3A_146 = arith.muli %mul3A_144, %mul3A_145 : i32
            %swap3A = arith.index_cast %mul3A_146 : i32 to index
            %swap3A_147 = tpu.vector_load %arg9[%swap3A] {strides = array<i32>} : memref<4096xi32, #tpu.memory_space<vmem>>, vector<16xi32>,
            tpu.vector_store %arg9[%swap3A], %broadcast_in_dim3A_142 {strides = array<i32>} : memref<4096xi32, #tpu.memory_space<vmem>>, vector<16xi32>,
            %broadcast_in_dim3A_148 = arith.constant 0 : i32
            %broadcast_in_dim3A_149 = vector.broadcast %broadcast_in_dim3A_148 : i32 to vector<16xi32>
            %mul3A_150 = arith.constant 4 : i32
            %mul3A_151 = arith.muli %scan3A_140, %mul3A_150 : i32
            %add3A_152 = arith.constant 1 : i32
            %add3A_153 = arith.addi %mul3A_151, %add3A_152 : i32
            %mul3A_154 = arith.constant 16 : i32
            %mul3A_155 = arith.muli %add3A_153, %mul3A_154 : i32
            %swap3A_156 = arith.index_cast %mul3A_155 : i32 to index
            %swap3A_157 = tpu.vector_load %arg9[%swap3A_156] {strides = array<i32>} : memref<4096xi32, #tpu.memory_space<vmem>>, vector<16xi32>,
            tpu.vector_store %arg9[%swap3A_156], %broadcast_in_dim3A_149 {strides = array<i32>} : memref<4096xi32, #tpu.memory_space<vmem>>, vector<16xi32>,
            %broadcast_in_dim3A_158 = arith.constant 0 : i32
            %broadcast_in_dim3A_159 = vector.broadcast %broadcast_in_dim3A_158 : i32 to vector<16xi32>
            %mul3A_160 = arith.constant 4 : i32
            %mul3A_161 = arith.muli %scan3A_140, %mul3A_160 : i32
            %add3A_162 = arith.constant 2 : i32
            %add3A_163 = arith.addi %mul3A_161, %add3A_162 : i32
            %mul3A_164 = arith.constant 16 : i32
            %mul3A_165 = arith.muli %add3A_163, %mul3A_164 : i32
            %swap3A_166 = arith.index_cast %mul3A_165 : i32 to index
            %swap3A_167 = tpu.vector_load %arg9[%swap3A_166] {strides = array<i32>} : memref<4096xi32, #tpu.memory_space<vmem>>, vector<16xi32>,
            tpu.vector_store %arg9[%swap3A_166], %broadcast_in_dim3A_159 {strides = array<i32>} : memref<4096xi32, #tpu.memory_space<vmem>>, vector<16xi32>,
            %broadcast_in_dim3A_168 = arith.constant 0 : i32
            %broadcast_in_dim3A_169 = vector.broadcast %broadcast_in_dim3A_168 : i32 to vector<16xi32>
            %mul3A_170 = arith.constant 4 : i32
            %mul3A_171 = arith.muli %scan3A_140, %mul3A_170 : i32
            %add3A_172 = arith.constant 3 : i32
            %add3A_173 = arith.addi %mul3A_171, %add3A_172 : i32
            %mul3A_174 = arith.constant 16 : i32
            %mul3A_175 = arith.muli %add3A_173, %mul3A_174 : i32
            %swap3A_176 = arith.index_cast %mul3A_175 : i32 to index
            %swap3A_177 = tpu.vector_load %arg9[%swap3A_176] {strides = array<i32>} : memref<4096xi32, #tpu.memory_space<vmem>>, vector<16xi32>,
            tpu.vector_store %arg9[%swap3A_176], %broadcast_in_dim3A_169 {strides = array<i32>} : memref<4096xi32, #tpu.memory_space<vmem>>, vector<16xi32>,
          }
          %scan3A_37 = arith.constant 64 : i32
          %scan3A_38 = arith.constant 0 : i32
          %scan3A_39 = arith.constant 0 : i32
          %scan3A_40 = arith.constant 0 : i32
          %scan3A_41 = arith.constant 256 : i32
          %scan3A_42 = arith.addi %scan3A_40, %scan3A_41 : i32
          %scan3A_43 = arith.constant 1 : i32
          scf.for %scan3A_140 = %scan3A_40 to %scan3A_42 step %scan3A_43  : i32 {
            %mul3A_141 = arith.constant 2 : i32
            %mul3A_142 = arith.muli %mul3A_141, %scan3A_140 : i32
            %mul3A_143 = arith.constant 16 : i32
            %mul3A_144 = arith.muli %mul3A_142, %mul3A_143 : i32
            %get3A_145 = arith.index_cast %mul3A_144 : i32 to index
            %get3A_146 = tpu.vector_load %arg5[%get3A_145] {strides = array<i32>} : memref<8192xi32, #tpu.memory_space<vmem>>, vector<16xi32>,
            %shift_right_logical3A = vector.broadcast %scan3A_39 : i32 to vector<16xi32>
            %shift_right_logical3A_147 = arith.shrui %get3A_146, %shift_right_logical3A : vector<16xi32>
            %and3A = arith.constant 255 : i32
            %and3A_148 = vector.broadcast %and3A : i32 to vector<16xi32>
            %and3A_149 = arith.andi %shift_right_logical3A_147, %and3A_148 : vector<16xi32>
            %mul3A_150 = arith.constant 16 : i32
            %mul3A_151 = vector.broadcast %mul3A_150 : i32 to vector<16xi32>
            %mul3A_152 = arith.muli %and3A_149, %mul3A_151 : vector<16xi32>
            %add3A_153 = arith.addi %mul3A_152, %iota3A : vector<16xi32>
            %gather3A = tpu.vector_load_idx %arg9[%add3A_153] : memref<4096xi32, #tpu.memory_space<vmem>>[vector<16xi32>], vector<16xi32>,
            %add3A_154 = arith.constant 1 : i32
            %add3A_155 = vector.broadcast %add3A_154 : i32 to vector<16xi32>
            %add3A_156 = arith.addi %gather3A, %add3A_155 : vector<16xi32>
            tpu.vector_store_idx %arg9[%add3A_153], %add3A_156 : memref<4096xi32, #tpu.memory_space<vmem>>[vector<16xi32>], vector<16xi32>,
            %mul3A_157 = arith.constant 16 : i32
            %mul3A_158 = arith.muli %mul3A_142, %mul3A_157 : i32
            %swap3A = arith.index_cast %mul3A_158 : i32 to index
            %swap3A_159 = tpu.vector_load %arg10[%swap3A] {strides = array<i32>} : memref<8192xi32, #tpu.memory_space<vmem>>, vector<16xi32>,
            tpu.vector_store %arg10[%swap3A], %gather3A {strides = array<i32>} : memref<8192xi32, #tpu.memory_space<vmem>>, vector<16xi32>,
            %mul3A_160 = arith.constant 2 : i32
            %mul3A_161 = arith.muli %mul3A_160, %scan3A_140 : i32
            %add3A_162 = arith.constant 1 : i32
            %add3A_163 = arith.addi %mul3A_161, %add3A_162 : i32
            %mul3A_164 = arith.constant 16 : i32
            %mul3A_165 = arith.muli %add3A_163, %mul3A_164 : i32
            %get3A_166 = arith.index_cast %mul3A_165 : i32 to index
            %get3A_167 = tpu.vector_load %arg5[%get3A_166] {strides = array<i32>} : memref<8192xi32, #tpu.memory_space<vmem>>, vector<16xi32>,
            %shift_right_logical3A_168 = vector.broadcast %scan3A_39 : i32 to vector<16xi32>
            %shift_right_logical3A_169 = arith.shrui %get3A_167, %shift_right_logical3A_168 : vector<16xi32>
            %and3A_170 = arith.constant 255 : i32
            %and3A_171 = vector.broadcast %and3A_170 : i32 to vector<16xi32>
            %and3A_172 = arith.andi %shift_right_logical3A_169, %and3A_171 : vector<16xi32>
            %mul3A_173 = arith.constant 16 : i32
            %mul3A_174 = vector.broadcast %mul3A_173 : i32 to vector<16xi32>
            %mul3A_175 = arith.muli %and3A_172, %mul3A_174 : vector<16xi32>
            %add3A_176 = arith.addi %mul3A_175, %iota3A : vector<16xi32>
            %gather3A_177 = tpu.vector_load_idx %arg9[%add3A_176] : memref<4096xi32, #tpu.memory_space<vmem>>[vector<16xi32>], vector<16xi32>,
            %add3A_178 = arith.constant 1 : i32
            %add3A_179 = vector.broadcast %add3A_178 : i32 to vector<16xi32>
            %add3A_180 = arith.addi %gather3A_177, %add3A_179 : vector<16xi32>
            tpu.vector_store_idx %arg9[%add3A_176], %add3A_180 : memref<4096xi32, #tpu.memory_space<vmem>>[vector<16xi32>], vector<16xi32>,
            %mul3A_181 = arith.constant 16 : i32
            %mul3A_182 = arith.muli %add3A_163, %mul3A_181 : i32
            %swap3A_183 = arith.index_cast %mul3A_182 : i32 to index
            %swap3A_184 = tpu.vector_load %arg10[%swap3A_183] {strides = array<i32>} : memref<8192xi32, #tpu.memory_space<vmem>>, vector<16xi32>,
            tpu.vector_store %arg10[%swap3A_183], %gather3A_177 {strides = array<i32>} : memref<8192xi32, #tpu.memory_space<vmem>>, vector<16xi32>,
          }
          %scan3A_44 = arith.constant 256 : i32
          %scan3A_45 = arith.constant 0 : i32
          %scan3A_46 = arith.constant 0 : i32
          %scan3A_47 = arith.constant 256 : i32
          %scan3A_48 = arith.addi %scan3A_46, %scan3A_47 : i32
          %scan3A_49 = arith.constant 1 : i32
          %scan3A_50 = scf.for %scan3A_140 = %scan3A_46 to %scan3A_48 step %scan3A_49 iter_args(%scan3A_141 = %scan3A_45) -> (i32)  : i32 {
            %mul3A_142 = arith.constant 16 : i32
            %mul3A_143 = arith.muli %scan3A_140, %mul3A_142 : i32
            %get3A_144 = arith.index_cast %mul3A_143 : i32 to index
            %get3A_145 = tpu.vector_load %arg9[%get3A_144] {strides = array<i32>} : memref<4096xi32, #tpu.memory_space<vmem>>, vector<16xi32>,
            %broadcast_in_dim3A_146 = arith.constant true
            %broadcast_in_dim3A_147 = vector.broadcast %broadcast_in_dim3A_146 : i1 to vector<16xi1>
            %masked_cumsum3A = tpu.scan <sum>, %get3A_145 masked %broadcast_in_dim3A_147 : vector<16xi32>, vector<16xi1> -> vector<16xi32>
            %sub3A = arith.subi %masked_cumsum3A, %get3A_145 : vector<16xi32>
            %add3A_148 = vector.broadcast %scan3A_141 : i32 to vector<16xi32>
            %add3A_149 = arith.addi %sub3A, %add3A_148 : vector<16xi32>
            %mul3A_150 = arith.constant 16 : i32
            %mul3A_151 = arith.muli %scan3A_140, %mul3A_150 : i32
            %swap3A = arith.index_cast %mul3A_151 : i32 to index
            %swap3A_152 = tpu.vector_load %arg9[%swap3A] {strides = array<i32>} : memref<4096xi32, #tpu.memory_space<vmem>>, vector<16xi32>,
            tpu.vector_store %arg9[%swap3A], %add3A_149 {strides = array<i32>} : memref<4096xi32, #tpu.memory_space<vmem>>, vector<16xi32>,
            %reduce_sum3A_153 = arith.constant true
            %reduce_sum3A_154 = vector.broadcast %reduce_sum3A_153 : i1 to vector<16xi1>
            %reduce_sum3A_155 = tpu.scan <sum>, %get3A_145 masked %reduce_sum3A_154 : vector<16xi32>, vector<16xi1> -> vector<16xi32>
            %reduce_sum3A_156 = vector.extract %reduce_sum3A_155[15] : i32 from vector<16xi32>
            %add3A_157 = arith.addi %scan3A_141, %reduce_sum3A_156 : i32
            scf.yield %add3A_157 : i32
          }
          %scan3A_51 = arith.constant 256 : i32
          %scan3A_52 = arith.constant 0 : i32
          %scan3A_53 = arith.constant 0 : i32
          %scan3A_54 = arith.constant 0 : i32
          %scan3A_55 = arith.constant 256 : i32
          %scan3A_56 = arith.addi %scan3A_54, %scan3A_55 : i32
          %scan3A_57 = arith.constant 1 : i32
          scf.for %scan3A_140 = %scan3A_54 to %scan3A_56 step %scan3A_57  : i32 {
            %mul3A_141 = arith.constant 2 : i32
            %mul3A_142 = arith.muli %mul3A_141, %scan3A_140 : i32
            %mul3A_143 = arith.constant 16 : i32
            %mul3A_144 = arith.muli %mul3A_142, %mul3A_143 : i32
            %get3A_145 = arith.index_cast %mul3A_144 : i32 to index
            %get3A_146 = tpu.vector_load %arg5[%get3A_145] {strides = array<i32>} : memref<8192xi32, #tpu.memory_space<vmem>>, vector<16xi32>,
            %mul3A_147 = arith.constant 16 : i32
            %mul3A_148 = arith.muli %mul3A_142, %mul3A_147 : i32
            %get3A_149 = arith.index_cast %mul3A_148 : i32 to index
            %get3A_150 = tpu.vector_load %arg7[%get3A_149] {strides = array<i32>} : memref<8192xi32, #tpu.memory_space<vmem>>, vector<16xi32>,
            %shift_right_logical3A = vector.broadcast %scan3A_53 : i32 to vector<16xi32>
            %shift_right_logical3A_151 = arith.shrui %get3A_146, %shift_right_logical3A : vector<16xi32>
            %and3A = arith.constant 255 : i32
            %and3A_152 = vector.broadcast %and3A : i32 to vector<16xi32>
            %and3A_153 = arith.andi %shift_right_logical3A_151, %and3A_152 : vector<16xi32>
            %mul3A_154 = arith.constant 16 : i32
            %mul3A_155 = vector.broadcast %mul3A_154 : i32 to vector<16xi32>
            %mul3A_156 = arith.muli %and3A_153, %mul3A_155 : vector<16xi32>
            %add3A_157 = arith.addi %mul3A_156, %iota3A : vector<16xi32>
            %gather3A = tpu.vector_load_idx %arg9[%add3A_157] : memref<4096xi32, #tpu.memory_space<vmem>>[vector<16xi32>], vector<16xi32>,
            %mul3A_158 = arith.constant 16 : i32
            %mul3A_159 = arith.muli %mul3A_142, %mul3A_158 : i32
            %get3A_160 = arith.index_cast %mul3A_159 : i32 to index
            %get3A_161 = tpu.vector_load %arg10[%get3A_160] {strides = array<i32>} : memref<8192xi32, #tpu.memory_space<vmem>>, vector<16xi32>,
            %add3A_162 = arith.addi %gather3A, %get3A_161 : vector<16xi32>
            %and3A_163 = arith.constant 511 : i32
            %and3A_164 = vector.broadcast %and3A_163 : i32 to vector<16xi32>
            %and3A_165 = arith.andi %add3A_162, %and3A_164 : vector<16xi32>
            %mul3A_166 = arith.constant 16 : i32
            %mul3A_167 = vector.broadcast %mul3A_166 : i32 to vector<16xi32>
            %mul3A_168 = arith.muli %and3A_165, %mul3A_167 : vector<16xi32>
            %shift_right_logical3A_169 = arith.constant 9 : i32
            %shift_right_logical3A_170 = vector.broadcast %shift_right_logical3A_169 : i32 to vector<16xi32>
            %shift_right_logical3A_171 = arith.shrui %add3A_162, %shift_right_logical3A_170 : vector<16xi32>
            %add3A_172 = arith.addi %mul3A_168, %shift_right_logical3A_171 : vector<16xi32>
            tpu.vector_store_idx %arg6[%add3A_172], %get3A_146 : memref<8192xi32, #tpu.memory_space<vmem>>[vector<16xi32>], vector<16xi32>,
            tpu.vector_store_idx %arg8[%add3A_172], %get3A_150 : memref<8192xi32, #tpu.memory_space<vmem>>[vector<16xi32>], vector<16xi32>,
            %mul3A_173 = arith.constant 2 : i32
            %mul3A_174 = arith.muli %mul3A_173, %scan3A_140 : i32
            %add3A_175 = arith.constant 1 : i32
            %add3A_176 = arith.addi %mul3A_174, %add3A_175 : i32
            %mul3A_177 = arith.constant 16 : i32
            %mul3A_178 = arith.muli %add3A_176, %mul3A_177 : i32
            %get3A_179 = arith.index_cast %mul3A_178 : i32 to index
            %get3A_180 = tpu.vector_load %arg5[%get3A_179] {strides = array<i32>} : memref<8192xi32, #tpu.memory_space<vmem>>, vector<16xi32>,
            %mul3A_181 = arith.constant 16 : i32
            %mul3A_182 = arith.muli %add3A_176, %mul3A_181 : i32
            %get3A_183 = arith.index_cast %mul3A_182 : i32 to index
            %get3A_184 = tpu.vector_load %arg7[%get3A_183] {strides = array<i32>} : memref<8192xi32, #tpu.memory_space<vmem>>, vector<16xi32>,
            %shift_right_logical3A_185 = vector.broadcast %scan3A_53 : i32 to vector<16xi32>
            %shift_right_logical3A_186 = arith.shrui %get3A_180, %shift_right_logical3A_185 : vector<16xi32>
            %and3A_187 = arith.constant 255 : i32
            %and3A_188 = vector.broadcast %and3A_187 : i32 to vector<16xi32>
            %and3A_189 = arith.andi %shift_right_logical3A_186, %and3A_188 : vector<16xi32>
            %mul3A_190 = arith.constant 16 : i32
            %mul3A_191 = vector.broadcast %mul3A_190 : i32 to vector<16xi32>
            %mul3A_192 = arith.muli %and3A_189, %mul3A_191 : vector<16xi32>
            %add3A_193 = arith.addi %mul3A_192, %iota3A : vector<16xi32>
            %gather3A_194 = tpu.vector_load_idx %arg9[%add3A_193] : memref<4096xi32, #tpu.memory_space<vmem>>[vector<16xi32>], vector<16xi32>,
            %mul3A_195 = arith.constant 16 : i32
            %mul3A_196 = arith.muli %add3A_176, %mul3A_195 : i32
            %get3A_197 = arith.index_cast %mul3A_196 : i32 to index
            %get3A_198 = tpu.vector_load %arg10[%get3A_197] {strides = array<i32>} : memref<8192xi32, #tpu.memory_space<vmem>>, vector<16xi32>,
            %add3A_199 = arith.addi %gather3A_194, %get3A_198 : vector<16xi32>
            %and3A_200 = arith.constant 511 : i32
            %and3A_201 = vector.broadcast %and3A_200 : i32 to vector<16xi32>
            %and3A_202 = arith.andi %add3A_199, %and3A_201 : vector<16xi32>
            %mul3A_203 = arith.constant 16 : i32
            %mul3A_204 = vector.broadcast %mul3A_203 : i32 to vector<16xi32>
            %mul3A_205 = arith.muli %and3A_202, %mul3A_204 : vector<16xi32>
            %shift_right_logical3A_206 = arith.constant 9 : i32
            %shift_right_logical3A_207 = vector.broadcast %shift_right_logical3A_206 : i32 to vector<16xi32>
            %shift_right_logical3A_208 = arith.shrui %add3A_199, %shift_right_logical3A_207 : vector<16xi32>
            %add3A_209 = arith.addi %mul3A_205, %shift_right_logical3A_208 : vector<16xi32>
            tpu.vector_store_idx %arg6[%add3A_209], %get3A_180 : memref<8192xi32, #tpu.memory_space<vmem>>[vector<16xi32>], vector<16xi32>,
            tpu.vector_store_idx %arg8[%add3A_209], %get3A_184 : memref<8192xi32, #tpu.memory_space<vmem>>[vector<16xi32>], vector<16xi32>,
          }
          %scan3A_58 = arith.constant 256 : i32
          %scan3A_59 = arith.constant 0 : i32
          %scan3A_60 = arith.constant 0 : i32
          %scan3A_61 = arith.constant 64 : i32
          %scan3A_62 = arith.addi %scan3A_60, %scan3A_61 : i32
          %scan3A_63 = arith.constant 1 : i32
          scf.for %scan3A_140 = %scan3A_60 to %scan3A_62 step %scan3A_63  : i32 {
            %broadcast_in_dim3A_141 = arith.constant 0 : i32
            %broadcast_in_dim3A_142 = vector.broadcast %broadcast_in_dim3A_141 : i32 to vector<16xi32>
            %mul3A_143 = arith.constant 4 : i32
            %mul3A_144 = arith.muli %scan3A_140, %mul3A_143 : i32
            %mul3A_145 = arith.constant 16 : i32
            %mul3A_146 = arith.muli %mul3A_144, %mul3A_145 : i32
            %swap3A = arith.index_cast %mul3A_146 : i32 to index
            %swap3A_147 = tpu.vector_load %arg9[%swap3A] {strides = array<i32>} : memref<4096xi32, #tpu.memory_space<vmem>>, vector<16xi32>,
            tpu.vector_store %arg9[%swap3A], %broadcast_in_dim3A_142 {strides = array<i32>} : memref<4096xi32, #tpu.memory_space<vmem>>, vector<16xi32>,
            %broadcast_in_dim3A_148 = arith.constant 0 : i32
            %broadcast_in_dim3A_149 = vector.broadcast %broadcast_in_dim3A_148 : i32 to vector<16xi32>
            %mul3A_150 = arith.constant 4 : i32
            %mul3A_151 = arith.muli %scan3A_140, %mul3A_150 : i32
            %add3A_152 = arith.constant 1 : i32
            %add3A_153 = arith.addi %mul3A_151, %add3A_152 : i32
            %mul3A_154 = arith.constant 16 : i32
            %mul3A_155 = arith.muli %add3A_153, %mul3A_154 : i32
            %swap3A_156 = arith.index_cast %mul3A_155 : i32 to index
            %swap3A_157 = tpu.vector_load %arg9[%swap3A_156] {strides = array<i32>} : memref<4096xi32, #tpu.memory_space<vmem>>, vector<16xi32>,
            tpu.vector_store %arg9[%swap3A_156], %broadcast_in_dim3A_149 {strides = array<i32>} : memref<4096xi32, #tpu.memory_space<vmem>>, vector<16xi32>,
            %broadcast_in_dim3A_158 = arith.constant 0 : i32
            %broadcast_in_dim3A_159 = vector.broadcast %broadcast_in_dim3A_158 : i32 to vector<16xi32>
            %mul3A_160 = arith.constant 4 : i32
            %mul3A_161 = arith.muli %scan3A_140, %mul3A_160 : i32
            %add3A_162 = arith.constant 2 : i32
            %add3A_163 = arith.addi %mul3A_161, %add3A_162 : i32
            %mul3A_164 = arith.constant 16 : i32
            %mul3A_165 = arith.muli %add3A_163, %mul3A_164 : i32
            %swap3A_166 = arith.index_cast %mul3A_165 : i32 to index
            %swap3A_167 = tpu.vector_load %arg9[%swap3A_166] {strides = array<i32>} : memref<4096xi32, #tpu.memory_space<vmem>>, vector<16xi32>,
            tpu.vector_store %arg9[%swap3A_166], %broadcast_in_dim3A_159 {strides = array<i32>} : memref<4096xi32, #tpu.memory_space<vmem>>, vector<16xi32>,
            %broadcast_in_dim3A_168 = arith.constant 0 : i32
            %broadcast_in_dim3A_169 = vector.broadcast %broadcast_in_dim3A_168 : i32 to vector<16xi32>
            %mul3A_170 = arith.constant 4 : i32
            %mul3A_171 = arith.muli %scan3A_140, %mul3A_170 : i32
            %add3A_172 = arith.constant 3 : i32
            %add3A_173 = arith.addi %mul3A_171, %add3A_172 : i32
            %mul3A_174 = arith.constant 16 : i32
            %mul3A_175 = arith.muli %add3A_173, %mul3A_174 : i32
            %swap3A_176 = arith.index_cast %mul3A_175 : i32 to index
            %swap3A_177 = tpu.vector_load %arg9[%swap3A_176] {strides = array<i32>} : memref<4096xi32, #tpu.memory_space<vmem>>, vector<16xi32>,
            tpu.vector_store %arg9[%swap3A_176], %broadcast_in_dim3A_169 {strides = array<i32>} : memref<4096xi32, #tpu.memory_space<vmem>>, vector<16xi32>,
          }
          %scan3A_64 = arith.constant 64 : i32
          %scan3A_65 = arith.constant 0 : i32
          %scan3A_66 = arith.constant 8 : i32
          %scan3A_67 = arith.constant 0 : i32
          %scan3A_68 = arith.constant 256 : i32
          %scan3A_69 = arith.addi %scan3A_67, %scan3A_68 : i32
          %scan3A_70 = arith.constant 1 : i32
          scf.for %scan3A_140 = %scan3A_67 to %scan3A_69 step %scan3A_70  : i32 {
            %mul3A_141 = arith.constant 2 : i32
            %mul3A_142 = arith.muli %mul3A_141, %scan3A_140 : i32
            %mul3A_143 = arith.constant 16 : i32
            %mul3A_144 = arith.muli %mul3A_142, %mul3A_143 : i32
            %get3A_145 = arith.index_cast %mul3A_144 : i32 to index
            %get3A_146 = tpu.vector_load %arg6[%get3A_145] {strides = array<i32>} : memref<8192xi32, #tpu.memory_space<vmem>>, vector<16xi32>,
            %shift_right_logical3A = vector.broadcast %scan3A_66 : i32 to vector<16xi32>
            %shift_right_logical3A_147 = arith.shrui %get3A_146, %shift_right_logical3A : vector<16xi32>
            %and3A = arith.constant 255 : i32
            %and3A_148 = vector.broadcast %and3A : i32 to vector<16xi32>
            %and3A_149 = arith.andi %shift_right_logical3A_147, %and3A_148 : vector<16xi32>
            %mul3A_150 = arith.constant 16 : i32
            %mul3A_151 = vector.broadcast %mul3A_150 : i32 to vector<16xi32>
            %mul3A_152 = arith.muli %and3A_149, %mul3A_151 : vector<16xi32>
            %add3A_153 = arith.addi %mul3A_152, %iota3A : vector<16xi32>
            %gather3A = tpu.vector_load_idx %arg9[%add3A_153] : memref<4096xi32, #tpu.memory_space<vmem>>[vector<16xi32>], vector<16xi32>,
            %add3A_154 = arith.constant 1 : i32
            %add3A_155 = vector.broadcast %add3A_154 : i32 to vector<16xi32>
            %add3A_156 = arith.addi %gather3A, %add3A_155 : vector<16xi32>
            tpu.vector_store_idx %arg9[%add3A_153], %add3A_156 : memref<4096xi32, #tpu.memory_space<vmem>>[vector<16xi32>], vector<16xi32>,
            %mul3A_157 = arith.constant 16 : i32
            %mul3A_158 = arith.muli %mul3A_142, %mul3A_157 : i32
            %swap3A = arith.index_cast %mul3A_158 : i32 to index
            %swap3A_159 = tpu.vector_load %arg10[%swap3A] {strides = array<i32>} : memref<8192xi32, #tpu.memory_space<vmem>>, vector<16xi32>,
            tpu.vector_store %arg10[%swap3A], %gather3A {strides = array<i32>} : memref<8192xi32, #tpu.memory_space<vmem>>, vector<16xi32>,
            %mul3A_160 = arith.constant 2 : i32
            %mul3A_161 = arith.muli %mul3A_160, %scan3A_140 : i32
            %add3A_162 = arith.constant 1 : i32
            %add3A_163 = arith.addi %mul3A_161, %add3A_162 : i32
            %mul3A_164 = arith.constant 16 : i32
            %mul3A_165 = arith.muli %add3A_163, %mul3A_164 : i32
            %get3A_166 = arith.index_cast %mul3A_165 : i32 to index
            %get3A_167 = tpu.vector_load %arg6[%get3A_166] {strides = array<i32>} : memref<8192xi32, #tpu.memory_space<vmem>>, vector<16xi32>,
            %shift_right_logical3A_168 = vector.broadcast %scan3A_66 : i32 to vector<16xi32>
            %shift_right_logical3A_169 = arith.shrui %get3A_167, %shift_right_logical3A_168 : vector<16xi32>
            %and3A_170 = arith.constant 255 : i32
            %and3A_171 = vector.broadcast %and3A_170 : i32 to vector<16xi32>
            %and3A_172 = arith.andi %shift_right_logical3A_169, %and3A_171 : vector<16xi32>
            %mul3A_173 = arith.constant 16 : i32
            %mul3A_174 = vector.broadcast %mul3A_173 : i32 to vector<16xi32>
            %mul3A_175 = arith.muli %and3A_172, %mul3A_174 : vector<16xi32>
            %add3A_176 = arith.addi %mul3A_175, %iota3A : vector<16xi32>
            %gather3A_177 = tpu.vector_load_idx %arg9[%add3A_176] : memref<4096xi32, #tpu.memory_space<vmem>>[vector<16xi32>], vector<16xi32>,
            %add3A_178 = arith.constant 1 : i32
            %add3A_179 = vector.broadcast %add3A_178 : i32 to vector<16xi32>
            %add3A_180 = arith.addi %gather3A_177, %add3A_179 : vector<16xi32>
            tpu.vector_store_idx %arg9[%add3A_176], %add3A_180 : memref<4096xi32, #tpu.memory_space<vmem>>[vector<16xi32>], vector<16xi32>,
            %mul3A_181 = arith.constant 16 : i32
            %mul3A_182 = arith.muli %add3A_163, %mul3A_181 : i32
            %swap3A_183 = arith.index_cast %mul3A_182 : i32 to index
            %swap3A_184 = tpu.vector_load %arg10[%swap3A_183] {strides = array<i32>} : memref<8192xi32, #tpu.memory_space<vmem>>, vector<16xi32>,
            tpu.vector_store %arg10[%swap3A_183], %gather3A_177 {strides = array<i32>} : memref<8192xi32, #tpu.memory_space<vmem>>, vector<16xi32>,
          }
          %scan3A_71 = arith.constant 256 : i32
          %scan3A_72 = arith.constant 0 : i32
          %scan3A_73 = arith.constant 0 : i32
          %scan3A_74 = arith.constant 256 : i32
          %scan3A_75 = arith.addi %scan3A_73, %scan3A_74 : i32
          %scan3A_76 = arith.constant 1 : i32
          %scan3A_77 = scf.for %scan3A_140 = %scan3A_73 to %scan3A_75 step %scan3A_76 iter_args(%scan3A_141 = %scan3A_72) -> (i32)  : i32 {
            %mul3A_142 = arith.constant 16 : i32
            %mul3A_143 = arith.muli %scan3A_140, %mul3A_142 : i32
            %get3A_144 = arith.index_cast %mul3A_143 : i32 to index
            %get3A_145 = tpu.vector_load %arg9[%get3A_144] {strides = array<i32>} : memref<4096xi32, #tpu.memory_space<vmem>>, vector<16xi32>,
            %broadcast_in_dim3A_146 = arith.constant true
            %broadcast_in_dim3A_147 = vector.broadcast %broadcast_in_dim3A_146 : i1 to vector<16xi1>
            %masked_cumsum3A = tpu.scan <sum>, %get3A_145 masked %broadcast_in_dim3A_147 : vector<16xi32>, vector<16xi1> -> vector<16xi32>
            %sub3A = arith.subi %masked_cumsum3A, %get3A_145 : vector<16xi32>
            %add3A_148 = vector.broadcast %scan3A_141 : i32 to vector<16xi32>
            %add3A_149 = arith.addi %sub3A, %add3A_148 : vector<16xi32>
            %mul3A_150 = arith.constant 16 : i32
            %mul3A_151 = arith.muli %scan3A_140, %mul3A_150 : i32
            %swap3A = arith.index_cast %mul3A_151 : i32 to index
            %swap3A_152 = tpu.vector_load %arg9[%swap3A] {strides = array<i32>} : memref<4096xi32, #tpu.memory_space<vmem>>, vector<16xi32>,
            tpu.vector_store %arg9[%swap3A], %add3A_149 {strides = array<i32>} : memref<4096xi32, #tpu.memory_space<vmem>>, vector<16xi32>,
            %reduce_sum3A_153 = arith.constant true
            %reduce_sum3A_154 = vector.broadcast %reduce_sum3A_153 : i1 to vector<16xi1>
            %reduce_sum3A_155 = tpu.scan <sum>, %get3A_145 masked %reduce_sum3A_154 : vector<16xi32>, vector<16xi1> -> vector<16xi32>
            %reduce_sum3A_156 = vector.extract %reduce_sum3A_155[15] : i32 from vector<16xi32>
            %add3A_157 = arith.addi %scan3A_141, %reduce_sum3A_156 : i32
            scf.yield %add3A_157 : i32
          }
          %scan3A_78 = arith.constant 256 : i32
          %scan3A_79 = arith.constant 0 : i32
          %scan3A_80 = arith.constant 8 : i32
          %scan3A_81 = arith.constant 0 : i32
          %scan3A_82 = arith.constant 256 : i32
          %scan3A_83 = arith.addi %scan3A_81, %scan3A_82 : i32
          %scan3A_84 = arith.constant 1 : i32
          scf.for %scan3A_140 = %scan3A_81 to %scan3A_83 step %scan3A_84  : i32 {
            %mul3A_141 = arith.constant 2 : i32
            %mul3A_142 = arith.muli %mul3A_141, %scan3A_140 : i32
            %mul3A_143 = arith.constant 16 : i32
            %mul3A_144 = arith.muli %mul3A_142, %mul3A_143 : i32
            %get3A_145 = arith.index_cast %mul3A_144 : i32 to index
            %get3A_146 = tpu.vector_load %arg6[%get3A_145] {strides = array<i32>} : memref<8192xi32, #tpu.memory_space<vmem>>, vector<16xi32>,
            %mul3A_147 = arith.constant 16 : i32
            %mul3A_148 = arith.muli %mul3A_142, %mul3A_147 : i32
            %get3A_149 = arith.index_cast %mul3A_148 : i32 to index
            %get3A_150 = tpu.vector_load %arg8[%get3A_149] {strides = array<i32>} : memref<8192xi32, #tpu.memory_space<vmem>>, vector<16xi32>,
            %shift_right_logical3A = vector.broadcast %scan3A_80 : i32 to vector<16xi32>
            %shift_right_logical3A_151 = arith.shrui %get3A_146, %shift_right_logical3A : vector<16xi32>
            %and3A = arith.constant 255 : i32
            %and3A_152 = vector.broadcast %and3A : i32 to vector<16xi32>
            %and3A_153 = arith.andi %shift_right_logical3A_151, %and3A_152 : vector<16xi32>
            %mul3A_154 = arith.constant 16 : i32
            %mul3A_155 = vector.broadcast %mul3A_154 : i32 to vector<16xi32>
            %mul3A_156 = arith.muli %and3A_153, %mul3A_155 : vector<16xi32>
            %add3A_157 = arith.addi %mul3A_156, %iota3A : vector<16xi32>
            %gather3A = tpu.vector_load_idx %arg9[%add3A_157] : memref<4096xi32, #tpu.memory_space<vmem>>[vector<16xi32>], vector<16xi32>,
            %mul3A_158 = arith.constant 16 : i32
            %mul3A_159 = arith.muli %mul3A_142, %mul3A_158 : i32
            %get3A_160 = arith.index_cast %mul3A_159 : i32 to index
            %get3A_161 = tpu.vector_load %arg10[%get3A_160] {strides = array<i32>} : memref<8192xi32, #tpu.memory_space<vmem>>, vector<16xi32>,
            %add3A_162 = arith.addi %gather3A, %get3A_161 : vector<16xi32>
            %and3A_163 = arith.constant 511 : i32
            %and3A_164 = vector.broadcast %and3A_163 : i32 to vector<16xi32>
            %and3A_165 = arith.andi %add3A_162, %and3A_164 : vector<16xi32>
            %mul3A_166 = arith.constant 16 : i32
            %mul3A_167 = vector.broadcast %mul3A_166 : i32 to vector<16xi32>
            %mul3A_168 = arith.muli %and3A_165, %mul3A_167 : vector<16xi32>
            %shift_right_logical3A_169 = arith.constant 9 : i32
            %shift_right_logical3A_170 = vector.broadcast %shift_right_logical3A_169 : i32 to vector<16xi32>
            %shift_right_logical3A_171 = arith.shrui %add3A_162, %shift_right_logical3A_170 : vector<16xi32>
            %add3A_172 = arith.addi %mul3A_168, %shift_right_logical3A_171 : vector<16xi32>
            tpu.vector_store_idx %arg5[%add3A_172], %get3A_146 : memref<8192xi32, #tpu.memory_space<vmem>>[vector<16xi32>], vector<16xi32>,
            tpu.vector_store_idx %arg7[%add3A_172], %get3A_150 : memref<8192xi32, #tpu.memory_space<vmem>>[vector<16xi32>], vector<16xi32>,
            %mul3A_173 = arith.constant 2 : i32
            %mul3A_174 = arith.muli %mul3A_173, %scan3A_140 : i32
            %add3A_175 = arith.constant 1 : i32
            %add3A_176 = arith.addi %mul3A_174, %add3A_175 : i32
            %mul3A_177 = arith.constant 16 : i32
            %mul3A_178 = arith.muli %add3A_176, %mul3A_177 : i32
            %get3A_179 = arith.index_cast %mul3A_178 : i32 to index
            %get3A_180 = tpu.vector_load %arg6[%get3A_179] {strides = array<i32>} : memref<8192xi32, #tpu.memory_space<vmem>>, vector<16xi32>,
            %mul3A_181 = arith.constant 16 : i32
            %mul3A_182 = arith.muli %add3A_176, %mul3A_181 : i32
            %get3A_183 = arith.index_cast %mul3A_182 : i32 to index
            %get3A_184 = tpu.vector_load %arg8[%get3A_183] {strides = array<i32>} : memref<8192xi32, #tpu.memory_space<vmem>>, vector<16xi32>,
            %shift_right_logical3A_185 = vector.broadcast %scan3A_80 : i32 to vector<16xi32>
            %shift_right_logical3A_186 = arith.shrui %get3A_180, %shift_right_logical3A_185 : vector<16xi32>
            %and3A_187 = arith.constant 255 : i32
            %and3A_188 = vector.broadcast %and3A_187 : i32 to vector<16xi32>
            %and3A_189 = arith.andi %shift_right_logical3A_186, %and3A_188 : vector<16xi32>
            %mul3A_190 = arith.constant 16 : i32
            %mul3A_191 = vector.broadcast %mul3A_190 : i32 to vector<16xi32>
            %mul3A_192 = arith.muli %and3A_189, %mul3A_191 : vector<16xi32>
            %add3A_193 = arith.addi %mul3A_192, %iota3A : vector<16xi32>
            %gather3A_194 = tpu.vector_load_idx %arg9[%add3A_193] : memref<4096xi32, #tpu.memory_space<vmem>>[vector<16xi32>], vector<16xi32>,
            %mul3A_195 = arith.constant 16 : i32
            %mul3A_196 = arith.muli %add3A_176, %mul3A_195 : i32
            %get3A_197 = arith.index_cast %mul3A_196 : i32 to index
            %get3A_198 = tpu.vector_load %arg10[%get3A_197] {strides = array<i32>} : memref<8192xi32, #tpu.memory_space<vmem>>, vector<16xi32>,
            %add3A_199 = arith.addi %gather3A_194, %get3A_198 : vector<16xi32>
            %and3A_200 = arith.constant 511 : i32
            %and3A_201 = vector.broadcast %and3A_200 : i32 to vector<16xi32>
            %and3A_202 = arith.andi %add3A_199, %and3A_201 : vector<16xi32>
            %mul3A_203 = arith.constant 16 : i32
            %mul3A_204 = vector.broadcast %mul3A_203 : i32 to vector<16xi32>
            %mul3A_205 = arith.muli %and3A_202, %mul3A_204 : vector<16xi32>
            %shift_right_logical3A_206 = arith.constant 9 : i32
            %shift_right_logical3A_207 = vector.broadcast %shift_right_logical3A_206 : i32 to vector<16xi32>
            %shift_right_logical3A_208 = arith.shrui %add3A_199, %shift_right_logical3A_207 : vector<16xi32>
            %add3A_209 = arith.addi %mul3A_205, %shift_right_logical3A_208 : vector<16xi32>
            tpu.vector_store_idx %arg5[%add3A_209], %get3A_180 : memref<8192xi32, #tpu.memory_space<vmem>>[vector<16xi32>], vector<16xi32>,
            tpu.vector_store_idx %arg7[%add3A_209], %get3A_184 : memref<8192xi32, #tpu.memory_space<vmem>>[vector<16xi32>], vector<16xi32>,
          }
          %scan3A_85 = arith.constant 256 : i32
          %scan3A_86 = arith.constant 0 : i32
          %scan3A_87 = arith.constant 0 : i32
          %scan3A_88 = arith.constant 64 : i32
          %scan3A_89 = arith.addi %scan3A_87, %scan3A_88 : i32
          %scan3A_90 = arith.constant 1 : i32
          scf.for %scan3A_140 = %scan3A_87 to %scan3A_89 step %scan3A_90  : i32 {
            %broadcast_in_dim3A_141 = arith.constant 0 : i32
            %broadcast_in_dim3A_142 = vector.broadcast %broadcast_in_dim3A_141 : i32 to vector<16xi32>
            %mul3A_143 = arith.constant 4 : i32
            %mul3A_144 = arith.muli %scan3A_140, %mul3A_143 : i32
            %mul3A_145 = arith.constant 16 : i32
            %mul3A_146 = arith.muli %mul3A_144, %mul3A_145 : i32
            %swap3A = arith.index_cast %mul3A_146 : i32 to index
            %swap3A_147 = tpu.vector_load %arg9[%swap3A] {strides = array<i32>} : memref<4096xi32, #tpu.memory_space<vmem>>, vector<16xi32>,
            tpu.vector_store %arg9[%swap3A], %broadcast_in_dim3A_142 {strides = array<i32>} : memref<4096xi32, #tpu.memory_space<vmem>>, vector<16xi32>,
            %broadcast_in_dim3A_148 = arith.constant 0 : i32
            %broadcast_in_dim3A_149 = vector.broadcast %broadcast_in_dim3A_148 : i32 to vector<16xi32>
            %mul3A_150 = arith.constant 4 : i32
            %mul3A_151 = arith.muli %scan3A_140, %mul3A_150 : i32
            %add3A_152 = arith.constant 1 : i32
            %add3A_153 = arith.addi %mul3A_151, %add3A_152 : i32
            %mul3A_154 = arith.constant 16 : i32
            %mul3A_155 = arith.muli %add3A_153, %mul3A_154 : i32
            %swap3A_156 = arith.index_cast %mul3A_155 : i32 to index
            %swap3A_157 = tpu.vector_load %arg9[%swap3A_156] {strides = array<i32>} : memref<4096xi32, #tpu.memory_space<vmem>>, vector<16xi32>,
            tpu.vector_store %arg9[%swap3A_156], %broadcast_in_dim3A_149 {strides = array<i32>} : memref<4096xi32, #tpu.memory_space<vmem>>, vector<16xi32>,
            %broadcast_in_dim3A_158 = arith.constant 0 : i32
            %broadcast_in_dim3A_159 = vector.broadcast %broadcast_in_dim3A_158 : i32 to vector<16xi32>
            %mul3A_160 = arith.constant 4 : i32
            %mul3A_161 = arith.muli %scan3A_140, %mul3A_160 : i32
            %add3A_162 = arith.constant 2 : i32
            %add3A_163 = arith.addi %mul3A_161, %add3A_162 : i32
            %mul3A_164 = arith.constant 16 : i32
            %mul3A_165 = arith.muli %add3A_163, %mul3A_164 : i32
            %swap3A_166 = arith.index_cast %mul3A_165 : i32 to index
            %swap3A_167 = tpu.vector_load %arg9[%swap3A_166] {strides = array<i32>} : memref<4096xi32, #tpu.memory_space<vmem>>, vector<16xi32>,
            tpu.vector_store %arg9[%swap3A_166], %broadcast_in_dim3A_159 {strides = array<i32>} : memref<4096xi32, #tpu.memory_space<vmem>>, vector<16xi32>,
            %broadcast_in_dim3A_168 = arith.constant 0 : i32
            %broadcast_in_dim3A_169 = vector.broadcast %broadcast_in_dim3A_168 : i32 to vector<16xi32>
            %mul3A_170 = arith.constant 4 : i32
            %mul3A_171 = arith.muli %scan3A_140, %mul3A_170 : i32
            %add3A_172 = arith.constant 3 : i32
            %add3A_173 = arith.addi %mul3A_171, %add3A_172 : i32
            %mul3A_174 = arith.constant 16 : i32
            %mul3A_175 = arith.muli %add3A_173, %mul3A_174 : i32
            %swap3A_176 = arith.index_cast %mul3A_175 : i32 to index
            %swap3A_177 = tpu.vector_load %arg9[%swap3A_176] {strides = array<i32>} : memref<4096xi32, #tpu.memory_space<vmem>>, vector<16xi32>,
            tpu.vector_store %arg9[%swap3A_176], %broadcast_in_dim3A_169 {strides = array<i32>} : memref<4096xi32, #tpu.memory_space<vmem>>, vector<16xi32>,
          }
          %scan3A_91 = arith.constant 64 : i32
          %scan3A_92 = arith.constant 0 : i32
          %scan3A_93 = arith.constant 16 : i32
          %scan3A_94 = arith.constant 0 : i32
          %scan3A_95 = arith.constant 256 : i32
          %scan3A_96 = arith.addi %scan3A_94, %scan3A_95 : i32
          %scan3A_97 = arith.constant 1 : i32
          scf.for %scan3A_140 = %scan3A_94 to %scan3A_96 step %scan3A_97  : i32 {
            %mul3A_141 = arith.constant 2 : i32
            %mul3A_142 = arith.muli %mul3A_141, %scan3A_140 : i32
            %mul3A_143 = arith.constant 16 : i32
            %mul3A_144 = arith.muli %mul3A_142, %mul3A_143 : i32
            %get3A_145 = arith.index_cast %mul3A_144 : i32 to index
            %get3A_146 = tpu.vector_load %arg5[%get3A_145] {strides = array<i32>} : memref<8192xi32, #tpu.memory_space<vmem>>, vector<16xi32>,
            %shift_right_logical3A = vector.broadcast %scan3A_93 : i32 to vector<16xi32>
            %shift_right_logical3A_147 = arith.shrui %get3A_146, %shift_right_logical3A : vector<16xi32>
            %and3A = arith.constant 255 : i32
            %and3A_148 = vector.broadcast %and3A : i32 to vector<16xi32>
            %and3A_149 = arith.andi %shift_right_logical3A_147, %and3A_148 : vector<16xi32>
            %mul3A_150 = arith.constant 16 : i32
            %mul3A_151 = vector.broadcast %mul3A_150 : i32 to vector<16xi32>
            %mul3A_152 = arith.muli %and3A_149, %mul3A_151 : vector<16xi32>
            %add3A_153 = arith.addi %mul3A_152, %iota3A : vector<16xi32>
            %gather3A = tpu.vector_load_idx %arg9[%add3A_153] : memref<4096xi32, #tpu.memory_space<vmem>>[vector<16xi32>], vector<16xi32>,
            %add3A_154 = arith.constant 1 : i32
            %add3A_155 = vector.broadcast %add3A_154 : i32 to vector<16xi32>
            %add3A_156 = arith.addi %gather3A, %add3A_155 : vector<16xi32>
            tpu.vector_store_idx %arg9[%add3A_153], %add3A_156 : memref<4096xi32, #tpu.memory_space<vmem>>[vector<16xi32>], vector<16xi32>,
            %mul3A_157 = arith.constant 16 : i32
            %mul3A_158 = arith.muli %mul3A_142, %mul3A_157 : i32
            %swap3A = arith.index_cast %mul3A_158 : i32 to index
            %swap3A_159 = tpu.vector_load %arg10[%swap3A] {strides = array<i32>} : memref<8192xi32, #tpu.memory_space<vmem>>, vector<16xi32>,
            tpu.vector_store %arg10[%swap3A], %gather3A {strides = array<i32>} : memref<8192xi32, #tpu.memory_space<vmem>>, vector<16xi32>,
            %mul3A_160 = arith.constant 2 : i32
            %mul3A_161 = arith.muli %mul3A_160, %scan3A_140 : i32
            %add3A_162 = arith.constant 1 : i32
            %add3A_163 = arith.addi %mul3A_161, %add3A_162 : i32
            %mul3A_164 = arith.constant 16 : i32
            %mul3A_165 = arith.muli %add3A_163, %mul3A_164 : i32
            %get3A_166 = arith.index_cast %mul3A_165 : i32 to index
            %get3A_167 = tpu.vector_load %arg5[%get3A_166] {strides = array<i32>} : memref<8192xi32, #tpu.memory_space<vmem>>, vector<16xi32>,
            %shift_right_logical3A_168 = vector.broadcast %scan3A_93 : i32 to vector<16xi32>
            %shift_right_logical3A_169 = arith.shrui %get3A_167, %shift_right_logical3A_168 : vector<16xi32>
            %and3A_170 = arith.constant 255 : i32
            %and3A_171 = vector.broadcast %and3A_170 : i32 to vector<16xi32>
            %and3A_172 = arith.andi %shift_right_logical3A_169, %and3A_171 : vector<16xi32>
            %mul3A_173 = arith.constant 16 : i32
            %mul3A_174 = vector.broadcast %mul3A_173 : i32 to vector<16xi32>
            %mul3A_175 = arith.muli %and3A_172, %mul3A_174 : vector<16xi32>
            %add3A_176 = arith.addi %mul3A_175, %iota3A : vector<16xi32>
            %gather3A_177 = tpu.vector_load_idx %arg9[%add3A_176] : memref<4096xi32, #tpu.memory_space<vmem>>[vector<16xi32>], vector<16xi32>,
            %add3A_178 = arith.constant 1 : i32
            %add3A_179 = vector.broadcast %add3A_178 : i32 to vector<16xi32>
            %add3A_180 = arith.addi %gather3A_177, %add3A_179 : vector<16xi32>
            tpu.vector_store_idx %arg9[%add3A_176], %add3A_180 : memref<4096xi32, #tpu.memory_space<vmem>>[vector<16xi32>], vector<16xi32>,
            %mul3A_181 = arith.constant 16 : i32
            %mul3A_182 = arith.muli %add3A_163, %mul3A_181 : i32
            %swap3A_183 = arith.index_cast %mul3A_182 : i32 to index
            %swap3A_184 = tpu.vector_load %arg10[%swap3A_183] {strides = array<i32>} : memref<8192xi32, #tpu.memory_space<vmem>>, vector<16xi32>,
            tpu.vector_store %arg10[%swap3A_183], %gather3A_177 {strides = array<i32>} : memref<8192xi32, #tpu.memory_space<vmem>>, vector<16xi32>,
          }
          %scan3A_98 = arith.constant 256 : i32
          %scan3A_99 = arith.constant 0 : i32
          %scan3A_100 = arith.constant 0 : i32
          %scan3A_101 = arith.constant 256 : i32
          %scan3A_102 = arith.addi %scan3A_100, %scan3A_101 : i32
          %scan3A_103 = arith.constant 1 : i32
          %scan3A_104 = scf.for %scan3A_140 = %scan3A_100 to %scan3A_102 step %scan3A_103 iter_args(%scan3A_141 = %scan3A_99) -> (i32)  : i32 {
            %mul3A_142 = arith.constant 16 : i32
            %mul3A_143 = arith.muli %scan3A_140, %mul3A_142 : i32
            %get3A_144 = arith.index_cast %mul3A_143 : i32 to index
            %get3A_145 = tpu.vector_load %arg9[%get3A_144] {strides = array<i32>} : memref<4096xi32, #tpu.memory_space<vmem>>, vector<16xi32>,
            %broadcast_in_dim3A_146 = arith.constant true
            %broadcast_in_dim3A_147 = vector.broadcast %broadcast_in_dim3A_146 : i1 to vector<16xi1>
            %masked_cumsum3A = tpu.scan <sum>, %get3A_145 masked %broadcast_in_dim3A_147 : vector<16xi32>, vector<16xi1> -> vector<16xi32>
            %sub3A = arith.subi %masked_cumsum3A, %get3A_145 : vector<16xi32>
            %add3A_148 = vector.broadcast %scan3A_141 : i32 to vector<16xi32>
            %add3A_149 = arith.addi %sub3A, %add3A_148 : vector<16xi32>
            %mul3A_150 = arith.constant 16 : i32
            %mul3A_151 = arith.muli %scan3A_140, %mul3A_150 : i32
            %swap3A = arith.index_cast %mul3A_151 : i32 to index
            %swap3A_152 = tpu.vector_load %arg9[%swap3A] {strides = array<i32>} : memref<4096xi32, #tpu.memory_space<vmem>>, vector<16xi32>,
            tpu.vector_store %arg9[%swap3A], %add3A_149 {strides = array<i32>} : memref<4096xi32, #tpu.memory_space<vmem>>, vector<16xi32>,
            %reduce_sum3A_153 = arith.constant true
            %reduce_sum3A_154 = vector.broadcast %reduce_sum3A_153 : i1 to vector<16xi1>
            %reduce_sum3A_155 = tpu.scan <sum>, %get3A_145 masked %reduce_sum3A_154 : vector<16xi32>, vector<16xi1> -> vector<16xi32>
            %reduce_sum3A_156 = vector.extract %reduce_sum3A_155[15] : i32 from vector<16xi32>
            %add3A_157 = arith.addi %scan3A_141, %reduce_sum3A_156 : i32
            scf.yield %add3A_157 : i32
          }
          %scan3A_105 = arith.constant 256 : i32
          %scan3A_106 = arith.constant 0 : i32
          %scan3A_107 = arith.constant 16 : i32
          %scan3A_108 = arith.constant 0 : i32
          %scan3A_109 = arith.constant 256 : i32
          %scan3A_110 = arith.addi %scan3A_108, %scan3A_109 : i32
          %scan3A_111 = arith.constant 1 : i32
          scf.for %scan3A_140 = %scan3A_108 to %scan3A_110 step %scan3A_111  : i32 {
            %mul3A_141 = arith.constant 2 : i32
            %mul3A_142 = arith.muli %mul3A_141, %scan3A_140 : i32
            %mul3A_143 = arith.constant 16 : i32
            %mul3A_144 = arith.muli %mul3A_142, %mul3A_143 : i32
            %get3A_145 = arith.index_cast %mul3A_144 : i32 to index
            %get3A_146 = tpu.vector_load %arg5[%get3A_145] {strides = array<i32>} : memref<8192xi32, #tpu.memory_space<vmem>>, vector<16xi32>,
            %mul3A_147 = arith.constant 16 : i32
            %mul3A_148 = arith.muli %mul3A_142, %mul3A_147 : i32
            %get3A_149 = arith.index_cast %mul3A_148 : i32 to index
            %get3A_150 = tpu.vector_load %arg7[%get3A_149] {strides = array<i32>} : memref<8192xi32, #tpu.memory_space<vmem>>, vector<16xi32>,
            %shift_right_logical3A = vector.broadcast %scan3A_107 : i32 to vector<16xi32>
            %shift_right_logical3A_151 = arith.shrui %get3A_146, %shift_right_logical3A : vector<16xi32>
            %and3A = arith.constant 255 : i32
            %and3A_152 = vector.broadcast %and3A : i32 to vector<16xi32>
            %and3A_153 = arith.andi %shift_right_logical3A_151, %and3A_152 : vector<16xi32>
            %mul3A_154 = arith.constant 16 : i32
            %mul3A_155 = vector.broadcast %mul3A_154 : i32 to vector<16xi32>
            %mul3A_156 = arith.muli %and3A_153, %mul3A_155 : vector<16xi32>
            %add3A_157 = arith.addi %mul3A_156, %iota3A : vector<16xi32>
            %gather3A = tpu.vector_load_idx %arg9[%add3A_157] : memref<4096xi32, #tpu.memory_space<vmem>>[vector<16xi32>], vector<16xi32>,
            %mul3A_158 = arith.constant 16 : i32
            %mul3A_159 = arith.muli %mul3A_142, %mul3A_158 : i32
            %get3A_160 = arith.index_cast %mul3A_159 : i32 to index
            %get3A_161 = tpu.vector_load %arg10[%get3A_160] {strides = array<i32>} : memref<8192xi32, #tpu.memory_space<vmem>>, vector<16xi32>,
            %add3A_162 = arith.addi %gather3A, %get3A_161 : vector<16xi32>
            %and3A_163 = arith.constant 511 : i32
            %and3A_164 = vector.broadcast %and3A_163 : i32 to vector<16xi32>
            %and3A_165 = arith.andi %add3A_162, %and3A_164 : vector<16xi32>
            %mul3A_166 = arith.constant 16 : i32
            %mul3A_167 = vector.broadcast %mul3A_166 : i32 to vector<16xi32>
            %mul3A_168 = arith.muli %and3A_165, %mul3A_167 : vector<16xi32>
            %shift_right_logical3A_169 = arith.constant 9 : i32
            %shift_right_logical3A_170 = vector.broadcast %shift_right_logical3A_169 : i32 to vector<16xi32>
            %shift_right_logical3A_171 = arith.shrui %add3A_162, %shift_right_logical3A_170 : vector<16xi32>
            %add3A_172 = arith.addi %mul3A_168, %shift_right_logical3A_171 : vector<16xi32>
            tpu.vector_store_idx %arg6[%add3A_172], %get3A_146 : memref<8192xi32, #tpu.memory_space<vmem>>[vector<16xi32>], vector<16xi32>,
            tpu.vector_store_idx %arg8[%add3A_172], %get3A_150 : memref<8192xi32, #tpu.memory_space<vmem>>[vector<16xi32>], vector<16xi32>,
            %mul3A_173 = arith.constant 2 : i32
            %mul3A_174 = arith.muli %mul3A_173, %scan3A_140 : i32
            %add3A_175 = arith.constant 1 : i32
            %add3A_176 = arith.addi %mul3A_174, %add3A_175 : i32
            %mul3A_177 = arith.constant 16 : i32
            %mul3A_178 = arith.muli %add3A_176, %mul3A_177 : i32
            %get3A_179 = arith.index_cast %mul3A_178 : i32 to index
            %get3A_180 = tpu.vector_load %arg5[%get3A_179] {strides = array<i32>} : memref<8192xi32, #tpu.memory_space<vmem>>, vector<16xi32>,
            %mul3A_181 = arith.constant 16 : i32
            %mul3A_182 = arith.muli %add3A_176, %mul3A_181 : i32
            %get3A_183 = arith.index_cast %mul3A_182 : i32 to index
            %get3A_184 = tpu.vector_load %arg7[%get3A_183] {strides = array<i32>} : memref<8192xi32, #tpu.memory_space<vmem>>, vector<16xi32>,
            %shift_right_logical3A_185 = vector.broadcast %scan3A_107 : i32 to vector<16xi32>
            %shift_right_logical3A_186 = arith.shrui %get3A_180, %shift_right_logical3A_185 : vector<16xi32>
            %and3A_187 = arith.constant 255 : i32
            %and3A_188 = vector.broadcast %and3A_187 : i32 to vector<16xi32>
            %and3A_189 = arith.andi %shift_right_logical3A_186, %and3A_188 : vector<16xi32>
            %mul3A_190 = arith.constant 16 : i32
            %mul3A_191 = vector.broadcast %mul3A_190 : i32 to vector<16xi32>
            %mul3A_192 = arith.muli %and3A_189, %mul3A_191 : vector<16xi32>
            %add3A_193 = arith.addi %mul3A_192, %iota3A : vector<16xi32>
            %gather3A_194 = tpu.vector_load_idx %arg9[%add3A_193] : memref<4096xi32, #tpu.memory_space<vmem>>[vector<16xi32>], vector<16xi32>,
            %mul3A_195 = arith.constant 16 : i32
            %mul3A_196 = arith.muli %add3A_176, %mul3A_195 : i32
            %get3A_197 = arith.index_cast %mul3A_196 : i32 to index
            %get3A_198 = tpu.vector_load %arg10[%get3A_197] {strides = array<i32>} : memref<8192xi32, #tpu.memory_space<vmem>>, vector<16xi32>,
            %add3A_199 = arith.addi %gather3A_194, %get3A_198 : vector<16xi32>
            %and3A_200 = arith.constant 511 : i32
            %and3A_201 = vector.broadcast %and3A_200 : i32 to vector<16xi32>
            %and3A_202 = arith.andi %add3A_199, %and3A_201 : vector<16xi32>
            %mul3A_203 = arith.constant 16 : i32
            %mul3A_204 = vector.broadcast %mul3A_203 : i32 to vector<16xi32>
            %mul3A_205 = arith.muli %and3A_202, %mul3A_204 : vector<16xi32>
            %shift_right_logical3A_206 = arith.constant 9 : i32
            %shift_right_logical3A_207 = vector.broadcast %shift_right_logical3A_206 : i32 to vector<16xi32>
            %shift_right_logical3A_208 = arith.shrui %add3A_199, %shift_right_logical3A_207 : vector<16xi32>
            %add3A_209 = arith.addi %mul3A_205, %shift_right_logical3A_208 : vector<16xi32>
            tpu.vector_store_idx %arg6[%add3A_209], %get3A_180 : memref<8192xi32, #tpu.memory_space<vmem>>[vector<16xi32>], vector<16xi32>,
            tpu.vector_store_idx %arg8[%add3A_209], %get3A_184 : memref<8192xi32, #tpu.memory_space<vmem>>[vector<16xi32>], vector<16xi32>,
          }
          %scan3A_112 = arith.constant 256 : i32
          %scan3A_113 = arith.constant 0 : i32
          %scan3A_114 = arith.constant 0 : i32
          %scan3A_115 = arith.constant 64 : i32
          %scan3A_116 = arith.addi %scan3A_114, %scan3A_115 : i32
          %scan3A_117 = arith.constant 1 : i32
          scf.for %scan3A_140 = %scan3A_114 to %scan3A_116 step %scan3A_117  : i32 {
            %broadcast_in_dim3A_141 = arith.constant 0 : i32
            %broadcast_in_dim3A_142 = vector.broadcast %broadcast_in_dim3A_141 : i32 to vector<16xi32>
            %mul3A_143 = arith.constant 4 : i32
            %mul3A_144 = arith.muli %scan3A_140, %mul3A_143 : i32
            %mul3A_145 = arith.constant 16 : i32
            %mul3A_146 = arith.muli %mul3A_144, %mul3A_145 : i32
            %swap3A = arith.index_cast %mul3A_146 : i32 to index
            %swap3A_147 = tpu.vector_load %arg9[%swap3A] {strides = array<i32>} : memref<4096xi32, #tpu.memory_space<vmem>>, vector<16xi32>,
            tpu.vector_store %arg9[%swap3A], %broadcast_in_dim3A_142 {strides = array<i32>} : memref<4096xi32, #tpu.memory_space<vmem>>, vector<16xi32>,
            %broadcast_in_dim3A_148 = arith.constant 0 : i32
            %broadcast_in_dim3A_149 = vector.broadcast %broadcast_in_dim3A_148 : i32 to vector<16xi32>
            %mul3A_150 = arith.constant 4 : i32
            %mul3A_151 = arith.muli %scan3A_140, %mul3A_150 : i32
            %add3A_152 = arith.constant 1 : i32
            %add3A_153 = arith.addi %mul3A_151, %add3A_152 : i32
            %mul3A_154 = arith.constant 16 : i32
            %mul3A_155 = arith.muli %add3A_153, %mul3A_154 : i32
            %swap3A_156 = arith.index_cast %mul3A_155 : i32 to index
            %swap3A_157 = tpu.vector_load %arg9[%swap3A_156] {strides = array<i32>} : memref<4096xi32, #tpu.memory_space<vmem>>, vector<16xi32>,
            tpu.vector_store %arg9[%swap3A_156], %broadcast_in_dim3A_149 {strides = array<i32>} : memref<4096xi32, #tpu.memory_space<vmem>>, vector<16xi32>,
            %broadcast_in_dim3A_158 = arith.constant 0 : i32
            %broadcast_in_dim3A_159 = vector.broadcast %broadcast_in_dim3A_158 : i32 to vector<16xi32>
            %mul3A_160 = arith.constant 4 : i32
            %mul3A_161 = arith.muli %scan3A_140, %mul3A_160 : i32
            %add3A_162 = arith.constant 2 : i32
            %add3A_163 = arith.addi %mul3A_161, %add3A_162 : i32
            %mul3A_164 = arith.constant 16 : i32
            %mul3A_165 = arith.muli %add3A_163, %mul3A_164 : i32
            %swap3A_166 = arith.index_cast %mul3A_165 : i32 to index
            %swap3A_167 = tpu.vector_load %arg9[%swap3A_166] {strides = array<i32>} : memref<4096xi32, #tpu.memory_space<vmem>>, vector<16xi32>,
            tpu.vector_store %arg9[%swap3A_166], %broadcast_in_dim3A_159 {strides = array<i32>} : memref<4096xi32, #tpu.memory_space<vmem>>, vector<16xi32>,
            %broadcast_in_dim3A_168 = arith.constant 0 : i32
            %broadcast_in_dim3A_169 = vector.broadcast %broadcast_in_dim3A_168 : i32 to vector<16xi32>
            %mul3A_170 = arith.constant 4 : i32
            %mul3A_171 = arith.muli %scan3A_140, %mul3A_170 : i32
            %add3A_172 = arith.constant 3 : i32
            %add3A_173 = arith.addi %mul3A_171, %add3A_172 : i32
            %mul3A_174 = arith.constant 16 : i32
            %mul3A_175 = arith.muli %add3A_173, %mul3A_174 : i32
            %swap3A_176 = arith.index_cast %mul3A_175 : i32 to index
            %swap3A_177 = tpu.vector_load %arg9[%swap3A_176] {strides = array<i32>} : memref<4096xi32, #tpu.memory_space<vmem>>, vector<16xi32>,
            tpu.vector_store %arg9[%swap3A_176], %broadcast_in_dim3A_169 {strides = array<i32>} : memref<4096xi32, #tpu.memory_space<vmem>>, vector<16xi32>,
          }
          %scan3A_118 = arith.constant 64 : i32
          %scan3A_119 = arith.constant 0 : i32
          %scan3A_120 = arith.constant 24 : i32
          %scan3A_121 = arith.constant 0 : i32
          %scan3A_122 = arith.constant 256 : i32
          %scan3A_123 = arith.addi %scan3A_121, %scan3A_122 : i32
          %scan3A_124 = arith.constant 1 : i32
          scf.for %scan3A_140 = %scan3A_121 to %scan3A_123 step %scan3A_124  : i32 {
            %mul3A_141 = arith.constant 2 : i32
            %mul3A_142 = arith.muli %mul3A_141, %scan3A_140 : i32
            %mul3A_143 = arith.constant 16 : i32
            %mul3A_144 = arith.muli %mul3A_142, %mul3A_143 : i32
            %get3A_145 = arith.index_cast %mul3A_144 : i32 to index
            %get3A_146 = tpu.vector_load %arg6[%get3A_145] {strides = array<i32>} : memref<8192xi32, #tpu.memory_space<vmem>>, vector<16xi32>,
            %shift_right_logical3A = vector.broadcast %scan3A_120 : i32 to vector<16xi32>
            %shift_right_logical3A_147 = arith.shrui %get3A_146, %shift_right_logical3A : vector<16xi32>
            %and3A = arith.constant 255 : i32
            %and3A_148 = vector.broadcast %and3A : i32 to vector<16xi32>
            %and3A_149 = arith.andi %shift_right_logical3A_147, %and3A_148 : vector<16xi32>
            %mul3A_150 = arith.constant 16 : i32
            %mul3A_151 = vector.broadcast %mul3A_150 : i32 to vector<16xi32>
            %mul3A_152 = arith.muli %and3A_149, %mul3A_151 : vector<16xi32>
            %add3A_153 = arith.addi %mul3A_152, %iota3A : vector<16xi32>
            %gather3A = tpu.vector_load_idx %arg9[%add3A_153] : memref<4096xi32, #tpu.memory_space<vmem>>[vector<16xi32>], vector<16xi32>,
            %add3A_154 = arith.constant 1 : i32
            %add3A_155 = vector.broadcast %add3A_154 : i32 to vector<16xi32>
            %add3A_156 = arith.addi %gather3A, %add3A_155 : vector<16xi32>
            tpu.vector_store_idx %arg9[%add3A_153], %add3A_156 : memref<4096xi32, #tpu.memory_space<vmem>>[vector<16xi32>], vector<16xi32>,
            %mul3A_157 = arith.constant 16 : i32
            %mul3A_158 = arith.muli %mul3A_142, %mul3A_157 : i32
            %swap3A = arith.index_cast %mul3A_158 : i32 to index
            %swap3A_159 = tpu.vector_load %arg10[%swap3A] {strides = array<i32>} : memref<8192xi32, #tpu.memory_space<vmem>>, vector<16xi32>,
            tpu.vector_store %arg10[%swap3A], %gather3A {strides = array<i32>} : memref<8192xi32, #tpu.memory_space<vmem>>, vector<16xi32>,
            %mul3A_160 = arith.constant 2 : i32
            %mul3A_161 = arith.muli %mul3A_160, %scan3A_140 : i32
            %add3A_162 = arith.constant 1 : i32
            %add3A_163 = arith.addi %mul3A_161, %add3A_162 : i32
            %mul3A_164 = arith.constant 16 : i32
            %mul3A_165 = arith.muli %add3A_163, %mul3A_164 : i32
            %get3A_166 = arith.index_cast %mul3A_165 : i32 to index
            %get3A_167 = tpu.vector_load %arg6[%get3A_166] {strides = array<i32>} : memref<8192xi32, #tpu.memory_space<vmem>>, vector<16xi32>,
            %shift_right_logical3A_168 = vector.broadcast %scan3A_120 : i32 to vector<16xi32>
            %shift_right_logical3A_169 = arith.shrui %get3A_167, %shift_right_logical3A_168 : vector<16xi32>
            %and3A_170 = arith.constant 255 : i32
            %and3A_171 = vector.broadcast %and3A_170 : i32 to vector<16xi32>
            %and3A_172 = arith.andi %shift_right_logical3A_169, %and3A_171 : vector<16xi32>
            %mul3A_173 = arith.constant 16 : i32
            %mul3A_174 = vector.broadcast %mul3A_173 : i32 to vector<16xi32>
            %mul3A_175 = arith.muli %and3A_172, %mul3A_174 : vector<16xi32>
            %add3A_176 = arith.addi %mul3A_175, %iota3A : vector<16xi32>
            %gather3A_177 = tpu.vector_load_idx %arg9[%add3A_176] : memref<4096xi32, #tpu.memory_space<vmem>>[vector<16xi32>], vector<16xi32>,
            %add3A_178 = arith.constant 1 : i32
            %add3A_179 = vector.broadcast %add3A_178 : i32 to vector<16xi32>
            %add3A_180 = arith.addi %gather3A_177, %add3A_179 : vector<16xi32>
            tpu.vector_store_idx %arg9[%add3A_176], %add3A_180 : memref<4096xi32, #tpu.memory_space<vmem>>[vector<16xi32>], vector<16xi32>,
            %mul3A_181 = arith.constant 16 : i32
            %mul3A_182 = arith.muli %add3A_163, %mul3A_181 : i32
            %swap3A_183 = arith.index_cast %mul3A_182 : i32 to index
            %swap3A_184 = tpu.vector_load %arg10[%swap3A_183] {strides = array<i32>} : memref<8192xi32, #tpu.memory_space<vmem>>, vector<16xi32>,
            tpu.vector_store %arg10[%swap3A_183], %gather3A_177 {strides = array<i32>} : memref<8192xi32, #tpu.memory_space<vmem>>, vector<16xi32>,
          }
          %scan3A_125 = arith.constant 256 : i32
          %scan3A_126 = arith.constant 0 : i32
          %scan3A_127 = arith.constant 0 : i32
          %scan3A_128 = arith.constant 256 : i32
          %scan3A_129 = arith.addi %scan3A_127, %scan3A_128 : i32
          %scan3A_130 = arith.constant 1 : i32
          %scan3A_131 = scf.for %scan3A_140 = %scan3A_127 to %scan3A_129 step %scan3A_130 iter_args(%scan3A_141 = %scan3A_126) -> (i32)  : i32 {
            %mul3A_142 = arith.constant 16 : i32
            %mul3A_143 = arith.muli %scan3A_140, %mul3A_142 : i32
            %get3A_144 = arith.index_cast %mul3A_143 : i32 to index
            %get3A_145 = tpu.vector_load %arg9[%get3A_144] {strides = array<i32>} : memref<4096xi32, #tpu.memory_space<vmem>>, vector<16xi32>,
            %broadcast_in_dim3A_146 = arith.constant true
            %broadcast_in_dim3A_147 = vector.broadcast %broadcast_in_dim3A_146 : i1 to vector<16xi1>
            %masked_cumsum3A = tpu.scan <sum>, %get3A_145 masked %broadcast_in_dim3A_147 : vector<16xi32>, vector<16xi1> -> vector<16xi32>
            %sub3A = arith.subi %masked_cumsum3A, %get3A_145 : vector<16xi32>
            %add3A_148 = vector.broadcast %scan3A_141 : i32 to vector<16xi32>
            %add3A_149 = arith.addi %sub3A, %add3A_148 : vector<16xi32>
            %mul3A_150 = arith.constant 16 : i32
            %mul3A_151 = arith.muli %scan3A_140, %mul3A_150 : i32
            %swap3A = arith.index_cast %mul3A_151 : i32 to index
            %swap3A_152 = tpu.vector_load %arg9[%swap3A] {strides = array<i32>} : memref<4096xi32, #tpu.memory_space<vmem>>, vector<16xi32>,
            tpu.vector_store %arg9[%swap3A], %add3A_149 {strides = array<i32>} : memref<4096xi32, #tpu.memory_space<vmem>>, vector<16xi32>,
            %reduce_sum3A_153 = arith.constant true
            %reduce_sum3A_154 = vector.broadcast %reduce_sum3A_153 : i1 to vector<16xi1>
            %reduce_sum3A_155 = tpu.scan <sum>, %get3A_145 masked %reduce_sum3A_154 : vector<16xi32>, vector<16xi1> -> vector<16xi32>
            %reduce_sum3A_156 = vector.extract %reduce_sum3A_155[15] : i32 from vector<16xi32>
            %add3A_157 = arith.addi %scan3A_141, %reduce_sum3A_156 : i32
            scf.yield %add3A_157 : i32
          }
          %scan3A_132 = arith.constant 256 : i32
          %scan3A_133 = arith.constant 0 : i32
          %scan3A_134 = arith.constant 24 : i32
          %scan3A_135 = arith.constant 0 : i32
          %scan3A_136 = arith.constant 256 : i32
          %scan3A_137 = arith.addi %scan3A_135, %scan3A_136 : i32
          %scan3A_138 = arith.constant 1 : i32
          scf.for %scan3A_140 = %scan3A_135 to %scan3A_137 step %scan3A_138  : i32 {
            %mul3A_141 = arith.constant 2 : i32
            %mul3A_142 = arith.muli %mul3A_141, %scan3A_140 : i32
            %mul3A_143 = arith.constant 16 : i32
            %mul3A_144 = arith.muli %mul3A_142, %mul3A_143 : i32
            %get3A_145 = arith.index_cast %mul3A_144 : i32 to index
            %get3A_146 = tpu.vector_load %arg6[%get3A_145] {strides = array<i32>} : memref<8192xi32, #tpu.memory_space<vmem>>, vector<16xi32>,
            %mul3A_147 = arith.constant 16 : i32
            %mul3A_148 = arith.muli %mul3A_142, %mul3A_147 : i32
            %get3A_149 = arith.index_cast %mul3A_148 : i32 to index
            %get3A_150 = tpu.vector_load %arg8[%get3A_149] {strides = array<i32>} : memref<8192xi32, #tpu.memory_space<vmem>>, vector<16xi32>,
            %shift_right_logical3A = vector.broadcast %scan3A_134 : i32 to vector<16xi32>
            %shift_right_logical3A_151 = arith.shrui %get3A_146, %shift_right_logical3A : vector<16xi32>
            %and3A = arith.constant 255 : i32
            %and3A_152 = vector.broadcast %and3A : i32 to vector<16xi32>
            %and3A_153 = arith.andi %shift_right_logical3A_151, %and3A_152 : vector<16xi32>
            %mul3A_154 = arith.constant 16 : i32
            %mul3A_155 = vector.broadcast %mul3A_154 : i32 to vector<16xi32>
            %mul3A_156 = arith.muli %and3A_153, %mul3A_155 : vector<16xi32>
            %add3A_157 = arith.addi %mul3A_156, %iota3A : vector<16xi32>
            %gather3A = tpu.vector_load_idx %arg9[%add3A_157] : memref<4096xi32, #tpu.memory_space<vmem>>[vector<16xi32>], vector<16xi32>,
            %mul3A_158 = arith.constant 16 : i32
            %mul3A_159 = arith.muli %mul3A_142, %mul3A_158 : i32
            %get3A_160 = arith.index_cast %mul3A_159 : i32 to index
            %get3A_161 = tpu.vector_load %arg10[%get3A_160] {strides = array<i32>} : memref<8192xi32, #tpu.memory_space<vmem>>, vector<16xi32>,
            %add3A_162 = arith.addi %gather3A, %get3A_161 : vector<16xi32>
            tpu.vector_store_idx %arg7[%add3A_162], %get3A_150 : memref<8192xi32, #tpu.memory_space<vmem>>[vector<16xi32>], vector<16xi32>,
            %mul3A_163 = arith.constant 2 : i32
            %mul3A_164 = arith.muli %mul3A_163, %scan3A_140 : i32
            %add3A_165 = arith.constant 1 : i32
            %add3A_166 = arith.addi %mul3A_164, %add3A_165 : i32
            %mul3A_167 = arith.constant 16 : i32
            %mul3A_168 = arith.muli %add3A_166, %mul3A_167 : i32
            %get3A_169 = arith.index_cast %mul3A_168 : i32 to index
            %get3A_170 = tpu.vector_load %arg6[%get3A_169] {strides = array<i32>} : memref<8192xi32, #tpu.memory_space<vmem>>, vector<16xi32>,
            %mul3A_171 = arith.constant 16 : i32
            %mul3A_172 = arith.muli %add3A_166, %mul3A_171 : i32
            %get3A_173 = arith.index_cast %mul3A_172 : i32 to index
            %get3A_174 = tpu.vector_load %arg8[%get3A_173] {strides = array<i32>} : memref<8192xi32, #tpu.memory_space<vmem>>, vector<16xi32>,
            %shift_right_logical3A_175 = vector.broadcast %scan3A_134 : i32 to vector<16xi32>
            %shift_right_logical3A_176 = arith.shrui %get3A_170, %shift_right_logical3A_175 : vector<16xi32>
            %and3A_177 = arith.constant 255 : i32
            %and3A_178 = vector.broadcast %and3A_177 : i32 to vector<16xi32>
            %and3A_179 = arith.andi %shift_right_logical3A_176, %and3A_178 : vector<16xi32>
            %mul3A_180 = arith.constant 16 : i32
            %mul3A_181 = vector.broadcast %mul3A_180 : i32 to vector<16xi32>
            %mul3A_182 = arith.muli %and3A_179, %mul3A_181 : vector<16xi32>
            %add3A_183 = arith.addi %mul3A_182, %iota3A : vector<16xi32>
            %gather3A_184 = tpu.vector_load_idx %arg9[%add3A_183] : memref<4096xi32, #tpu.memory_space<vmem>>[vector<16xi32>], vector<16xi32>,
            %mul3A_185 = arith.constant 16 : i32
            %mul3A_186 = arith.muli %add3A_166, %mul3A_185 : i32
            %get3A_187 = arith.index_cast %mul3A_186 : i32 to index
            %get3A_188 = tpu.vector_load %arg10[%get3A_187] {strides = array<i32>} : memref<8192xi32, #tpu.memory_space<vmem>>, vector<16xi32>,
            %add3A_189 = arith.addi %gather3A_184, %get3A_188 : vector<16xi32>
            tpu.vector_store_idx %arg7[%add3A_189], %get3A_174 : memref<8192xi32, #tpu.memory_space<vmem>>[vector<16xi32>], vector<16xi32>,
          }
          %scan3A_139 = arith.constant 256 : i32
          "tpu.region"() ({
            %run_scoped3A = tpu.sem_alloc : memref<!tpu.dma_semaphore, #tpu.memory_space<semaphore_mem>>
            %dma_start3A = arith.constant 0 : i32
            %dma_start3A_140 = tpu.memref_slice %arg4[%add3A_9, %dma_start3A] : memref<312x8192xi32, #tpu.memory_space<hbm>> -> memref<1x8192xi32, #tpu.memory_space<hbm>>
            %dma_start3A_141 = tpu.memref_squeeze %dma_start3A_140 : memref<1x8192xi32, #tpu.memory_space<hbm>> -> memref<8192xi32, #tpu.memory_space<hbm>>
            %dma_start3A_142 = arith.constant 0 : i32
            %dma_start3A_143 = tpu.memref_slice %arg4[%add3A_9, %dma_start3A_142] : memref<312x8192xi32, #tpu.memory_space<hbm>> -> memref<1x8192xi32, #tpu.memory_space<hbm>>
            %dma_start3A_144 = tpu.memref_squeeze %dma_start3A_143 : memref<1x8192xi32, #tpu.memory_space<hbm>> -> memref<8192xi32, #tpu.memory_space<hbm>>
            tpu.enqueue_dma source(%arg7 : memref<8192xi32, #tpu.memory_space<vmem>>) target(%dma_start3A_144 : memref<8192xi32, #tpu.memory_space<hbm>>) target_semaphore(%run_scoped3A : memref<!tpu.dma_semaphore, #tpu.memory_space<semaphore_mem>>)
            %dma_wait3A = arith.constant 0 : i32
            %dma_wait3A_145 = tpu.memref_slice %arg4[%add3A_9, %dma_wait3A] : memref<312x8192xi32, #tpu.memory_space<hbm>> -> memref<1x8192xi32, #tpu.memory_space<hbm>>
            %dma_wait3A_146 = tpu.memref_squeeze %dma_wait3A_145 : memref<1x8192xi32, #tpu.memory_space<hbm>> -> memref<8192xi32, #tpu.memory_space<hbm>>
            %dma_wait3A_147 = arith.constant 0 : i32
            %dma_wait3A_148 = tpu.memref_slice %arg4[%add3A_9, %dma_wait3A_147] : memref<312x8192xi32, #tpu.memory_space<hbm>> -> memref<1x8192xi32, #tpu.memory_space<hbm>>
            %dma_wait3A_149 = tpu.memref_squeeze %dma_wait3A_148 : memref<1x8192xi32, #tpu.memory_space<hbm>> -> memref<8192xi32, #tpu.memory_space<hbm>>
            tpu.wait_dma2 semaphore(%run_scoped3A : memref<!tpu.dma_semaphore, #tpu.memory_space<semaphore_mem>>) src(%arg7 : memref<8192xi32, #tpu.memory_space<vmem>>) dst(%dma_wait3A_149 : memref<8192xi32, #tpu.memory_space<hbm>>)
            tpu.yield
          }) : () -> ()
        } else {
        }
        %ge3A = arith.cmpi sge, %div3A_12, %reduce_sum3A_18 : i32
        %convert_element_type3A_23 = arith.extui %ge3A : i1 to i32
        %cond3A_24 = arith.constant 0 : i32
        %cond3A_25 = arith.cmpi ne, %convert_element_type3A_23, %cond3A_24 : i32
        scf.if %cond3A_25 {
          %scan3A_26 = arith.constant 0 : i32
          %scan3A_27 = arith.constant 0 : i32
          %scan3A_28 = arith.constant 256 : i32
          %scan3A_29 = arith.addi %scan3A_27, %scan3A_28 : i32
          %scan3A_30 = arith.constant 1 : i32
          scf.for %scan3A_32 = %scan3A_27 to %scan3A_29 step %scan3A_30  : i32 {
            %mul3A_33 = arith.constant 2 : i32
            %mul3A_34 = arith.muli %mul3A_33, %scan3A_32 : i32
            %mul3A_35 = arith.constant 16 : i32
            %mul3A_36 = arith.muli %mul3A_34, %mul3A_35 : i32
            %add3A_37 = vector.broadcast %mul3A_36 : i32 to vector<16xi32>
            %add3A_38 = arith.addi %iota3A, %add3A_37 : vector<16xi32>
            %mul3A_39 = arith.constant 2 : i32
            %mul3A_40 = arith.muli %mul3A_39, %scan3A_32 : i32
            %mul3A_41 = arith.constant 16 : i32
            %mul3A_42 = arith.muli %mul3A_40, %mul3A_41 : i32
            %swap3A = arith.index_cast %mul3A_42 : i32 to index
            %swap3A_43 = tpu.vector_load %arg7[%swap3A] {strides = array<i32>} : memref<8192xi32, #tpu.memory_space<vmem>>, vector<16xi32>,
            tpu.vector_store %arg7[%swap3A], %add3A_38 {strides = array<i32>} : memref<8192xi32, #tpu.memory_space<vmem>>, vector<16xi32>,
            %mul3A_44 = arith.constant 2 : i32
            %mul3A_45 = arith.muli %mul3A_44, %scan3A_32 : i32
            %add3A_46 = arith.constant 1 : i32
            %add3A_47 = arith.addi %mul3A_45, %add3A_46 : i32
            %mul3A_48 = arith.constant 16 : i32
            %mul3A_49 = arith.muli %add3A_47, %mul3A_48 : i32
            %add3A_50 = vector.broadcast %mul3A_49 : i32 to vector<16xi32>
            %add3A_51 = arith.addi %iota3A, %add3A_50 : vector<16xi32>
            %mul3A_52 = arith.constant 2 : i32
            %mul3A_53 = arith.muli %mul3A_52, %scan3A_32 : i32
            %add3A_54 = arith.constant 1 : i32
            %add3A_55 = arith.addi %mul3A_53, %add3A_54 : i32
            %mul3A_56 = arith.constant 16 : i32
            %mul3A_57 = arith.muli %add3A_55, %mul3A_56 : i32
            %swap3A_58 = arith.index_cast %mul3A_57 : i32 to index
            %swap3A_59 = tpu.vector_load %arg7[%swap3A_58] {strides = array<i32>} : memref<8192xi32, #tpu.memory_space<vmem>>, vector<16xi32>,
            tpu.vector_store %arg7[%swap3A_58], %add3A_51 {strides = array<i32>} : memref<8192xi32, #tpu.memory_space<vmem>>, vector<16xi32>,
          }
          %scan3A_31 = arith.constant 256 : i32
          "tpu.region"() ({
            %run_scoped3A = tpu.sem_alloc : memref<!tpu.dma_semaphore, #tpu.memory_space<semaphore_mem>>
            %dma_start3A = arith.constant 0 : i32
            %dma_start3A_32 = tpu.memref_slice %arg4[%add3A_9, %dma_start3A] : memref<312x8192xi32, #tpu.memory_space<hbm>> -> memref<1x8192xi32, #tpu.memory_space<hbm>>
            %dma_start3A_33 = tpu.memref_squeeze %dma_start3A_32 : memref<1x8192xi32, #tpu.memory_space<hbm>> -> memref<8192xi32, #tpu.memory_space<hbm>>
            %dma_start3A_34 = arith.constant 0 : i32
            %dma_start3A_35 = tpu.memref_slice %arg4[%add3A_9, %dma_start3A_34] : memref<312x8192xi32, #tpu.memory_space<hbm>> -> memref<1x8192xi32, #tpu.memory_space<hbm>>
            %dma_start3A_36 = tpu.memref_squeeze %dma_start3A_35 : memref<1x8192xi32, #tpu.memory_space<hbm>> -> memref<8192xi32, #tpu.memory_space<hbm>>
            tpu.enqueue_dma source(%arg7 : memref<8192xi32, #tpu.memory_space<vmem>>) target(%dma_start3A_36 : memref<8192xi32, #tpu.memory_space<hbm>>) target_semaphore(%run_scoped3A : memref<!tpu.dma_semaphore, #tpu.memory_space<semaphore_mem>>)
            %dma_wait3A = arith.constant 0 : i32
            %dma_wait3A_37 = tpu.memref_slice %arg4[%add3A_9, %dma_wait3A] : memref<312x8192xi32, #tpu.memory_space<hbm>> -> memref<1x8192xi32, #tpu.memory_space<hbm>>
            %dma_wait3A_38 = tpu.memref_squeeze %dma_wait3A_37 : memref<1x8192xi32, #tpu.memory_space<hbm>> -> memref<8192xi32, #tpu.memory_space<hbm>>
            %dma_wait3A_39 = arith.constant 0 : i32
            %dma_wait3A_40 = tpu.memref_slice %arg4[%add3A_9, %dma_wait3A_39] : memref<312x8192xi32, #tpu.memory_space<hbm>> -> memref<1x8192xi32, #tpu.memory_space<hbm>>
            %dma_wait3A_41 = tpu.memref_squeeze %dma_wait3A_40 : memref<1x8192xi32, #tpu.memory_space<hbm>> -> memref<8192xi32, #tpu.memory_space<hbm>>
            tpu.wait_dma2 semaphore(%run_scoped3A : memref<!tpu.dma_semaphore, #tpu.memory_space<semaphore_mem>>) src(%arg7 : memref<8192xi32, #tpu.memory_space<vmem>>) dst(%dma_wait3A_41 : memref<8192xi32, #tpu.memory_space<hbm>>)
            tpu.yield
          }) : () -> ()
        } else {
        }
      } else {
      }
    }
    %scan3A_5 = arith.constant 10 : i32
    return
  }
}

#map = affine_map<(d0, d1) -> (0, 0)>
#map1 = affine_map<(d0, d1) -> (0)>
module attributes {stable_mosaic.version = 14 : i64} {
  func.func @compose_kernel(%arg0: i32, %arg1: i32, %arg2: memref<312x8192xi32, #tpu.memory_space<hbm>>, %arg3: memref<16xi32, #tpu.memory_space<hbm>>, %arg4: memref<8x8192xi32, #tpu.memory_space<hbm>>, %arg5: memref<8192xi32, #tpu.memory_space<vmem>>, %arg6: memref<8192xi32, #tpu.memory_space<vmem>>, %arg7: memref<8192xi32, #tpu.memory_space<vmem>>, %arg8: memref<16xi32, #tpu.memory_space<vmem>>) attributes {dimension_semantics = [#tpu.dimension_semantics<core_parallel>, #tpu.dimension_semantics<subcore_parallel>], iteration_bounds = array<i64: 2, 16>, scalar_prefetch = 0 : i64, scratch_operands = 4 : i64, tpu.core_type = #tpu.core_type<sc_vector_subcore>, window_params = [{transform_indices = #map}, {transform_indices = #map1}, {transform_indices = #map}]} {
    %mul3A = arith.constant 2 : i32
    %mul3A_0 = arith.muli %arg1, %mul3A : i32
    %add3A = arith.addi %mul3A_0, %arg0 : i32
    %iota3A = tpu.iota {dimensions = array<i32: 0>} : vector<16xi32>
    "tpu.region"() ({
      %run_scoped3A = tpu.sem_alloc : memref<!tpu.dma_semaphore, #tpu.memory_space<semaphore_mem>>
      tpu.enqueue_dma source(%arg3 : memref<16xi32, #tpu.memory_space<hbm>>) target(%arg8 : memref<16xi32, #tpu.memory_space<vmem>>) target_semaphore(%run_scoped3A : memref<!tpu.dma_semaphore, #tpu.memory_space<semaphore_mem>>)
      tpu.wait_dma2 semaphore(%run_scoped3A : memref<!tpu.dma_semaphore, #tpu.memory_space<semaphore_mem>>) src(%arg3 : memref<16xi32, #tpu.memory_space<hbm>>) dst(%arg8 : memref<16xi32, #tpu.memory_space<vmem>>)
      tpu.yield
    }) : () -> ()
    %lt3A = arith.constant 8 : i32
    %lt3A_1 = arith.cmpi slt, %add3A, %lt3A : i32
    %convert_element_type3A = arith.extui %lt3A_1 : i1 to i32
    %cond3A = arith.constant 0 : i32
    %cond3A_2 = arith.cmpi ne, %convert_element_type3A, %cond3A : i32
    scf.if %cond3A_2 {
      %eq3A = vector.broadcast %add3A : i32 to vector<16xi32>
      %eq3A_3 = arith.cmpi eq, %iota3A, %eq3A : vector<16xi32>
      %get3A = arith.constant 0 : index
      %get3A_4 = tpu.vector_load %arg8[%get3A] {strides = array<i32>} : memref<16xi32, #tpu.memory_space<vmem>>, vector<16xi32>,
      %jit3A = arith.constant 0 : i32
      %broadcast_in_dim3A = vector.broadcast %jit3A : i32 to vector<16xi32>
      %select_n3A = arith.select %eq3A_3, %get3A_4, %broadcast_in_dim3A : vector<16xi1>, vector<16xi32>
      %reduce_sum3A = arith.constant true
      %reduce_sum3A_5 = vector.broadcast %reduce_sum3A : i1 to vector<16xi1>
      %reduce_sum3A_6 = tpu.scan <sum>, %select_n3A masked %reduce_sum3A_5 : vector<16xi32>, vector<16xi1> -> vector<16xi32>
      %reduce_sum3A_7 = vector.extract %reduce_sum3A_6[15] : i32 from vector<16xi32>
      %scan3A = arith.constant 0 : i32
      %scan3A_8 = arith.constant 0 : i32
      %scan3A_9 = arith.constant 512 : i32
      %scan3A_10 = arith.addi %scan3A_8, %scan3A_9 : i32
      %scan3A_11 = arith.constant 1 : i32
      scf.for %scan3A_17 = %scan3A_8 to %scan3A_10 step %scan3A_11  : i32 {
        %broadcast_in_dim3A_18 = arith.constant 0 : i32
        %broadcast_in_dim3A_19 = vector.broadcast %broadcast_in_dim3A_18 : i32 to vector<16xi32>
        %mul3A_20 = arith.constant 16 : i32
        %mul3A_21 = arith.muli %scan3A_17, %mul3A_20 : i32
        %swap3A = arith.index_cast %mul3A_21 : i32 to index
        %swap3A_22 = tpu.vector_load %arg7[%swap3A] {strides = array<i32>} : memref<8192xi32, #tpu.memory_space<vmem>>, vector<16xi32>,
        tpu.vector_store %arg7[%swap3A], %broadcast_in_dim3A_19 {strides = array<i32>} : memref<8192xi32, #tpu.memory_space<vmem>>, vector<16xi32>,
      }
      %scan3A_12 = arith.constant 512 : i32
      %gt3A = arith.constant 0 : i32
      %gt3A_13 = arith.cmpi sgt, %reduce_sum3A_7, %gt3A : i32
      %convert_element_type3A_14 = arith.extui %gt3A_13 : i1 to i32
      %cond3A_15 = arith.constant 0 : i32
      %cond3A_16 = arith.cmpi ne, %convert_element_type3A_14, %cond3A_15 : i32
      scf.if %cond3A_16 {
        %sub3A = arith.constant 1 : i32
        %sub3A_17 = arith.subi %reduce_sum3A_7, %sub3A : i32
        %mul3A_18 = arith.constant 8 : i32
        %mul3A_19 = arith.muli %sub3A_17, %mul3A_18 : i32
        %add3A_20 = arith.addi %mul3A_19, %add3A : i32
        "tpu.region"() ({
          %run_scoped3A = tpu.sem_alloc : memref<!tpu.dma_semaphore, #tpu.memory_space<semaphore_mem>>
          %dma_start3A = arith.constant 0 : i32
          %dma_start3A_45 = tpu.memref_slice %arg2[%add3A_20, %dma_start3A] : memref<312x8192xi32, #tpu.memory_space<hbm>> -> memref<1x8192xi32, #tpu.memory_space<hbm>>
          %dma_start3A_46 = tpu.memref_squeeze %dma_start3A_45 : memref<1x8192xi32, #tpu.memory_space<hbm>> -> memref<8192xi32, #tpu.memory_space<hbm>>
          %dma_start3A_47 = arith.constant 0 : i32
          %dma_start3A_48 = tpu.memref_slice %arg2[%add3A_20, %dma_start3A_47] : memref<312x8192xi32, #tpu.memory_space<hbm>> -> memref<1x8192xi32, #tpu.memory_space<hbm>>
          %dma_start3A_49 = tpu.memref_squeeze %dma_start3A_48 : memref<1x8192xi32, #tpu.memory_space<hbm>> -> memref<8192xi32, #tpu.memory_space<hbm>>
          tpu.enqueue_dma source(%dma_start3A_49 : memref<8192xi32, #tpu.memory_space<hbm>>) target(%arg6 : memref<8192xi32, #tpu.memory_space<vmem>>) target_semaphore(%run_scoped3A : memref<!tpu.dma_semaphore, #tpu.memory_space<semaphore_mem>>)
          %dma_wait3A = arith.constant 0 : i32
          %dma_wait3A_50 = tpu.memref_slice %arg2[%add3A_20, %dma_wait3A] : memref<312x8192xi32, #tpu.memory_space<hbm>> -> memref<1x8192xi32, #tpu.memory_space<hbm>>
          %dma_wait3A_51 = tpu.memref_squeeze %dma_wait3A_50 : memref<1x8192xi32, #tpu.memory_space<hbm>> -> memref<8192xi32, #tpu.memory_space<hbm>>
          %dma_wait3A_52 = arith.constant 0 : i32
          %dma_wait3A_53 = tpu.memref_slice %arg2[%add3A_20, %dma_wait3A_52] : memref<312x8192xi32, #tpu.memory_space<hbm>> -> memref<1x8192xi32, #tpu.memory_space<hbm>>
          %dma_wait3A_54 = tpu.memref_squeeze %dma_wait3A_53 : memref<1x8192xi32, #tpu.memory_space<hbm>> -> memref<8192xi32, #tpu.memory_space<hbm>>
          tpu.wait_dma2 semaphore(%run_scoped3A : memref<!tpu.dma_semaphore, #tpu.memory_space<semaphore_mem>>) src(%dma_wait3A_54 : memref<8192xi32, #tpu.memory_space<hbm>>) dst(%arg6 : memref<8192xi32, #tpu.memory_space<vmem>>)
          tpu.yield
        }) : () -> ()
        %sub3A_21 = arith.constant 1 : i32
        %sub3A_22 = arith.subi %reduce_sum3A_7, %sub3A_21 : i32
        %while3A = arith.constant 0 : i32
        %while3A_23 = arith.constant 0 : i32
        %while3A_24 = arith.subi %sub3A_22, %while3A_23 : i32
        %while3A_25 = arith.addi %while3A_23, %while3A_24 : i32
        %while3A_26 = arith.constant 1 : i32
        %while3A_27 = arith.divsi %while3A_24, %while3A_26 : i32
        %while3A_28 = arith.muli %while3A_27, %while3A_26 : i32
        %while3A_29 = arith.addi %while3A_23, %while3A_28 : i32
        %while3A_30 = arith.constant 1 : i32
        scf.for %while3A_45 = %while3A_23 to %while3A_29 step %while3A_30  : i32 {
          %sub3A_46 = arith.constant 2 : i32
          %sub3A_47 = arith.subi %reduce_sum3A_7, %sub3A_46 : i32
          %sub3A_48 = arith.subi %sub3A_47, %while3A_45 : i32
          %mul3A_49 = arith.constant 8 : i32
          %mul3A_50 = arith.muli %sub3A_48, %mul3A_49 : i32
          %add3A_51 = arith.addi %mul3A_50, %add3A : i32
          "tpu.region"() ({
            %run_scoped3A = tpu.sem_alloc : memref<!tpu.dma_semaphore, #tpu.memory_space<semaphore_mem>>
            %dma_start3A = arith.constant 0 : i32
            %dma_start3A_58 = tpu.memref_slice %arg2[%add3A_51, %dma_start3A] : memref<312x8192xi32, #tpu.memory_space<hbm>> -> memref<1x8192xi32, #tpu.memory_space<hbm>>
            %dma_start3A_59 = tpu.memref_squeeze %dma_start3A_58 : memref<1x8192xi32, #tpu.memory_space<hbm>> -> memref<8192xi32, #tpu.memory_space<hbm>>
            %dma_start3A_60 = arith.constant 0 : i32
            %dma_start3A_61 = tpu.memref_slice %arg2[%add3A_51, %dma_start3A_60] : memref<312x8192xi32, #tpu.memory_space<hbm>> -> memref<1x8192xi32, #tpu.memory_space<hbm>>
            %dma_start3A_62 = tpu.memref_squeeze %dma_start3A_61 : memref<1x8192xi32, #tpu.memory_space<hbm>> -> memref<8192xi32, #tpu.memory_space<hbm>>
            tpu.enqueue_dma source(%dma_start3A_62 : memref<8192xi32, #tpu.memory_space<hbm>>) target(%arg5 : memref<8192xi32, #tpu.memory_space<vmem>>) target_semaphore(%run_scoped3A : memref<!tpu.dma_semaphore, #tpu.memory_space<semaphore_mem>>)
            %dma_wait3A = arith.constant 0 : i32
            %dma_wait3A_63 = tpu.memref_slice %arg2[%add3A_51, %dma_wait3A] : memref<312x8192xi32, #tpu.memory_space<hbm>> -> memref<1x8192xi32, #tpu.memory_space<hbm>>
            %dma_wait3A_64 = tpu.memref_squeeze %dma_wait3A_63 : memref<1x8192xi32, #tpu.memory_space<hbm>> -> memref<8192xi32, #tpu.memory_space<hbm>>
            %dma_wait3A_65 = arith.constant 0 : i32
            %dma_wait3A_66 = tpu.memref_slice %arg2[%add3A_51, %dma_wait3A_65] : memref<312x8192xi32, #tpu.memory_space<hbm>> -> memref<1x8192xi32, #tpu.memory_space<hbm>>
            %dma_wait3A_67 = tpu.memref_squeeze %dma_wait3A_66 : memref<1x8192xi32, #tpu.memory_space<hbm>> -> memref<8192xi32, #tpu.memory_space<hbm>>
            tpu.wait_dma2 semaphore(%run_scoped3A : memref<!tpu.dma_semaphore, #tpu.memory_space<semaphore_mem>>) src(%dma_wait3A_67 : memref<8192xi32, #tpu.memory_space<hbm>>) dst(%arg5 : memref<8192xi32, #tpu.memory_space<vmem>>)
            tpu.yield
          }) : () -> ()
          %scan3A_52 = arith.constant 0 : i32
          %scan3A_53 = arith.constant 0 : i32
          %scan3A_54 = arith.constant 512 : i32
          %scan3A_55 = arith.addi %scan3A_53, %scan3A_54 : i32
          %scan3A_56 = arith.constant 1 : i32
          scf.for %scan3A_58 = %scan3A_53 to %scan3A_55 step %scan3A_56  : i32 {
            %mul3A_59 = arith.constant 16 : i32
            %mul3A_60 = arith.muli %scan3A_58, %mul3A_59 : i32
            %get3A_61 = arith.index_cast %mul3A_60 : i32 to index
            %get3A_62 = tpu.vector_load %arg6[%get3A_61] {strides = array<i32>} : memref<8192xi32, #tpu.memory_space<vmem>>, vector<16xi32>,
            %gather3A = tpu.vector_load_idx %arg5[%get3A_62] : memref<8192xi32, #tpu.memory_space<vmem>>[vector<16xi32>], vector<16xi32>,
            %mul3A_63 = arith.constant 16 : i32
            %mul3A_64 = arith.muli %scan3A_58, %mul3A_63 : i32
            %swap3A = arith.index_cast %mul3A_64 : i32 to index
            %swap3A_65 = tpu.vector_load %arg6[%swap3A] {strides = array<i32>} : memref<8192xi32, #tpu.memory_space<vmem>>, vector<16xi32>,
            tpu.vector_store %arg6[%swap3A], %gather3A {strides = array<i32>} : memref<8192xi32, #tpu.memory_space<vmem>>, vector<16xi32>,
          }
          %scan3A_57 = arith.constant 512 : i32
        }
        %while3A_31 = arith.constant 1 : i32
        scf.for %while3A_45 = %while3A_29 to %while3A_25 step %while3A_31  : i32 {
          %sub3A_46 = arith.constant 2 : i32
          %sub3A_47 = arith.subi %reduce_sum3A_7, %sub3A_46 : i32
          %sub3A_48 = arith.subi %sub3A_47, %while3A_45 : i32
          %mul3A_49 = arith.constant 8 : i32
          %mul3A_50 = arith.muli %sub3A_48, %mul3A_49 : i32
          %add3A_51 = arith.addi %mul3A_50, %add3A : i32
          "tpu.region"() ({
            %run_scoped3A = tpu.sem_alloc : memref<!tpu.dma_semaphore, #tpu.memory_space<semaphore_mem>>
            %dma_start3A = arith.constant 0 : i32
            %dma_start3A_58 = tpu.memref_slice %arg2[%add3A_51, %dma_start3A] : memref<312x8192xi32, #tpu.memory_space<hbm>> -> memref<1x8192xi32, #tpu.memory_space<hbm>>
            %dma_start3A_59 = tpu.memref_squeeze %dma_start3A_58 : memref<1x8192xi32, #tpu.memory_space<hbm>> -> memref<8192xi32, #tpu.memory_space<hbm>>
            %dma_start3A_60 = arith.constant 0 : i32
            %dma_start3A_61 = tpu.memref_slice %arg2[%add3A_51, %dma_start3A_60] : memref<312x8192xi32, #tpu.memory_space<hbm>> -> memref<1x8192xi32, #tpu.memory_space<hbm>>
            %dma_start3A_62 = tpu.memref_squeeze %dma_start3A_61 : memref<1x8192xi32, #tpu.memory_space<hbm>> -> memref<8192xi32, #tpu.memory_space<hbm>>
            tpu.enqueue_dma source(%dma_start3A_62 : memref<8192xi32, #tpu.memory_space<hbm>>) target(%arg5 : memref<8192xi32, #tpu.memory_space<vmem>>) target_semaphore(%run_scoped3A : memref<!tpu.dma_semaphore, #tpu.memory_space<semaphore_mem>>)
            %dma_wait3A = arith.constant 0 : i32
            %dma_wait3A_63 = tpu.memref_slice %arg2[%add3A_51, %dma_wait3A] : memref<312x8192xi32, #tpu.memory_space<hbm>> -> memref<1x8192xi32, #tpu.memory_space<hbm>>
            %dma_wait3A_64 = tpu.memref_squeeze %dma_wait3A_63 : memref<1x8192xi32, #tpu.memory_space<hbm>> -> memref<8192xi32, #tpu.memory_space<hbm>>
            %dma_wait3A_65 = arith.constant 0 : i32
            %dma_wait3A_66 = tpu.memref_slice %arg2[%add3A_51, %dma_wait3A_65] : memref<312x8192xi32, #tpu.memory_space<hbm>> -> memref<1x8192xi32, #tpu.memory_space<hbm>>
            %dma_wait3A_67 = tpu.memref_squeeze %dma_wait3A_66 : memref<1x8192xi32, #tpu.memory_space<hbm>> -> memref<8192xi32, #tpu.memory_space<hbm>>
            tpu.wait_dma2 semaphore(%run_scoped3A : memref<!tpu.dma_semaphore, #tpu.memory_space<semaphore_mem>>) src(%dma_wait3A_67 : memref<8192xi32, #tpu.memory_space<hbm>>) dst(%arg5 : memref<8192xi32, #tpu.memory_space<vmem>>)
            tpu.yield
          }) : () -> ()
          %scan3A_52 = arith.constant 0 : i32
          %scan3A_53 = arith.constant 0 : i32
          %scan3A_54 = arith.constant 512 : i32
          %scan3A_55 = arith.addi %scan3A_53, %scan3A_54 : i32
          %scan3A_56 = arith.constant 1 : i32
          scf.for %scan3A_58 = %scan3A_53 to %scan3A_55 step %scan3A_56  : i32 {
            %mul3A_59 = arith.constant 16 : i32
            %mul3A_60 = arith.muli %scan3A_58, %mul3A_59 : i32
            %get3A_61 = arith.index_cast %mul3A_60 : i32 to index
            %get3A_62 = tpu.vector_load %arg6[%get3A_61] {strides = array<i32>} : memref<8192xi32, #tpu.memory_space<vmem>>, vector<16xi32>,
            %gather3A = tpu.vector_load_idx %arg5[%get3A_62] : memref<8192xi32, #tpu.memory_space<vmem>>[vector<16xi32>], vector<16xi32>,
            %mul3A_63 = arith.constant 16 : i32
            %mul3A_64 = arith.muli %scan3A_58, %mul3A_63 : i32
            %swap3A = arith.index_cast %mul3A_64 : i32 to index
            %swap3A_65 = tpu.vector_load %arg6[%swap3A] {strides = array<i32>} : memref<8192xi32, #tpu.memory_space<vmem>>, vector<16xi32>,
            tpu.vector_store %arg6[%swap3A], %gather3A {strides = array<i32>} : memref<8192xi32, #tpu.memory_space<vmem>>, vector<16xi32>,
          }
          %scan3A_57 = arith.constant 512 : i32
        }
        %scan3A_32 = arith.constant 0 : i32
        %scan3A_33 = arith.constant 0 : i32
        %scan3A_34 = arith.constant 76 : i32
        %scan3A_35 = arith.addi %scan3A_33, %scan3A_34 : i32
        %scan3A_36 = arith.constant 1 : i32
        scf.for %scan3A_45 = %scan3A_33 to %scan3A_35 step %scan3A_36  : i32 {
          %mul3A_46 = arith.constant 16 : i32
          %mul3A_47 = arith.muli %scan3A_45, %mul3A_46 : i32
          %get3A_48 = arith.index_cast %mul3A_47 : i32 to index
          %get3A_49 = tpu.vector_load %arg6[%get3A_48] {strides = array<i32>} : memref<8192xi32, #tpu.memory_space<vmem>>, vector<16xi32>,
          %broadcast_in_dim3A_50 = arith.constant 1 : i32
          %broadcast_in_dim3A_51 = vector.broadcast %broadcast_in_dim3A_50 : i32 to vector<16xi32>
          tpu.vector_store_idx %arg7[%get3A_49], %broadcast_in_dim3A_51 : memref<8192xi32, #tpu.memory_space<vmem>>[vector<16xi32>], vector<16xi32>,
        }
        %scan3A_37 = arith.constant 76 : i32
        %get3A_38 = arith.constant 1216 : index
        %get3A_39 = tpu.vector_load %arg6[%get3A_38] {strides = array<i32>} : memref<8192xi32, #tpu.memory_space<vmem>>, vector<16xi32>,
        %broadcast_in_dim3A_40 = arith.constant 1 : i32
        %broadcast_in_dim3A_41 = vector.broadcast %broadcast_in_dim3A_40 : i32 to vector<16xi32>
        %lt3A_42 = arith.constant 12 : i32
        %lt3A_43 = vector.broadcast %lt3A_42 : i32 to vector<16xi32>
        %lt3A_44 = arith.cmpi slt, %iota3A, %lt3A_43 : vector<16xi32>
        tpu.vector_store_idx %arg7[%get3A_39], %broadcast_in_dim3A_41 masked %lt3A_44 : memref<8192xi32, #tpu.memory_space<vmem>>[vector<16xi32>], vector<16xi32>, vector<16xi1>
      } else {
      }
      "tpu.region"() ({
        %run_scoped3A = tpu.sem_alloc : memref<!tpu.dma_semaphore, #tpu.memory_space<semaphore_mem>>
        %dma_start3A = arith.constant 0 : i32
        %dma_start3A_17 = tpu.memref_slice %arg4[%add3A, %dma_start3A] : memref<8x8192xi32, #tpu.memory_space<hbm>> -> memref<1x8192xi32, #tpu.memory_space<hbm>>
        %dma_start3A_18 = tpu.memref_squeeze %dma_start3A_17 : memref<1x8192xi32, #tpu.memory_space<hbm>> -> memref<8192xi32, #tpu.memory_space<hbm>>
        %dma_start3A_19 = arith.constant 0 : i32
        %dma_start3A_20 = tpu.memref_slice %arg4[%add3A, %dma_start3A_19] : memref<8x8192xi32, #tpu.memory_space<hbm>> -> memref<1x8192xi32, #tpu.memory_space<hbm>>
        %dma_start3A_21 = tpu.memref_squeeze %dma_start3A_20 : memref<1x8192xi32, #tpu.memory_space<hbm>> -> memref<8192xi32, #tpu.memory_space<hbm>>
        tpu.enqueue_dma source(%arg7 : memref<8192xi32, #tpu.memory_space<vmem>>) target(%dma_start3A_21 : memref<8192xi32, #tpu.memory_space<hbm>>) target_semaphore(%run_scoped3A : memref<!tpu.dma_semaphore, #tpu.memory_space<semaphore_mem>>)
        %dma_wait3A = arith.constant 0 : i32
        %dma_wait3A_22 = tpu.memref_slice %arg4[%add3A, %dma_wait3A] : memref<8x8192xi32, #tpu.memory_space<hbm>> -> memref<1x8192xi32, #tpu.memory_space<hbm>>
        %dma_wait3A_23 = tpu.memref_squeeze %dma_wait3A_22 : memref<1x8192xi32, #tpu.memory_space<hbm>> -> memref<8192xi32, #tpu.memory_space<hbm>>
        %dma_wait3A_24 = arith.constant 0 : i32
        %dma_wait3A_25 = tpu.memref_slice %arg4[%add3A, %dma_wait3A_24] : memref<8x8192xi32, #tpu.memory_space<hbm>> -> memref<1x8192xi32, #tpu.memory_space<hbm>>
        %dma_wait3A_26 = tpu.memref_squeeze %dma_wait3A_25 : memref<1x8192xi32, #tpu.memory_space<hbm>> -> memref<8192xi32, #tpu.memory_space<hbm>>
        tpu.wait_dma2 semaphore(%run_scoped3A : memref<!tpu.dma_semaphore, #tpu.memory_space<semaphore_mem>>) src(%arg7 : memref<8192xi32, #tpu.memory_space<vmem>>) dst(%dma_wait3A_26 : memref<8192xi32, #tpu.memory_space<hbm>>)
        tpu.yield
      }) : () -> ()
    } else {
    }
    return
  }
}

module attributes {stable_mosaic.version = 14 : i64} {
  func.func @_expert_matmul_kernel(%arg0: i32, %arg1: i32, %arg2: memref<1x256x1024xf32, #tpu.memory_space<vmem>>, %arg3: memref<1x1024x1024xf32, #tpu.memory_space<vmem>>, %arg4: memref<1x1x1024xf32, #tpu.memory_space<vmem>>, %arg5: memref<1x256x1024xf32, #tpu.memory_space<vmem>>) attributes {dimension_semantics = [#tpu.dimension_semantics<arbitrary>, #tpu.dimension_semantics<arbitrary>], iteration_bounds = array<i64: 8, 5>, scalar_prefetch = 0 : i64, scratch_operands = 0 : i64, tpu.core_type = #tpu.core_type<tc>, window_params = [{transform_indices = @transform_0, window_bounds = array<i64: 1, 256, 1024>}, {transform_indices = @transform_1, window_bounds = array<i64: 1, 1024, 1024>}, {transform_indices = @transform_2, window_bounds = array<i64: 1, 1, 1024>}, {transform_indices = @transform_3, window_bounds = array<i64: 1, 256, 1024>}]} {
    %get3A = arith.constant 0 : index
    %get3A_0 = arith.constant 0 : index
    %get3A_1 = arith.constant 0 : index
    %get3A_2 = vector.load %arg2[%get3A, %get3A_0, %get3A_1] : memref<1x256x1024xf32, #tpu.memory_space<vmem>>, vector<1x256x1024xf32>
    %get3A_3 = vector.shape_cast %get3A_2 : vector<1x256x1024xf32> to vector<256x1024xf32>
    %get3A_4 = arith.constant 0 : index
    %get3A_5 = arith.constant 0 : index
    %get3A_6 = arith.constant 0 : index
    %get3A_7 = vector.load %arg3[%get3A_4, %get3A_5, %get3A_6] : memref<1x1024x1024xf32, #tpu.memory_space<vmem>>, vector<1x1024x1024xf32>
    %get3A_8 = vector.shape_cast %get3A_7 : vector<1x1024x1024xf32> to vector<1024x1024xf32>
    %dot_general3A = arith.constant dense<0.000000e+00> : vector<256x1024xf32>
    %dot_general3A_9 = tpu.matmul %get3A_3, %get3A_8, %dot_general3A {dimension_numbers = #tpu.dot_dimension_numbers<[1], [1], [0], [0], [0, 0, 1, 0], [], []>, transpose_lhs_hint = false} : vector<256x1024xf32>, vector<1024x1024xf32>, vector<256x1024xf32> -> vector<256x1024xf32>
    %get3A_10 = arith.constant 0 : index
    %get3A_11 = arith.constant 0 : index
    %get3A_12 = arith.constant 0 : index
    %get3A_13 = vector.load %arg4[%get3A_10, %get3A_11, %get3A_12] : memref<1x1x1024xf32, #tpu.memory_space<vmem>>, vector<1x1x1024xf32>
    %get3A_14 = vector.shape_cast %get3A_13 : vector<1x1x1024xf32> to vector<1x1024xf32>
    %add3A = vector.broadcast %get3A_14 : vector<1x1024xf32> to vector<256x1024xf32>
    %add3A_15 = arith.addf %dot_general3A_9, %add3A : vector<256x1024xf32>
    %swap3A = arith.constant 0 : index
    %swap3A_16 = arith.constant 0 : index
    %swap3A_17 = arith.constant 0 : index
    %swap3A_18 = vector.load %arg5[%swap3A, %swap3A_16, %swap3A_17] : memref<1x256x1024xf32, #tpu.memory_space<vmem>>, vector<1x256x1024xf32>
    %swap3A_19 = vector.shape_cast %swap3A_18 : vector<1x256x1024xf32> to vector<256x1024xf32>
    %swap3A_20 = vector.shape_cast %add3A_15 : vector<256x1024xf32> to vector<1x256x1024xf32>
    tpu.vector_store %arg5[%swap3A, %swap3A_16, %swap3A_17], %swap3A_20 {strides = array<i32>} : memref<1x256x1024xf32, #tpu.memory_space<vmem>>, vector<1x256x1024xf32>,
    return
  }
  func.func @transform_0(%arg0: i32, %arg1: i32) -> (i32, i32, i32) {
    %c0_i32 = arith.constant 0 : i32
    %c0_i32_0 = arith.constant 0 : i32
    return %arg0, %arg1, %c0_i32 : i32, i32, i32
  }
  func.func @transform_1(%arg0: i32, %arg1: i32) -> (i32, i32, i32) {
    %c0_i32 = arith.constant 0 : i32
    %c0_i32_0 = arith.constant 0 : i32
    %c0_i32_1 = arith.constant 0 : i32
    return %arg0, %c0_i32, %c0_i32_0 : i32, i32, i32
  }
  func.func @transform_2(%arg0: i32, %arg1: i32) -> (i32, i32, i32) {
    %c0_i32 = arith.constant 0 : i32
    %c0_i32_0 = arith.constant 0 : i32
    %c0_i32_1 = arith.constant 0 : i32
    return %arg0, %c0_i32, %c0_i32_0 : i32, i32, i32
  }
  func.func @transform_3(%arg0: i32, %arg1: i32) -> (i32, i32, i32) {
    %c0_i32 = arith.constant 0 : i32
    %c0_i32_0 = arith.constant 0 : i32
    return %arg0, %arg1, %c0_i32 : i32, i32, i32
  }
}

</mosaic_0001>

<sc_bundles>
// kernel: gather_offload_async_start.1
scs
__scs_entry_jumppad:
0x0: {  	(pc) =	sbr.rel $0x88, $3  }
0x1: {  	(tag) =	ssettag $0x0;
	lr =	simm.s32 $0x1  }
0x2: {  	[smem:$0x3F9C] =	sst lr;
	_ =	strace $0xD0000000  }
0x3: {  	_ = 	snop  }
0x4: {  	_ = 	snop  }
0x5: {  	_ = 	snop  }
0x6: {  	_ = 	snop  }
0x7: {  	_ = 	snop  }
__scs_overlays_trampoline_lowered:
0x8: {  	[smem:$0x3FAB] =	sst s0  }
0x9: {  	[smem:$0x3FAC] =	sst s1  }
0xa: {  	[smem:$0x3FAD] =	sst s2  }
0xb: {  	[smem:$0x3FAE] =	sst s3  }
0xc: {  	[smem:$0x3FAF] =	sst s4  }
0xd: {  	[smem:$0x3FB0] =	sst s5  }
0xe: {  	[smem:$0x3FB1] =	sst s6  }
0xf: {  	[smem:$0x3FB2] =	sst s7  }
0x10: {  	[smem:$0x3FB3] =	sst s8  }
0x11: {  	[smem:$0x3FB4] =	sst s9;
	s0 =	simm.s32 @!p0 $0x0  }
0x12: {  	s1 =	sld [smem:$0x3F9A];
	s0 =	simm.s32 @p0 $0x1  }
0x13: {  	[smem:$0x3FB5] =	sst s0;
	s0 =	simm.s32 @!p1 $0x0  }
0x14: {  	s2 =	sld [smem:$0x3F99];
	s0 =	simm.s32 @p1 $0x1  }
0x15: {  	[smem:$0x3FB6] =	sst s0;
	s0 =	simm.s32 @!p2 $0x0  }
0x16: {  	s3 =	sld [smem:$0x3FDB];
	s0 =	simm.s32 @p2 $0x1  }
0x17: {  	s4 =	simm.s32 $0x1BF5;
	[smem:$0x3FB8] =	sst s0  }
0x18: {  	s0 =	sld [smem:$0x3F9B];
	_ =	swait.ge [sflag:s4], $0x0  }
0x19: {  	s7 =	sld [smem:$0x3F9C]  }
0x1a: {  	s8 =	sadd.s32 $0xFFFFE003, lr  }
0x1b: {  	s9 =	sadd.s32 $0xFFFFFEF7, lr;
	s5 =	simm.s32 $0xFFFFFFFF;
	p2 =	slt.u32 s8, $0xFFFFF086  }
0x1c: {  	p1 =	slt.u32 s9, $0xF7A;
	s5 =	simm.s32 @!p2 $0x0  }
0x1d: {  	s5 =	simm.s32 @p1 $0x1;
	p0 =	seq.s32 s7, s2  }
0x1e: {  	s7 =	smul.u32 @!p0 $0xF7A, s2;
	p2 =	seq.s32 @!p0 s5, $0x0  }
0x1f: {  	s9 =	smul.u32 $0xF7A, s1;
	s8 =	simm.s32 @!p0 $0x1BF5;
	p2 =	por !p2, p0  }
0x20: {  	[sflag:s8] =	ssyncset.s32 @!p0 $0xFFFFF086;
	s6 =	sadd.s32 @!p0 s3, s7;
	s7 =	simm.s32 @!p0 $0x108  }
0x21: {  	s3 =	sadd.s32 s3, s9;
	s6 =	sadd.s32 @!p0 $0x88, s6;
	s7 =	simm.s32 @p2 $0x1082  }
0x22: {  	[simem:s7], [sflag:s8] =	dma.local @!p0 [hbm:s6], $0xF7A  }
0x23: {  	s9 =	sor.u32 $0xD0000000, s2;
	s6 =	simm.s32 $0x108;
	_ =	swait.ge @!p0 [sflag:s8], $0x0  }
0x24: {  	s3 =	sadd.s32 $0x88, s3;
	s6 =	simm.s32 @!p1 $0x1082;
	[sflag:s4] =	ssyncset.s32 $0xFFFFF086  }
0x25: {  	[simem:s6], [sflag:s4] =	dma.local [hbm:s3], $0xF7A  }
0x26: {  	[smem:$0x3F9C] =	sst s1;
	(tag) =	ssettag s2;
	_ =	strace s9  }
0x27: {  	s1 =	sld [smem:$0x3FAC]  }
0x28: {  	s2 =	sld [smem:$0x3FAD]  }
0x29: {  	s4 =	sld [smem:$0x3FAF]  }
0x2a: {  	p0 =	seq.s32 s5, $0x0;
	s5 =	sld [smem:$0x3FB0]  }
0x2b: {  	s6 =	sld [smem:$0x3FB1]  }
0x2c: {  	s7 =	sld [smem:$0x3FB2]  }
0x2d: {  	s3 =	simm.s32 $0x108;
	s8 =	sld [smem:$0x3FB3]  }
0x2e: {  	s3 =	simm.s32 @!p0 $0x1082;
	s9 =	sld [smem:$0x3FB4]  }
0x2f: {  	lr =	sadd.s32 s0, s3;
	s0 =	sld [smem:$0x3FAB]  }
0x30: {  	s3 =	sld [smem:$0x3FAE]  }
0x31: {  	[smem:$0x3FB7] =	sst s10  }
0x32: {  	s10 =	sld [smem:$0x3FB5];
	_ =	sdelay $0x3  }
0x33: {  	p0 =	seq.s32 s10, $0x1;
	s10 =	sld [smem:$0x3FB7];
	_ =	sdelay $0x3  }
0x34: {  	[smem:$0x3FB7] =	sst s10  }
0x35: {  	s10 =	sld [smem:$0x3FB6];
	_ =	sdelay $0x3  }
0x36: {  	p1 =	seq.s32 s10, $0x1;
	s10 =	sld [smem:$0x3FB7];
	_ =	sdelay $0x3  }
0x37: {  	[smem:$0x3FB7] =	sst s10  }
0x38: {  	s10 =	sld [smem:$0x3FB8]  }
0x39: {  	_ = 	snop;
	(pc) =	sbr.ind lr, $3  }
0x3a: {  	_ = 	snop  }
0x3b: {  	_ = 	snop  }
0x3c: {  	p2 =	seq.s32 s10, $0x1;
	s10 =	sld [smem:$0x3FB7]  }
0x3d: {  	_ =	shalt  }
0x3e: {  	_ =	shalt  }
0x3f: {  	_ =	shalt  }
0x40: {  	_ =	shalt  }
0x41: {  	_ =	shalt  }
0x42: {  	_ =	shalt  }
0x43: {  	_ =	shalt  }
0x44: {  	_ =	shalt  }
0x45: {  	_ =	shalt  }
0x46: {  	_ =	shalt  }
0x47: {  	_ =	shalt  }
0x48: {  	_ =	shalt  }
0x49: {  	_ =	shalt  }
0x4a: {  	_ =	shalt  }
0x4b: {  	_ =	shalt  }
0x4c: {  	_ =	shalt  }
0x4d: {  	_ =	shalt  }
0x4e: {  	_ =	shalt  }
0x4f: {  	_ =	shalt  }
0x50: {  	_ =	shalt  }
0x51: {  	_ =	shalt  }
0x52: {  	_ =	shalt  }
0x53: {  	_ =	shalt  }
0x54: {  	_ =	shalt  }
0x55: {  	_ =	shalt  }
0x56: {  	_ =	shalt  }
0x57: {  	_ =	shalt  }
0x58: {  	_ =	shalt  }
0x59: {  	_ =	shalt  }
0x5a: {  	_ =	shalt  }
0x5b: {  	_ =	shalt  }
0x5c: {  	_ =	shalt  }
0x5d: {  	_ =	shalt  }
0x5e: {  	_ =	shalt  }
0x5f: {  	_ =	shalt  }
0x60: {  	_ =	shalt  }
0x61: {  	_ =	shalt  }
0x62: {  	_ =	shalt  }
0x63: {  	_ =	shalt  }
0x64: {  	_ =	shalt  }
0x65: {  	_ =	shalt  }
0x66: {  	_ =	shalt  }
0x67: {  	_ =	shalt  }
0x68: {  	_ =	shalt  }
0x69: {  	_ =	shalt  }
0x6a: {  	_ =	shalt  }
0x6b: {  	_ =	shalt  }
0x6c: {  	_ =	shalt  }
0x6d: {  	_ =	shalt  }
0x6e: {  	_ =	shalt  }
0x6f: {  	_ =	shalt  }
0x70: {  	_ =	shalt  }
0x71: {  	_ =	shalt  }
0x72: {  	_ =	shalt  }
0x73: {  	_ =	shalt  }
0x74: {  	_ =	shalt  }
0x75: {  	_ =	shalt  }
0x76: {  	_ =	shalt  }
0x77: {  	_ =	shalt  }
0x78: {  	_ =	shalt  }
0x79: {  	_ =	shalt  }
0x7a: {  	_ =	shalt  }
0x7b: {  	_ =	shalt  }
0x7c: {  	_ =	shalt  }
0x7d: {  	_ =	shalt  }
0x7e: {  	_ =	shalt  }
0x7f: {  	_ =	shalt  }
0x80: {  	_ =	shalt  }
0x81: {  	_ =	shalt  }
0x82: {  	_ =	shalt  }
0x83: {  	_ =	shalt  }
0x84: {  	_ =	shalt  }
0x85: {  	_ =	shalt  }
0x86: {  	_ =	shalt  }
0x87: {  	_ =	shalt  }
.Lfunc_end0:
.L_simem_size_0:
called_computation.1_lowered:
.L_overlay_start_0:
0x88: {  	s2 =	sld [smem:$0x3FD9]  }
0x89: {  	s3 =	sld [smem:$0x3FFE];
	_ =	sdelay $0x1  }
0x8a: {  	s1 =	srdreg.scid  }
0x8b: {  	s0 =	sand.u32 $0x1, s1  }
0x8c: {  	s17 =	sshll.u32 s0, $0xA;
	s2 =	sadd.s32 s3, s2  }
0x8d: {  	s2 =	sadd.s32 s2, s17  }
0x8e: {  	[smem:$0x3FC3] =	sst s2  }
0x8f: {  	_ = 	snop  }
0x90: {  	s2 =	sld [smem:$0x3FD0];
	(tm) =	ssettm $0x1  }
0x91: {  	s18 =	sld [smem:$0x3FFB];
	_ =	sdelay $0x3  }
0x92: {  	_ =	strace s18  }
0x93: {  	s3 =	sld [smem:$0x3FFC];
	_ =	sdelay $0x3  }
0x94: {  	_ =	strace s3  }
0x95: {  	s3 =	sld [smem:$0x3FFD];
	_ =	sdelay $0x3  }
0x96: {  	_ =	strace s3  }
0x97: {  	_ =	strace $0x8FFFFFFF  }
0x98: {  	s19 =	sld [smem:$0x3FDB];
	_ =	sdelay $0x1  }
0x99: {  	s4 =	simm.s32 $_scs_section_size  }
0x9a: {  	s5 =	simm.s32 $_size__tile_overlayer_lowered;
	s6 =	simm.s32 $_tile_overlayer_lowered  }
0x9b: {  	s22 =	simm.s32 $0x1BFF;
	s21 =	sshll.u32 s6, $0x1;
	s3 =	sadd.s32 s4, s19  }
0x9c: {  	s7 =	simm.s32 $0x0;
	s20 =	sshll.u32 s5, $0x1;
	s5 =	sadd.s32 s21, s3  }
0x9d: {  	[timem:s7], [sflag:s22] =	dma.local [hbm:s5], s20  }
0x9e: {  	_ =	swait.ge [sflag:s22], s20  }
0x9f: {  	s4 =	ssub.s32 $0x0, s20;
	[sflag:s22] =	ssyncset.done $0x0  }
0xa0: {  	[sflag:s22] =	ssyncadd.s32 s4;
	_ =	sdelay $0x1  }
0xa1: {  	s23 =	simm.s32 $0x1B8B  }
0xa2: {  	_ =	swait.ge [sflag:s23], $0x1  }
0xa3: {  	[sflag:s23] =	ssyncset.done $0x0  }
0xa4: {  	s25 =	simm.s32 $0x1B8E;
	s24 =	sld [smem:$0x3FFE];
	[sflag:s23] =	ssyncadd.s32 $0xFFFFFFFF  }
0xa5: {  	s26 =	simm.s32 $execute0_lowered;
	[smem:$0x3FD2] =	sst s25  }
0xa6: {  	s5 =	sshll.u32 s26, $0x1;
	_ =	strace $0x80000052;
	[dreg:$0x1] =	wrdreg $0xFFFFFFFF  }
0xa7: {  	s28 =	simm.s32 $_size_execute0_lowered;
	s3 =	sadd.s32 s3, s5;
	[dreg:$0x0] =	wrdreg $0x0  }
0xa8: {  	s5 =	sshll.u32 s28, $0x1;
	[dreg:$0x2] =	wrdreg s3  }
0xa9: {  	[dreg:$0x3] =	wrdreg s5  }
0xaa: {  	[dreg:$0x4] =	wrdreg $0xC0  }
0xab: {  	_ =	task [dreg:s7], $0x5FFFF  }
0xac: {  	[dreg:$0x1] =	wrdreg $0xFFFFFFFF  }
0xad: {  	[dreg:$0x0] =	wrdreg $0x60  }
0xae: {  	[dreg:$0x2] =	wrdreg s2  }
0xaf: {  	[dreg:$0x3] =	wrdreg s24  }
0xb0: {  	[dreg:$0x4] =	wrdreg $0x9  }
0xb1: {  	_ =	task.clear_ibuf [dreg:s7], $0x5FFFF;
	_ =	strace $0x90000052  }
0xb2: {  	s29 =	simm.s32 $0x9;
	_ =	strace $0x80000054  }
0xb3: {  	_ =	swait.ge [sflag:s29], $0x1  }
0xb4: {  	[sflag:s29] =	ssyncadd.s32 $0xFFFFFFFF  }
0xb5: {  	_ =	strace $0x90000054  }
0xb6: {  	_ =	sfence  }
0xb7: {  	s30 =	sld [smem:$0x0];
	_ =	sdelay $0x2  }
0xb8: {  	s31 =	sshll.u32 s1, $0xD;
	s1 =	sshrl.u32 s1, $0x2  }
0xb9: {  	s3 =	sand.u32 $0x4000, s31;
	s1 =	sadd.s32 s1, s30  }
0xba: {  	s0 =	sor.u32 s3, s0;
	s1 =	sshll.u32 s1, $0x11  }
0xbb: {  	s0 =	sor.u32 s1, s0  }
0xbc: {  	s0 =	sadd.s32 $0x8F2B, s0  }
0xbd: {  	[sflag:s0] =	ssyncadd.remote.s32 $0x1  }
0xbe: {  	_ =	sfence.sel $0xFFFF  }
0xbf: {  	[dreg:$0x0] =	wrdreg $0xFFFFFFFF;
	(pc) =	sbr.abs _section_cstart, $3  }
0xc0: {  	[dreg:$0x1] =	wrdreg $0xFFFFFFFF  }
0xc1: {  	_ =	task.clear_ibuf [dreg:s7], $0x2FFFF;
	_ =	strace $0x9FFFFFFF  }
0xc2: {  	(tm) =	ssettm $0x7FFFFFFF  }
0xc3: {  	_ =	shalt  }
tec
execute0_lowered:
.L_overlay_start_1:
0x0: {  	(tag) =	ssettag $0x1  }
0x1: {  	s0 =	srdreg.scid  }
0x2: {  	s4 =	rddreg [dreg:$0x1];
	s1 =	sshll.u32 s0, $0x4  }
0x3: {  	s7 =	simm.s32 $0x1;
	s0 =	stileid.u32;
	s1 =	sand.u32 $0x10, s1  }
0x4: {  	s8 =	simm.s32 $0x3;
	s10 =	simm.s32 $0x4;
	s2 =	sor.u32 s0, s1  }
0x5: {  	s11 =	simm.s32 $0x0;
	s1 =	sshll.u32 s1, $0x5;
	s3 =	smin.u32 s2, $0x10  }
0x6: {  	s12 =	simm.s32 $0xFFFFF800;
	s1 =	sxor.u32 $0x200, s1;
	s3 =	sshll.u32 s3, $0x9  }
0x7: {  	s13 =	simm.s32 $0xFFFFFE00;
	s14 =	simm.s32 $0xFFFFFFFF;
	s5 =	sadd.s32 s1, s3  }
0x8: {  	s18 =	simm.s32 $0x0;
	s2 =	rddreg [dreg:$0x0];
	s5 =	smin.u32 s5, $0x2000  }
0x9: {  	s15 =	simm.s32 $0x0;
	s1 =	rddreg [dreg:$0x2];
	s9 =	ssub.s32 s5, s3  }
.Ltmp0:
0xa: {  	_ =	strace $0x80000053;
	p0 =	sgt.s32 s9, $0x0;
	(pc) =	sbr.rel .LBB2_1-.Ltmp0, $4  }
0xb: {  	[sflag:s7] =	ssyncpa.u1 $0x0;
	s7 =	simm.s32 $0x2;
	s9 =	simm.s32 @!p0 $0x0  }
0xc: {  	s17 =	simm.s32 $0x0;
	[sflag:s7] =	ssyncpa.u1 $0x0;
	s9 =	sadd.s32 $0x1FF, s9  }
0xd: {  	s6 =	sadd.s32 $0x1200, s4;
	[sflag:s8] =	ssyncpa.u1 $0x0;
	s9 =	sshrl.u32 s9, $0x9  }
0xe: {  	v0 =	vlaneseq.u32;
	vm0 =	vmmov $0xffff;
	s16 =	smov.u32 s3;
	[sflag:s10] =	ssyncpa.u1 $0x0;
	s10 =	sadd.s32 $0x2, s9  }
.LBB2_7:
0xf: {  	p0 =	slt.u32 s17, $0x3  }
0x10: {  	s18 =	simm.s32 @!p0 $0x4  }
0x11: {  	_ =	swait.ge @!p0 [sflag:s18], $0x80  }
0x12: {  	s19 =	sadd.s32 $0x200, s16;
	[sflag:s18] =	ssyncset.done @!p0 $0x0  }
0x13: {  	s20 =	smov.u32 s3;
	[sflag:s18] =	ssyncadd.s32 @!p0 $0xFFFFFF80;
	p0 =	slt.s32 s19, s5  }
0x14: {  	s20 =	smov.u32 @p0 s19;
	p0 =	sne.s32 s17, s10  }
.Ltmp1:
0x15: {  	_ = 	snop;
	(pc) =	sbr.rel @!p0 .LBB2_8-.Ltmp1, $4  }
0x16: {  	_ = 	snop  }
0x17: {  	s31 =	sadd.s32 $0x1, s17;
	s12 =	sadd.s32 $0x800, s12  }
0x18: {  	s13 =	sadd.s32 $0x200, s13;
	s14 =	sadd.s32 $0x1, s14;
	s18 =	smov.u32 s15  }
0x19: {  	s15 =	smov.u32 s16;
	s17 =	smov.u32 s31;
	s16 =	smov.u32 s20  }
.LBB2_1:
0x1a: {  	p0 =	sge.u32 s17, s9  }
0x1b: {  	s19 =	smulhi.u32 @!p0 $0xAAAAAAAB, s17;
	_ =	sdelay $0x1  }
0x1c: {  	s19 =	sshrl.u32 @!p0 s19, $0x1  }
0x1d: {  	s19 =	smul.u32 @!p0 $0x3, s19;
	_ =	sdelay $0x1  }
0x1e: {  	s31 =	sadd.s32 $0xFFFFFFFF, s17;
	s20 =	sshrl.u32 @!p0 s16, $0x3;
	s19 =	ssub.s32 @!p0 s17, s19  }
0x1f: {  	s21 =	sand.u32 @!p0 $0x7, s16;
	s20 =	sadd.s32 @!p0 s4, s20;
	s19 =	sshll.u32 @!p0 s19, $0x9  }
0x20: {  	[tilespmem:s19], [sflag:$0x2] =	stream.linear.gather @!p0 [hbm4b:s20+s21], $0x200, $0x38;
	[tilespmem:$0xB00] =	vst v63  }
0x21: {  	p0 =	sge.u32 s31, s9  }
.Ltmp2:
0x22: {  	_ = 	snop;
	(pc) =	sbr.rel @p0 .LBB2_5-.Ltmp2, $1  }
0x23: {  	_ =	sdelay $0x3  }
0x24: {  	s19 =	smulhi.u32 $0xAAAAAAAB, s14;
	_ =	sdelay $0x1  }
0x25: {  	s19 =	sshrl.u32 s19, $0x1  }
0x26: {  	s19 =	smul.u32 $0xFFFFE800, s19;
	_ =	sdelay $0x1  }
0x27: {  	_ =	swait.ge [sflag:s7], $0x200;
	s19 =	sshra.s32 s19, $0x2  }
0x28: {  	[sflag:s7] =	ssyncset.done $0x0;
	s21 =	sadd.s32 s19, s13  }
0x29: {  	[sflag:s7] =	ssyncadd.s32 $0xFFFFFE00;
	(ifvalue) =	ssetifvalue $0x7FFFFFFF;
	v1 =	vld.msk [tilespmem:s21+$0x0 ss:$0x1], $0xffff;
	_ =	sdelay $0x4  }
0x2a: {  	v2 =	vshrl.u32 v1, $0x3  }
0x2b: {  	s22 =	ssub.s32 $0x2000, s15;
	vm1 =	veq.s32 v1, $0x80000000;
	v2 =	vand.u32 $0x1FFF, v2  }
0x2c: {  	p0 =	slt.s32 s22, $0x200;
	s19 =	sadd.s32 $0x10, s21;
	v1 =	vand.u32 $0x7, v1;
	v2 =	vsel vm1, $0xFFFFFFFF, v2  }
0x2d: {  	s22 =	simm.s32 @!p0 $0x200;
	v4 =	vld.msk [tilespmem:s19+$0x0 ss:$0x1], $0xffff;
	v1 =	vsel vm1, $0xFFFFFFFF, v1;
	v3 =	vshll.u32 v2, $0x3  }
0x2e: {  	p0 =	sgt.s32 s22, $0x0;
	s20 =	smov.u32 s22;
	v5 =	vand.u32 $0xFFFF0000, v1;
	v6 =	vshll.u32 v1, $0x7;
	v3 =	vand.u32 $0xFFFFFC00, v3  }
0x2f: {  	s20 =	simm.s32 @!p0 $0x0;
	v2 =	vshll.u32 v2, $0x2;
	v3 =	vadd.s32 v5, v3;
	v5 =	vand.u32 $0x200, v6  }
0x30: {  	s20 =	smin.u32 s20, $0x10;
	v2 =	vand.u32 $0x1FC, v2;
	v3 =	vor.u32 v5, v3  }
0x31: {  	v5 =	vmov s20;
	v2 =	vor.u32 v2, v3  }
0x32: {  	vm1 =	vgt.u32 v5, v0;
	v3 =	vshrl.u32 v4, $0x3;
	v2 =	vshrl.u32 v2, $0x2  }
0x33: {  	s20 =	sadd.s32 $0x10, s19;
	v3 =	vand.u32 $0x1FFF, v3;
	v5 =	vnsel vm1, $0x7FFFFFFF, v2;
	vm1 =	veq.s32 v4, $0x80000000  }
0x34: {  	s22 =	sadd.s32 $0xFFFFFFF0, s22;
	v2 =	vld.msk [tilespmem:s20+$0x0 ss:$0x1], $0xffff;
	v4 =	vand.u32 $0x7, v4;
	v3 =	vsel vm1, $0xFFFFFFFF, v3  }
0x35: {  	s23 =	sshrl.u32 s12, $0x2;
	p0 =	sgt.s32 s22, $0x0;
	s24 =	smov.u32 s22;
	v6 =	vand.u32 $0x3, v1;
	v1 =	vsel vm1, $0xFFFFFFFF, v4;
	v4 =	vshll.u32 v3, $0x3  }
0x36: {  	s23 =	sand.u32 $0x200, s23;
	s24 =	simm.s32 @!p0 $0x0;
	[tilespmem:s21+$0x0] =	vst v6;
	v6 =	vand.u32 $0xFFFF0000, v1;
	v7 =	vshll.u32 v1, $0x7;
	v4 =	vand.u32 $0xFFFFFC00, v4  }
0x37: {  	s31 =	smin.u32 s24, $0x10;
	s21 =	sadd.s32 $0x600, s23;
	(ifvalue) =	ssetifvalue $0x7FFFFFFF;
	v3 =	vshll.u32 v3, $0x2;
	v4 =	vadd.s32 v6, v4;
	v6 =	vand.u32 $0x200, v7  }
0x38: {  	v3 =	vand.u32 $0x1FC, v3;
	[tilespmem:s21], [sflag:$0x3] =	stream.indirect_vreg.gather [hbm4b:s2+s11], $0x1, v5, vm0, $0x4038;
	v5 =	vmov s31;
	v6 =	vor.u32 v6, v4;
	[tilespmem:$0xB00] =	vst v63  }
0x39: {  	s23 =	simm.s32 $0x20;
	s24 =	sadd.s32 $0x10, s20;
	v4 =	vshrl.u32 v2, $0x3;
	vm1 =	vgt.u32 v5, v0;
	v3 =	vor.u32 v3, v6  }
.LBB2_3:
0x3a: {  	s23 =	sadd.s32 $0x10, s23;
	vm2 =	veq.s32 v2, $0x80000000;
	v4 =	vand.u32 $0x1FFF, v4;
	s25 =	smov.u32 s19  }
0x3b: {  	v5 =	vld.msk [tilespmem:s24+$0x0 ss:$0x1], $0xffff;
	v3 =	vshrl.u32 v3, $0x2;
	s19 =	smov.u32 s20;
	v2 =	vand.u32 $0x7, v2;
	s22 =	sadd.s32 $0xFFFFFFF0, s22;
	s20 =	smov.u32 s24;
	v7 =	vand.u32 $0x3, v1  }
0x3c: {  	p0 =	slt.u32 s23, $0x1F0;
	v4 =	vsel vm2, $0xFFFFFFFF, v4;
	v6 =	vnsel vm1, $0x7FFFFFFF, v3;
	p1 =	sgt.s32 s22, $0x0;
	v1 =	vsel vm2, $0xFFFFFFFF, v2;
	s26 =	smov.u32 s22  }
.Ltmp3:
0x3d: {  	v3 =	vshll.u32 v4, $0x3;
	s26 =	simm.s32 @!p1 $0x0;
	v2 =	vand.u32 $0xFFFF0000, v1;
	(pc) =	sbr.rel @p0 .LBB2_3-.Ltmp3, $4  }
0x3e: {  	v8 =	vshll.u32 v1, $0x7;
	v4 =	vshll.u32 v4, $0x2;
	v3 =	vand.u32 $0xFFFFFC00, v3;
	s26 =	smin.u32 s26, $0x10  }
0x3f: {  	v10 =	vadd.s32 v2, v3;
	v3 =	vand.u32 $0x200, v8;
	v8 =	vmov s26  }
0x40: {  	s24 =	sadd.s32 $0x10, s24;
	s21 =	sadd.s32 $0x10, s21;
	v9 =	vor.u32 v3, v10;
	v3 =	vand.u32 $0x1FC, v4;
	[tilespmem:s25+$0x0] =	vst v7;
	(ifvalue) =	ssetifvalue $0x7FFFFFFF;
	v4 =	vshrl.u32 v5, $0x3  }
0x41: {  	vm1 =	vgt.u32 v8, v0;
	v2 =	vmov v5;
	v3 =	vor.u32 v3, v9;
	[tilespmem:s21], [sflag:$0x3] =	stream.indirect_vreg.gather [hbm4b:s2+s11], $0x1, v6, vm0, $0x4038;
	[tilespmem:$0xB00] =	vst v63  }
0x42: {  	vm2 =	veq.s32 v2, $0x80000000;
	v4 =	vand.u32 $0x1FFF, v4  }
0x43: {  	v2 =	vand.u32 $0x7, v2;
	v4 =	vsel vm2, $0xFFFFFFFF, v4  }
0x44: {  	s22 =	sadd.s32 $0xFFFFFFF0, s22;
	v2 =	vsel vm2, $0xFFFFFFFF, v2;
	v5 =	vshll.u32 v4, $0x3  }
0x45: {  	p0 =	sgt.s32 s22, $0x0;
	v6 =	vand.u32 $0xFFFF0000, v2;
	v7 =	vshll.u32 v2, $0x7;
	v5 =	vand.u32 $0xFFFFFC00, v5  }
0x46: {  	s22 =	simm.s32 @!p0 $0x0;
	v4 =	vshll.u32 v4, $0x2;
	v62 =	vand.u32 $0x200, v7;
	v5 =	vadd.s32 v6, v5  }
0x47: {  	v3 =	vshrl.u32 v3, $0x2;
	s22 =	smin.u32 s22, $0x10;
	v4 =	vand.u32 $0x1FC, v4;
	v5 =	vor.u32 v62, v5  }
0x48: {  	v3 =	vnsel vm1, $0x7FFFFFFF, v3;
	v63 =	vmov s22;
	v4 =	vor.u32 v4, v5  }
0x49: {  	vm1 =	vgt.u32 v63, v0;
	v4 =	vshrl.u32 v4, $0x2  }
0x4a: {  	v4 =	vnsel vm1, $0x7FFFFFFF, v4  }
0x4b: {  	v1 =	vand.u32 $0x3, v1  }
0x4c: {  	s31 =	sadd.s32 $0x10, s21;
	[tilespmem:s19+$0x0] =	vst v1;
	(ifvalue) =	ssetifvalue $0x7FFFFFFF  }
0x4d: {  	v1 =	vand.u32 $0x3, v2;
	[tilespmem:s31], [sflag:$0x3] =	stream.indirect_vreg.gather [hbm4b:s2+s11], $0x1, v3, vm0, $0x4038;
	[tilespmem:$0xB00] =	vst v63  }
0x4e: {  	s19 =	sadd.s32 $0x10, s31;
	[tilespmem:s20+$0x0] =	vst v1;
	(ifvalue) =	ssetifvalue $0x7FFFFFFF  }
0x4f: {  	[tilespmem:s19], [sflag:$0x3] =	stream.indirect_vreg.gather [hbm4b:s2+s11], $0x1, v4, vm0, $0x4038;
	[tilespmem:$0xB00] =	vst v63  }
.LBB2_5:
0x50: {  	p0 =	slt.u32 s17, $0x2  }
0x51: {  	p1 =	sge.u32 @!p0 s17, s10  }
0x52: {  	p0 =	por p0, p1  }
.Ltmp4:
0x53: {  	_ = 	snop;
	(pc) =	sbr.rel @p0 .LBB2_7-.Ltmp4, $1  }
0x54: {  	_ =	sdelay $0x3  }
0x55: {  	s19 =	sadd.s32 $0xFFFFFFFE, s17  }
0x56: {  	s20 =	smulhi.u32 $0xAAAAAAAB, s19  }
0x57: {  	_ =	swait.ge [sflag:s8], $0x200  }
0x58: {  	s21 =	sand.u32 $0x1, s17;
	[sflag:s8] =	ssyncset.done $0x0;
	s20 =	sshrl.u32 s20, $0x1  }
0x59: {  	s28 =	sshll.u32 s21, $0x9;
	[sflag:s8] =	ssyncadd.s32 $0xFFFFFE00;
	s20 =	smul.u32 $0x3, s20  }
0x5a: {  	v1 =	vld [tilespmem:s28+$0x600]  }
0x5b: {  	v3 =	vld [tilespmem:s28+$0x680];
	s20 =	ssub.s32 s19, s20  }
0x5c: {  	v6 =	vld [tilespmem:s28+$0x700];
	s20 =	sshll.u32 s20, $0x9  }
0x5d: {  	v2 =	vld [tilespmem:s20+$0x0]  }
0x5e: {  	v4 =	vld [tilespmem:s20+$0x80]  }
0x5f: {  	v5 =	vld [tilespmem:s20+$0x100]  }
0x60: {  	v7 =	vld [tilespmem:s20+$0x180];
	_ =	sdelay $0x1  }
0x61: {  	v8 =	vld [tilespmem:s28+$0x780]  }
0x62: {  	v2 =	vshll.u32 v2, $0x3;
	v4 =	vshll.u32 v4, $0x3  }
0x63: {  	v1 =	vshrl.u32 v1, v2;
	v2 =	vshrl.u32 v3, v4;
	v3 =	vshll.u32 v5, $0x3  }
0x64: {  	v21 =	vshll.u32 v7, $0x3;
	v2 =	vshll.u32 v2, $0x8;
	v3 =	vshrl.u32 v6, v3  }
0x65: {  	v1 =	vand.u32 $0xFF, v1;
	v2 =	vand.u32 $0xFF00, v2;
	v3 =	vshll.u32 v3, $0x10  }
0x66: {  	v1 =	vor.u32 v1, v2;
	v2 =	vand.u32 $0xFF0000, v3;
	v3 =	vshrl.u32 v8, v21  }
0x67: {  	v1 =	vor.u32 v2, v1;
	v2 =	vshll.u32 v3, $0x18  }
0x68: {  	s21 =	sshll.u32 s21, $0x7;
	v1 =	vor.u32 v2, v1  }
0x69: {  	[tilespmem:s21+$0xA00] =	vst v1  }
0x6a: {  	v1 =	vld [tilespmem:s28+$0x610]  }
0x6b: {  	v2 =	vld [tilespmem:s20+$0x10]  }
0x6c: {  	v3 =	vld [tilespmem:s28+$0x690]  }
0x6d: {  	v22 =	vld [tilespmem:s20+$0x90]  }
0x6e: {  	v23 =	vld [tilespmem:s20+$0x110]  }
0x6f: {  	v24 =	vld [tilespmem:s28+$0x710]  }
0x70: {  	v25 =	vld [tilespmem:s20+$0x190];
	_ =	sdelay $0x1  }
0x71: {  	v26 =	vld [tilespmem:s28+$0x790]  }
0x72: {  	v2 =	vshll.u32 v2, $0x3;
	v4 =	vshll.u32 v22, $0x3  }
0x73: {  	v1 =	vshrl.u32 v1, v2;
	v2 =	vshrl.u32 v3, v4;
	v3 =	vshll.u32 v23, $0x3  }
0x74: {  	v27 =	vshll.u32 v25, $0x3;
	v2 =	vshll.u32 v2, $0x8;
	v3 =	vshrl.u32 v24, v3  }
0x75: {  	v1 =	vand.u32 $0xFF, v1;
	v2 =	vand.u32 $0xFF00, v2;
	v3 =	vshll.u32 v3, $0x10  }
0x76: {  	v1 =	vor.u32 v1, v2;
	v2 =	vand.u32 $0xFF0000, v3;
	v3 =	vshrl.u32 v26, v27  }
0x77: {  	v1 =	vor.u32 v2, v1;
	v2 =	vshll.u32 v3, $0x18  }
0x78: {  	v1 =	vor.u32 v2, v1  }
0x79: {  	[tilespmem:s21+$0xA10] =	vst v1  }
0x7a: {  	v1 =	vld [tilespmem:s28+$0x620]  }
0x7b: {  	v2 =	vld [tilespmem:s20+$0x20]  }
0x7c: {  	v3 =	vld [tilespmem:s28+$0x6A0]  }
0x7d: {  	v28 =	vld [tilespmem:s20+$0xA0]  }
0x7e: {  	v29 =	vld [tilespmem:s20+$0x120]  }
0x7f: {  	v30 =	vld [tilespmem:s28+$0x720]  }
0x80: {  	v31 =	vld [tilespmem:s20+$0x1A0];
	_ =	sdelay $0x1  }
0x81: {  	v32 =	vld [tilespmem:s28+$0x7A0]  }
0x82: {  	v2 =	vshll.u32 v2, $0x3;
	v4 =	vshll.u32 v28, $0x3  }
0x83: {  	v1 =	vshrl.u32 v1, v2;
	v2 =	vshrl.u32 v3, v4;
	v3 =	vshll.u32 v29, $0x3  }
0x84: {  	v33 =	vshll.u32 v31, $0x3;
	v2 =	vshll.u32 v2, $0x8;
	v3 =	vshrl.u32 v30, v3  }
0x85: {  	v1 =	vand.u32 $0xFF, v1;
	v2 =	vand.u32 $0xFF00, v2;
	v3 =	vshll.u32 v3, $0x10  }
0x86: {  	v1 =	vor.u32 v1, v2;
	v2 =	vand.u32 $0xFF0000, v3;
	v3 =	vshrl.u32 v32, v33  }
0x87: {  	v1 =	vor.u32 v2, v1;
	v2 =	vshll.u32 v3, $0x18  }
0x88: {  	v1 =	vor.u32 v2, v1  }
0x89: {  	[tilespmem:s21+$0xA20] =	vst v1  }
0x8a: {  	v1 =	vld [tilespmem:s28+$0x630]  }
0x8b: {  	v2 =	vld [tilespmem:s20+$0x30]  }
0x8c: {  	v3 =	vld [tilespmem:s28+$0x6B0]  }
0x8d: {  	v34 =	vld [tilespmem:s20+$0xB0]  }
0x8e: {  	v35 =	vld [tilespmem:s20+$0x130]  }
0x8f: {  	v36 =	vld [tilespmem:s28+$0x730]  }
0x90: {  	v37 =	vld [tilespmem:s20+$0x1B0];
	_ =	sdelay $0x1  }
0x91: {  	v38 =	vld [tilespmem:s28+$0x7B0]  }
0x92: {  	v2 =	vshll.u32 v2, $0x3;
	v4 =	vshll.u32 v34, $0x3  }
0x93: {  	v1 =	vshrl.u32 v1, v2;
	v2 =	vshrl.u32 v3, v4;
	v3 =	vshll.u32 v35, $0x3  }
0x94: {  	v39 =	vshll.u32 v37, $0x3;
	v2 =	vshll.u32 v2, $0x8;
	v3 =	vshrl.u32 v36, v3  }
0x95: {  	v1 =	vand.u32 $0xFF, v1;
	v2 =	vand.u32 $0xFF00, v2;
	v3 =	vshll.u32 v3, $0x10  }
0x96: {  	v1 =	vor.u32 v1, v2;
	v2 =	vand.u32 $0xFF0000, v3;
	v3 =	vshrl.u32 v38, v39  }
0x97: {  	v1 =	vor.u32 v2, v1;
	v2 =	vshll.u32 v3, $0x18  }
0x98: {  	v1 =	vor.u32 v2, v1  }
0x99: {  	[tilespmem:s21+$0xA30] =	vst v1  }
0x9a: {  	v1 =	vld [tilespmem:s28+$0x640]  }
0x9b: {  	v2 =	vld [tilespmem:s20+$0x40]  }
0x9c: {  	v3 =	vld [tilespmem:s28+$0x6C0]  }
0x9d: {  	v40 =	vld [tilespmem:s20+$0xC0]  }
0x9e: {  	v41 =	vld [tilespmem:s20+$0x140]  }
0x9f: {  	v42 =	vld [tilespmem:s28+$0x740]  }
0xa0: {  	v43 =	vld [tilespmem:s20+$0x1C0];
	_ =	sdelay $0x1  }
0xa1: {  	v44 =	vld [tilespmem:s28+$0x7C0]  }
0xa2: {  	v2 =	vshll.u32 v2, $0x3;
	v4 =	vshll.u32 v40, $0x3  }
0xa3: {  	v1 =	vshrl.u32 v1, v2;
	v2 =	vshrl.u32 v3, v4;
	v3 =	vshll.u32 v41, $0x3  }
0xa4: {  	v45 =	vshll.u32 v43, $0x3;
	v2 =	vshll.u32 v2, $0x8;
	v3 =	vshrl.u32 v42, v3  }
0xa5: {  	v1 =	vand.u32 $0xFF, v1;
	v2 =	vand.u32 $0xFF00, v2;
	v3 =	vshll.u32 v3, $0x10  }
0xa6: {  	v1 =	vor.u32 v1, v2;
	v2 =	vand.u32 $0xFF0000, v3;
	v3 =	vshrl.u32 v44, v45  }
0xa7: {  	v1 =	vor.u32 v2, v1;
	v2 =	vshll.u32 v3, $0x18  }
0xa8: {  	v1 =	vor.u32 v2, v1  }
0xa9: {  	[tilespmem:s21+$0xA40] =	vst v1  }
0xaa: {  	v1 =	vld [tilespmem:s28+$0x650]  }
0xab: {  	v2 =	vld [tilespmem:s20+$0x50]  }
0xac: {  	v3 =	vld [tilespmem:s28+$0x6D0]  }
0xad: {  	v46 =	vld [tilespmem:s20+$0xD0]  }
0xae: {  	v47 =	vld [tilespmem:s20+$0x150]  }
0xaf: {  	v48 =	vld [tilespmem:s28+$0x750]  }
0xb0: {  	v49 =	vld [tilespmem:s20+$0x1D0];
	_ =	sdelay $0x1  }
0xb1: {  	v50 =	vld [tilespmem:s28+$0x7D0]  }
0xb2: {  	v2 =	vshll.u32 v2, $0x3;
	v4 =	vshll.u32 v46, $0x3  }
0xb3: {  	v1 =	vshrl.u32 v1, v2;
	v2 =	vshrl.u32 v3, v4;
	v3 =	vshll.u32 v47, $0x3  }
0xb4: {  	v51 =	vshll.u32 v49, $0x3;
	v2 =	vshll.u32 v2, $0x8;
	v3 =	vshrl.u32 v48, v3  }
0xb5: {  	v1 =	vand.u32 $0xFF, v1;
	v2 =	vand.u32 $0xFF00, v2;
	v3 =	vshll.u32 v3, $0x10  }
0xb6: {  	v1 =	vor.u32 v1, v2;
	v2 =	vand.u32 $0xFF0000, v3;
	v3 =	vshrl.u32 v50, v51  }
0xb7: {  	v1 =	vor.u32 v2, v1;
	v2 =	vshll.u32 v3, $0x18  }
0xb8: {  	v1 =	vor.u32 v2, v1  }
0xb9: {  	[tilespmem:s21+$0xA50] =	vst v1  }
0xba: {  	v1 =	vld [tilespmem:s28+$0x660]  }
0xbb: {  	v2 =	vld [tilespmem:s20+$0x60]  }
0xbc: {  	v3 =	vld [tilespmem:s28+$0x6E0]  }
0xbd: {  	v52 =	vld [tilespmem:s20+$0xE0]  }
0xbe: {  	v53 =	vld [tilespmem:s20+$0x160]  }
0xbf: {  	v54 =	vld [tilespmem:s28+$0x760]  }
0xc0: {  	v55 =	vld [tilespmem:s20+$0x1E0];
	_ =	sdelay $0x1  }
0xc1: {  	v56 =	vld [tilespmem:s28+$0x7E0]  }
0xc2: {  	v2 =	vshll.u32 v2, $0x3;
	v4 =	vshll.u32 v52, $0x3  }
0xc3: {  	v1 =	vshrl.u32 v1, v2;
	v2 =	vshrl.u32 v3, v4;
	v3 =	vshll.u32 v53, $0x3  }
0xc4: {  	v57 =	vshll.u32 v55, $0x3;
	v2 =	vshll.u32 v2, $0x8;
	v3 =	vshrl.u32 v54, v3  }
0xc5: {  	v1 =	vand.u32 $0xFF, v1;
	v2 =	vand.u32 $0xFF00, v2;
	v3 =	vshll.u32 v3, $0x10  }
0xc6: {  	v1 =	vor.u32 v1, v2;
	v2 =	vand.u32 $0xFF0000, v3;
	v3 =	vshrl.u32 v56, v57  }
0xc7: {  	v1 =	vor.u32 v2, v1;
	v2 =	vshll.u32 v3, $0x18  }
0xc8: {  	v1 =	vor.u32 v2, v1  }
0xc9: {  	[tilespmem:s21+$0xA60] =	vst v1  }
0xca: {  	v1 =	vld [tilespmem:s28+$0x670]  }
0xcb: {  	v2 =	vld [tilespmem:s20+$0x70]  }
0xcc: {  	v3 =	vld [tilespmem:s28+$0x6F0]  }
0xcd: {  	v58 =	vld [tilespmem:s20+$0xF0]  }
0xce: {  	v59 =	vld [tilespmem:s20+$0x170]  }
0xcf: {  	v60 =	vld [tilespmem:s28+$0x770]  }
0xd0: {  	v61 =	vld [tilespmem:s20+$0x1F0];
	_ =	sdelay $0x1  }
0xd1: {  	v62 =	vld [tilespmem:s28+$0x7F0]  }
0xd2: {  	v2 =	vshll.u32 v2, $0x3;
	v4 =	vshll.u32 v58, $0x3  }
0xd3: {  	v1 =	vshrl.u32 v1, v2;
	v2 =	vshrl.u32 v3, v4;
	v3 =	vshll.u32 v59, $0x3  }
0xd4: {  	v63 =	vshll.u32 v61, $0x3;
	v3 =	vshrl.u32 v60, v3;
	v2 =	vshll.u32 v2, $0x8  }
0xd5: {  	v1 =	vand.u32 $0xFF, v1;
	v2 =	vand.u32 $0xFF00, v2;
	v3 =	vshll.u32 v3, $0x10  }
.Ltmp5:
0xd6: {  	v1 =	vor.u32 v1, v2;
	v2 =	vshrl.u32 v62, v63;
	v3 =	vand.u32 $0xFF0000, v3;
	(pc) =	sbr.rel .LBB2_7-.Ltmp5, $4  }
0xd7: {  	v1 =	vor.u32 v3, v1;
	v2 =	vshll.u32 v2, $0x18  }
0xd8: {  	s29 =	sshrl.u32 s18, $0x2;
	s30 =	sshrl.u32 s18, $0x5;
	v1 =	vor.u32 v2, v1  }
0xd9: {  	s18 =	sadd.s32 s30, s6;
	s31 =	sor.u32 $0xA00, s21;
	s19 =	sand.u32 $0x7, s29;
	[tilespmem:s21+$0xA70] =	vst v1  }
0xda: {  	[hbm4b:s18+s19] =	stream.linear.scatter [tilespmem:s31], [sflag:$0x4], $0x80, $0x38;
	[tilespmem:$0xB00] =	vst v63  }
.LBB2_8:
0xdb: {  	_ =	sfence.sel $0x180000  }
0xdc: {  	s2 =	simm.s32 $0x2;
	[bflag:$0x0] =	sbarrier.arrive $0xFFFF  }
0xdd: {  	s29 =	simm.s32 $0x3;
	[sflag:s2] =	ssyncpa.u1 $0x1  }
0xde: {  	s30 =	simm.s32 $0x4;
	[sflag:s29] =	ssyncpa.u1 $0x1  }
0xdf: {  	s31 =	simm.s32 $0x1;
	[sflag:s30] =	ssyncpa.u1 $0x1  }
0xe0: {  	[sflag:s31] =	ssyncpa.u1 $0x1  }
0xe1: {  	p0 =	sne.s32 s0, $0x0;
	_ =	strace $0x90000053  }
0xe2: {  	s0 =	sadd.s32 @!p0 $0x100000, s1;
	[bflag:$0x2] =	sbarrier.arrive $0xFFFF  }
0xe3: {  	[sflag:s0] =	ssyncadd.tile.s32 @!p0 $0x1;
	_ =	shalt  }
.Lfunc_end2:
_tile_overlayer_lowered:
.L_overlay_start_2:
0xe4: {  	(tag) =	ssettag $0x2  }
0xe5: {  	s0 =	rddreg [dreg:$0x0];
	s2 =	stileid.u32  }
0xe6: {  	s1 =	rddreg [dreg:$0x1];
	p0 =	sne.s32 s2, $0x0  }
0xe7: {  	s3 =	rddreg [dreg:$0x2];
	[bflag:$0x3] =	sbarrier.arrive $0xFFFF;
	s2 =	simm.s32 @!p0 $0x1C01  }
0xe8: {  	[timem:s3], [sflag:s2] =	dma.local @!p0 [hbm:s0], s1  }
0xe9: {  	s0 =	simm.s32 @!p0 $0x1  }
0xea: {  	_ =	swait.ge @!p0 [sflag:s0], s1  }
0xeb: {  	s1 =	ssub.s32 @!p0 $0x0, s1;
	[sflag:s0] =	ssyncset.done @!p0 $0x0  }
0xec: {  	[sflag:s0] =	ssyncadd.s32 @!p0 s1  }
0xed: {  	[bflag:$0x3] =	sbarrier.arrive $0xFFFF  }
0xee: {  	_ =	shalt  }

// kernel: gather_offload_async_start.2
scs
__scs_entry_jumppad:
0x0: {  	(pc) =	sbr.rel $0x88, $3  }
0x1: {  	(tag) =	ssettag $0x0;
	lr =	simm.s32 $0x1  }
0x2: {  	[smem:$0x3F9C] =	sst lr;
	_ =	strace $0xD0000000  }
0x3: {  	_ = 	snop  }
0x4: {  	_ = 	snop  }
0x5: {  	_ = 	snop  }
0x6: {  	_ = 	snop  }
0x7: {  	_ = 	snop  }
__scs_overlays_trampoline_lowered:
0x8: {  	[smem:$0x3FAB] =	sst s0  }
0x9: {  	[smem:$0x3FAC] =	sst s1  }
0xa: {  	[smem:$0x3FAD] =	sst s2  }
0xb: {  	[smem:$0x3FAE] =	sst s3  }
0xc: {  	[smem:$0x3FAF] =	sst s4  }
0xd: {  	[smem:$0x3FB0] =	sst s5  }
0xe: {  	[smem:$0x3FB1] =	sst s6  }
0xf: {  	[smem:$0x3FB2] =	sst s7  }
0x10: {  	[smem:$0x3FB3] =	sst s8  }
0x11: {  	[smem:$0x3FB4] =	sst s9;
	s0 =	simm.s32 @!p0 $0x0  }
0x12: {  	s1 =	sld [smem:$0x3F9A];
	s0 =	simm.s32 @p0 $0x1  }
0x13: {  	[smem:$0x3FB5] =	sst s0;
	s0 =	simm.s32 @!p1 $0x0  }
0x14: {  	s2 =	sld [smem:$0x3F99];
	s0 =	simm.s32 @p1 $0x1  }
0x15: {  	[smem:$0x3FB6] =	sst s0;
	s0 =	simm.s32 @!p2 $0x0  }
0x16: {  	s3 =	sld [smem:$0x3FDB];
	s0 =	simm.s32 @p2 $0x1  }
0x17: {  	s4 =	simm.s32 $0x1BF5;
	[smem:$0x3FB8] =	sst s0  }
0x18: {  	s0 =	sld [smem:$0x3F9B];
	_ =	swait.ge [sflag:s4], $0x0  }
0x19: {  	s7 =	sld [smem:$0x3F9C]  }
0x1a: {  	s8 =	sadd.s32 $0xFFFFE003, lr  }
0x1b: {  	s9 =	sadd.s32 $0xFFFFFEF7, lr;
	s5 =	simm.s32 $0xFFFFFFFF;
	p2 =	slt.u32 s8, $0xFFFFF086  }
0x1c: {  	p1 =	slt.u32 s9, $0xF7A;
	s5 =	simm.s32 @!p2 $0x0  }
0x1d: {  	s5 =	simm.s32 @p1 $0x1;
	p0 =	seq.s32 s7, s2  }
0x1e: {  	s7 =	smul.u32 @!p0 $0xF7A, s2;
	p2 =	seq.s32 @!p0 s5, $0x0  }
0x1f: {  	s9 =	smul.u32 $0xF7A, s1;
	s8 =	simm.s32 @!p0 $0x1BF5;
	p2 =	por !p2, p0  }
0x20: {  	[sflag:s8] =	ssyncset.s32 @!p0 $0xFFFFF086;
	s6 =	sadd.s32 @!p0 s3, s7;
	s7 =	simm.s32 @!p0 $0x108  }
0x21: {  	s3 =	sadd.s32 s3, s9;
	s6 =	sadd.s32 @!p0 $0x88, s6;
	s7 =	simm.s32 @p2 $0x1082  }
0x22: {  	[simem:s7], [sflag:s8] =	dma.local @!p0 [hbm:s6], $0xF7A  }
0x23: {  	s9 =	sor.u32 $0xD0000000, s2;
	s6 =	simm.s32 $0x108;
	_ =	swait.ge @!p0 [sflag:s8], $0x0  }
0x24: {  	s3 =	sadd.s32 $0x88, s3;
	s6 =	simm.s32 @!p1 $0x1082;
	[sflag:s4] =	ssyncset.s32 $0xFFFFF086  }
0x25: {  	[simem:s6], [sflag:s4] =	dma.local [hbm:s3], $0xF7A  }
0x26: {  	[smem:$0x3F9C] =	sst s1;
	(tag) =	ssettag s2;
	_ =	strace s9  }
0x27: {  	s1 =	sld [smem:$0x3FAC]  }
0x28: {  	s2 =	sld [smem:$0x3FAD]  }
0x29: {  	s4 =	sld [smem:$0x3FAF]  }
0x2a: {  	p0 =	seq.s32 s5, $0x0;
	s5 =	sld [smem:$0x3FB0]  }
0x2b: {  	s6 =	sld [smem:$0x3FB1]  }
0x2c: {  	s7 =	sld [smem:$0x3FB2]  }
0x2d: {  	s3 =	simm.s32 $0x108;
	s8 =	sld [smem:$0x3FB3]  }
0x2e: {  	s3 =	simm.s32 @!p0 $0x1082;
	s9 =	sld [smem:$0x3FB4]  }
0x2f: {  	lr =	sadd.s32 s0, s3;
	s0 =	sld [smem:$0x3FAB]  }
0x30: {  	s3 =	sld [smem:$0x3FAE]  }
0x31: {  	[smem:$0x3FB7] =	sst s10  }
0x32: {  	s10 =	sld [smem:$0x3FB5];
	_ =	sdelay $0x3  }
0x33: {  	p0 =	seq.s32 s10, $0x1;
	s10 =	sld [smem:$0x3FB7];
	_ =	sdelay $0x3  }
0x34: {  	[smem:$0x3FB7] =	sst s10  }
0x35: {  	s10 =	sld [smem:$0x3FB6];
	_ =	sdelay $0x3  }
0x36: {  	p1 =	seq.s32 s10, $0x1;
	s10 =	sld [smem:$0x3FB7];
	_ =	sdelay $0x3  }
0x37: {  	[smem:$0x3FB7] =	sst s10  }
0x38: {  	s10 =	sld [smem:$0x3FB8]  }
0x39: {  	_ = 	snop;
	(pc) =	sbr.ind lr, $3  }
0x3a: {  	_ = 	snop  }
0x3b: {  	_ = 	snop  }
0x3c: {  	p2 =	seq.s32 s10, $0x1;
	s10 =	sld [smem:$0x3FB7]  }
0x3d: {  	_ =	shalt  }
0x3e: {  	_ =	shalt  }
0x3f: {  	_ =	shalt  }
0x40: {  	_ =	shalt  }
0x41: {  	_ =	shalt  }
0x42: {  	_ =	shalt  }
0x43: {  	_ =	shalt  }
0x44: {  	_ =	shalt  }
0x45: {  	_ =	shalt  }
0x46: {  	_ =	shalt  }
0x47: {  	_ =	shalt  }
0x48: {  	_ =	shalt  }
0x49: {  	_ =	shalt  }
0x4a: {  	_ =	shalt  }
0x4b: {  	_ =	shalt  }
0x4c: {  	_ =	shalt  }
0x4d: {  	_ =	shalt  }
0x4e: {  	_ =	shalt  }
0x4f: {  	_ =	shalt  }
0x50: {  	_ =	shalt  }
0x51: {  	_ =	shalt  }
0x52: {  	_ =	shalt  }
0x53: {  	_ =	shalt  }
0x54: {  	_ =	shalt  }
0x55: {  	_ =	shalt  }
0x56: {  	_ =	shalt  }
0x57: {  	_ =	shalt  }
0x58: {  	_ =	shalt  }
0x59: {  	_ =	shalt  }
0x5a: {  	_ =	shalt  }
0x5b: {  	_ =	shalt  }
0x5c: {  	_ =	shalt  }
0x5d: {  	_ =	shalt  }
0x5e: {  	_ =	shalt  }
0x5f: {  	_ =	shalt  }
0x60: {  	_ =	shalt  }
0x61: {  	_ =	shalt  }
0x62: {  	_ =	shalt  }
0x63: {  	_ =	shalt  }
0x64: {  	_ =	shalt  }
0x65: {  	_ =	shalt  }
0x66: {  	_ =	shalt  }
0x67: {  	_ =	shalt  }
0x68: {  	_ =	shalt  }
0x69: {  	_ =	shalt  }
0x6a: {  	_ =	shalt  }
0x6b: {  	_ =	shalt  }
0x6c: {  	_ =	shalt  }
0x6d: {  	_ =	shalt  }
0x6e: {  	_ =	shalt  }
0x6f: {  	_ =	shalt  }
0x70: {  	_ =	shalt  }
0x71: {  	_ =	shalt  }
0x72: {  	_ =	shalt  }
0x73: {  	_ =	shalt  }
0x74: {  	_ =	shalt  }
0x75: {  	_ =	shalt  }
0x76: {  	_ =	shalt  }
0x77: {  	_ =	shalt  }
0x78: {  	_ =	shalt  }
0x79: {  	_ =	shalt  }
0x7a: {  	_ =	shalt  }
0x7b: {  	_ =	shalt  }
0x7c: {  	_ =	shalt  }
0x7d: {  	_ =	shalt  }
0x7e: {  	_ =	shalt  }
0x7f: {  	_ =	shalt  }
0x80: {  	_ =	shalt  }
0x81: {  	_ =	shalt  }
0x82: {  	_ =	shalt  }
0x83: {  	_ =	shalt  }
0x84: {  	_ =	shalt  }
0x85: {  	_ =	shalt  }
0x86: {  	_ =	shalt  }
0x87: {  	_ =	shalt  }
.Lfunc_end0:
.L_simem_size_0:
called_computation.2_lowered:
.L_overlay_start_0:
0x88: {  	s2 =	sld [smem:$0x3FD9]  }
0x89: {  	s3 =	sld [smem:$0x3FFE];
	_ =	sdelay $0x1  }
0x8a: {  	s1 =	srdreg.scid  }
0x8b: {  	s0 =	sand.u32 $0x1, s1  }
0x8c: {  	s17 =	sshll.u32 s0, $0xA;
	s2 =	sadd.s32 s3, s2  }
0x8d: {  	s2 =	sadd.s32 s2, s17  }
0x8e: {  	[smem:$0x3FC3] =	sst s2  }
0x8f: {  	_ = 	snop  }
0x90: {  	s2 =	sld [smem:$0x3FC9]  }
0x91: {  	s18 =	sld [smem:$0x3FD0];
	(tm) =	ssettm $0x1  }
0x92: {  	s4 =	sld [smem:$0x3FFB];
	_ =	sdelay $0x3  }
0x93: {  	_ =	strace s4  }
0x94: {  	s4 =	sld [smem:$0x3FFC];
	_ =	sdelay $0x3  }
0x95: {  	_ =	strace s4  }
0x96: {  	s4 =	sld [smem:$0x3FFD];
	_ =	sdelay $0x3  }
0x97: {  	_ =	strace s4  }
0x98: {  	_ =	strace $0x8FFFFFFF  }
0x99: {  	s19 =	sld [smem:$0x3FDB];
	_ =	sdelay $0x1  }
0x9a: {  	s5 =	simm.s32 $_scs_section_size  }
0x9b: {  	s6 =	simm.s32 $_size__tile_overlayer_lowered;
	s7 =	simm.s32 $_tile_overlayer_lowered  }
0x9c: {  	s22 =	simm.s32 $0x1BFF;
	s21 =	sshll.u32 s7, $0x1;
	s4 =	sadd.s32 s5, s19  }
0x9d: {  	s8 =	simm.s32 $0x0;
	s20 =	sshll.u32 s6, $0x1;
	s6 =	sadd.s32 s21, s4  }
0x9e: {  	[timem:s8], [sflag:s22] =	dma.local [hbm:s6], s20  }
0x9f: {  	_ =	swait.ge [sflag:s22], s20  }
0xa0: {  	s5 =	ssub.s32 $0x0, s20;
	[sflag:s22] =	ssyncset.done $0x0  }
0xa1: {  	[sflag:s22] =	ssyncadd.s32 s5;
	_ =	sdelay $0x1  }
0xa2: {  	s23 =	simm.s32 $0x1B8B  }
0xa3: {  	_ =	swait.ge [sflag:s23], $0x1  }
0xa4: {  	[sflag:s23] =	ssyncset.done $0x0  }
0xa5: {  	s25 =	simm.s32 $0x1B8E;
	s24 =	sld [smem:$0x3FFE];
	[sflag:s23] =	ssyncadd.s32 $0xFFFFFFFF  }
0xa6: {  	s26 =	simm.s32 $execute0_lowered;
	[smem:$0x3FD2] =	sst s25  }
0xa7: {  	s6 =	sshll.u32 s26, $0x1;
	_ =	strace $0x80000055;
	[dreg:$0x1] =	wrdreg $0xFFFFFFFF  }
0xa8: {  	s28 =	simm.s32 $_size_execute0_lowered;
	s4 =	sadd.s32 s4, s6;
	[dreg:$0x0] =	wrdreg $0x0  }
0xa9: {  	s6 =	sshll.u32 s28, $0x1;
	[dreg:$0x2] =	wrdreg s4  }
0xaa: {  	[dreg:$0x3] =	wrdreg s6  }
0xab: {  	[dreg:$0x4] =	wrdreg $0xC0  }
0xac: {  	_ =	task [dreg:s8], $0x5FFFF  }
0xad: {  	[dreg:$0x1] =	wrdreg $0xFFFFFFFF  }
0xae: {  	[dreg:$0x0] =	wrdreg $0x60  }
0xaf: {  	[dreg:$0x2] =	wrdreg s2  }
0xb0: {  	[dreg:$0x3] =	wrdreg s18  }
0xb1: {  	[dreg:$0x4] =	wrdreg s24  }
0xb2: {  	[dreg:$0x5] =	wrdreg $0x9  }
0xb3: {  	_ =	task.clear_ibuf [dreg:s8], $0x6FFFF;
	_ =	strace $0x90000055  }
0xb4: {  	s29 =	simm.s32 $0x9;
	_ =	strace $0x80000057  }
0xb5: {  	_ =	swait.ge [sflag:s29], $0x1  }
0xb6: {  	[sflag:s29] =	ssyncadd.s32 $0xFFFFFFFF  }
0xb7: {  	_ =	strace $0x90000057  }
0xb8: {  	_ =	sfence  }
0xb9: {  	s30 =	sld [smem:$0x0];
	_ =	sdelay $0x2  }
0xba: {  	s31 =	sshll.u32 s1, $0xD;
	s1 =	sshrl.u32 s1, $0x2  }
0xbb: {  	s3 =	sand.u32 $0x4000, s31;
	s1 =	sadd.s32 s1, s30  }
0xbc: {  	s0 =	sor.u32 s3, s0;
	s1 =	sshll.u32 s1, $0x11  }
0xbd: {  	s0 =	sor.u32 s1, s0  }
0xbe: {  	s0 =	sadd.s32 $0x8F2B, s0  }
0xbf: {  	[sflag:s0] =	ssyncadd.remote.s32 $0x1  }
0xc0: {  	_ =	sfence.sel $0xFFFF  }
0xc1: {  	[dreg:$0x0] =	wrdreg $0xFFFFFFFF;
	(pc) =	sbr.abs _section_cstart, $3  }
0xc2: {  	[dreg:$0x1] =	wrdreg $0xFFFFFFFF  }
0xc3: {  	_ =	task.clear_ibuf [dreg:s8], $0x2FFFF;
	_ =	strace $0x9FFFFFFF  }
0xc4: {  	(tm) =	ssettm $0x7FFFFFFF  }
0xc5: {  	_ =	shalt  }
tec
execute0_lowered:
.L_overlay_start_1:
0x0: {  	(tag) =	ssettag $0x1  }
0x1: {  	s2 =	rddreg [dreg:$0x0]  }
0x2: {  	s3 =	rddreg [dreg:$0x1];
	s0 =	srdreg.scid  }
0x3: {  	s7 =	rddreg [dreg:$0x2];
	s1 =	stileid.u32;
	s6 =	simm.s32 $0x2  }
0x4: {  	s4 =	sshll.u32 s0, $0x4;
	s0 =	rddreg [dreg:$0x3];
	_ =	strace $0x80000056  }
.Ltmp0:
0x5: {  	s5 =	sand.u32 $0x10, s4;
	s4 =	simm.s32 $0x1;
	(pc) =	sbr.rel .LBB2_1-.Ltmp0, $4  }
0x6: {  	s9 =	simm.s32 $0x3;
	s5 =	sor.u32 s1, s5;
	[sflag:s4] =	ssyncpa.u1 $0x0  }
0x7: {  	s11 =	simm.s32 $0x0;
	s5 =	smul.u32 $0x140, s5;
	[sflag:s6] =	ssyncpa.u1 $0x0  }
0x8: {  	p0 =	por $0x0, $0x0;
	s7 =	sadd.s32 $0x1200, s7;
	[sflag:s9] =	ssyncpa.u1 $0x0  }
0x9: {  	vm0 =	vmmov $0xff;
	vm1 =	vcmask $0x3F20;
	s9 =	simm.s32 $0x0;
	s8 =	sadd.s32 $0x140, s5;
	s10 =	smov.u32 s5  }
.LBB2_9:
0xa: {  	p1 =	slt.u32 s9, $0x2;
	s11 =	sadd.s32 $0x20, s10  }
0xb: {  	s13 =	smov.u32 s5;
	s9 =	sadd.s32 $0x1, s9;
	p2 =	slt.s32 s11, s8  }
0xc: {  	s13 =	smov.u32 @p2 s11;
	p2 =	sne.s32 s9, $0xC  }
.Ltmp1:
0xd: {  	_ = 	snop;
	(pc) =	sbr.rel @!p2 .LBB2_10-.Ltmp1, $4  }
0xe: {  	s12 =	simm.s32 @!p1 $0x3  }
0xf: {  	_ =	swait.ge @!p1 [sflag:s12], $0x8000  }
0x10: {  	p0 =	por !p0, !p0;
	[sflag:s12] =	ssyncset.done @!p1 $0x0  }
0x11: {  	s11 =	smov.u32 s10;
	s10 =	smov.u32 s13;
	[sflag:s12] =	ssyncadd.s32 @!p1 $0xFFFF8000  }
.LBB2_1:
0x12: {  	p1 =	sgt.u32 s9, $0x9  }
0x13: {  	s12 =	sxor.u32 @!p1 $0xFFFFFFFF, s9  }
0x14: {  	s31 =	sadd.s32 $0xFFFFFFFF, s9;
	s13 =	sshrl.u32 @!p1 s10, $0x3;
	s12 =	sshll.u32 @!p1 s12, $0x5  }
0x15: {  	s14 =	sand.u32 @!p1 $0x7, s10;
	s13 =	sadd.s32 @!p1 s3, s13;
	s12 =	sand.u32 @!p1 $0x20, s12  }
0x16: {  	[tilespmem:s12], [sflag:$0x2] =	stream.linear.gather @!p1 [hbm4b:s13+s14], $0x20, $0x38;
	[tilespmem:$0x10040] =	vst v63  }
0x17: {  	p1 =	sgt.u32 s31, $0x9  }
.Ltmp2:
0x18: {  	_ = 	snop;
	(pc) =	sbr.rel @p1 .LBB2_9-.Ltmp2, $1  }
0x19: {  	_ =	sdelay $0x3  }
0x1a: {  	s12 =	simm.s32 $0x1  }
0x1b: {  	_ =	swait.ge [sflag:s6], $0x20;
	s13 =	sand.u32 $0x1, s9;
	s12 =	simm.s32 @!p0 $0x0  }
0x1c: {  	s15 =	simm.s32 $0x0;
	p2 =	por $0x1, $0x1;
	s12 =	sshll.u32 s12, $0x11  }
0x1d: {  	[sflag:s6] =	ssyncset.done $0x0;
	s13 =	sshll.u32 s13, $0x5;
	s14 =	sshrl.u32 s12, $0x2  }
0x1e: {  	[sflag:s6] =	ssyncadd.s32 $0xFFFFFFE0;
	s12 =	sor.u32 $0x40, s14;
	s14 =	sadd.s32 $0x40, s14  }
.LBB2_3:
0x1f: {  	s16 =	sshll.u32 s15, $0x4  }
0x20: {  	s16 =	sand.u32 $0x3FFFFFF0, s16  }
0x21: {  	s16 =	sadd.s32 s16, s13  }
0x22: {  	v0 =	vld.msk [tilespmem:s16+$0x0 ss:$0x1], $0xffff;
	_ =	sdelay $0x4  }
0x23: {  	vm2 =	vgt.s32 v0, $0x0  }
0x24: {  	v0 =	vnsel vm2, $0x0, v0  }
0x25: {  	v0 =	vmin.u32 v0, $0x1FFF  }
0x26: {  	v1 =	vshll.u32 v0, $0x7;
	v0 =	vshll.u32 v0, $0x4  }
0x27: {  	v1 =	vand.u32 $0xFFC00, v1;
	v0 =	vand.u32 $0x70, v0  }
0x28: {  	v0 =	vor.u32 v0, v1  }
0x29: {  	s31 =	sshll.u32 s15, $0x10  }
0x2a: {  	s15 =	sshra.s32 s31, $0x2  }
0x2b: {  	s15 =	sadd.s32 s15, s14  }
0x2c: {  	s17 =	sadd.s32 $0x0, s15  }
0x2d: {  	[tilespmem:s17], [sflag:$0x1] =	stream.indirect_vreg.gather [hbm:s2], $0x80, v0, vm0, $0x38;
	[tilespmem:$0x10040] =	vst v63  }
0x2e: {  	p1 =	por p2, p2;
	s16 =	simm.s32 $0x1000;
	v1 =	vadd.s32 $0x80, v0;
	s17 =	sadd.s32 $0x2000, s17  }
.LBB2_4:
0x2f: {  	[tilespmem:s17], [sflag:$0x1] =	stream.indirect_vreg.gather [hbm:s2], $0x80, v0, vm1, $0x38;
	[tilespmem:$0x10040] =	vst v63  }
0x30: {  	v0 =	vmov v1;
	s17 =	smov.u32 s16;
	p2 =	sne.s32 s16, $0x7000  }
.Ltmp3:
0x31: {  	s16 =	sadd.s32 $0x1000, s16;
	(pc) =	sbr.rel @p2 .LBB2_4-.Ltmp3, $4  }
0x32: {  	s17 =	sshra.s32 s17, $0x2  }
0x33: {  	s17 =	sadd.s32 s17, s15  }
0x34: {  	[tilespmem:s17], [sflag:$0x1] =	stream.indirect_vreg.gather [hbm:s2], $0x80, v1, vm0, $0x38;
	[tilespmem:$0x10040] =	vst v63  }
0x35: {  	s17 =	sadd.s32 $0x2000, s17;
	v1 =	vadd.s32 $0x80, v1  }
0x36: {  	_ = 	snop  }
.Ltmp4:
0x37: {  	_ = 	snop;
	(pc) =	sbr.rel @p1 .LBB2_3-.Ltmp4, $3  }
0x38: {  	_ =	sdelay $0x1  }
0x39: {  	[tilespmem:s17], [sflag:$0x1] =	stream.indirect_vreg.gather [hbm:s2], $0x80, v0, vm1, $0x38;
	[tilespmem:$0x10040] =	vst v63  }
0x3a: {  	s15 =	simm.s32 $0x1;
	p2 =	por $0x0, $0x0  }
0x3b: {  	s13 =	sshll.u32 s11, $0x7  }
0x3c: {  	s31 =	sshll.u32 s11, $0x4;
	s13 =	sand.u32 $0xFFFFFC00, s13  }
0x3d: {  	_ =	swait.ge [sflag:s4], $0x8000;
	s11 =	sand.u32 $0x70, s31;
	s13 =	sadd.s32 s13, s7  }
0x3e: {  	s14 =	sadd.s32 $0x2000, s12;
	[sflag:s4] =	ssyncset.done $0x0;
	s11 =	sadd.s32 s11, s13  }
0x3f: {  	[sflag:s4] =	ssyncadd.s32 $0xFFFF8000;
	s13 =	simm.s32 $0x400;
	s15 =	sadd.s32 $0x0, s11  }
.LBB2_7:
0x40: {  	[hbm:s15] =	stream.linear.scatter [tilespmem:s12], [sflag:$0x3], $0x2000, $0x38;
	[tilespmem:$0x10040] =	vst v63  }
0x41: {  	s15 =	smov.u32 s13;
	s12 =	smov.u32 s14;
	p1 =	sne.s32 s13, $0xC00  }
.Ltmp5:
0x42: {  	s13 =	sadd.s32 $0x400, s13;
	(pc) =	sbr.rel @p1 .LBB2_7-.Ltmp5, $2  }
0x43: {  	_ =	sdelay $0x2  }
0x44: {  	s14 =	sadd.s32 $0x2000, s14;
	s15 =	sadd.s32 s15, s11  }
.Ltmp6:
0x45: {  	(pc) =	sbr.rel .LBB2_9-.Ltmp6, $2  }
0x46: {  	_ =	sdelay $0x2  }
0x47: {  	[hbm:s15] =	stream.linear.scatter [tilespmem:s12], [sflag:$0x3], $0x2000, $0x38;
	[tilespmem:$0x10040] =	vst v63  }
.LBB2_10:
0x48: {  	_ =	sfence.sel $0x180000  }
0x49: {  	s2 =	simm.s32 $0x2;
	[bflag:$0x0] =	sbarrier.arrive $0xFFFF  }
0x4a: {  	s30 =	simm.s32 $0x3;
	[sflag:s2] =	ssyncpa.u1 $0x1  }
0x4b: {  	s31 =	simm.s32 $0x1;
	[sflag:s30] =	ssyncpa.u1 $0x1  }
0x4c: {  	[sflag:s31] =	ssyncpa.u1 $0x1  }
0x4d: {  	p0 =	sne.s32 s1, $0x0;
	_ =	strace $0x90000056  }
0x4e: {  	s0 =	sadd.s32 @!p0 $0x100000, s0;
	[bflag:$0x2] =	sbarrier.arrive $0xFFFF  }
0x4f: {  	[sflag:s0] =	ssyncadd.tile.s32 @!p0 $0x1;
	_ =	shalt  }
.Lfunc_end2:
_tile_overlayer_lowered:
.L_overlay_start_2:
0x50: {  	(tag) =	ssettag $0x2  }
0x51: {  	s0 =	rddreg [dreg:$0x0];
	s2 =	stileid.u32  }
0x52: {  	s1 =	rddreg [dreg:$0x1];
	p0 =	sne.s32 s2, $0x0  }
0x53: {  	s3 =	rddreg [dreg:$0x2];
	[bflag:$0x3] =	sbarrier.arrive $0xFFFF;
	s2 =	simm.s32 @!p0 $0x1C01  }
0x54: {  	[timem:s3], [sflag:s2] =	dma.local @!p0 [hbm:s0], s1  }
0x55: {  	s0 =	simm.s32 @!p0 $0x1  }
0x56: {  	_ =	swait.ge @!p0 [sflag:s0], s1  }
0x57: {  	s1 =	ssub.s32 @!p0 $0x0, s1;
	[sflag:s0] =	ssyncset.done @!p0 $0x0  }
0x58: {  	[sflag:s0] =	ssyncadd.s32 @!p0 s1  }
0x59: {  	[bflag:$0x3] =	sbarrier.arrive $0xFFFF  }
0x5a: {  	_ =	shalt  }

// kernel: gather_offload_async_start.3
scs
__scs_entry_jumppad:
0x0: {  	(pc) =	sbr.rel $0x88, $3  }
0x1: {  	(tag) =	ssettag $0x0;
	lr =	simm.s32 $0x1  }
0x2: {  	[smem:$0x3F9C] =	sst lr;
	_ =	strace $0xD0000000  }
0x3: {  	_ = 	snop  }
0x4: {  	_ = 	snop  }
0x5: {  	_ = 	snop  }
0x6: {  	_ = 	snop  }
0x7: {  	_ = 	snop  }
__scs_overlays_trampoline_lowered:
0x8: {  	[smem:$0x3FAB] =	sst s0  }
0x9: {  	[smem:$0x3FAC] =	sst s1  }
0xa: {  	[smem:$0x3FAD] =	sst s2  }
0xb: {  	[smem:$0x3FAE] =	sst s3  }
0xc: {  	[smem:$0x3FAF] =	sst s4  }
0xd: {  	[smem:$0x3FB0] =	sst s5  }
0xe: {  	[smem:$0x3FB1] =	sst s6  }
0xf: {  	[smem:$0x3FB2] =	sst s7  }
0x10: {  	[smem:$0x3FB3] =	sst s8  }
0x11: {  	[smem:$0x3FB4] =	sst s9;
	s0 =	simm.s32 @!p0 $0x0  }
0x12: {  	s1 =	sld [smem:$0x3F9A];
	s0 =	simm.s32 @p0 $0x1  }
0x13: {  	[smem:$0x3FB5] =	sst s0;
	s0 =	simm.s32 @!p1 $0x0  }
0x14: {  	s2 =	sld [smem:$0x3F99];
	s0 =	simm.s32 @p1 $0x1  }
0x15: {  	[smem:$0x3FB6] =	sst s0;
	s0 =	simm.s32 @!p2 $0x0  }
0x16: {  	s3 =	sld [smem:$0x3FDB];
	s0 =	simm.s32 @p2 $0x1  }
0x17: {  	s4 =	simm.s32 $0x1BF5;
	[smem:$0x3FB8] =	sst s0  }
0x18: {  	s0 =	sld [smem:$0x3F9B];
	_ =	swait.ge [sflag:s4], $0x0  }
0x19: {  	s7 =	sld [smem:$0x3F9C]  }
0x1a: {  	s8 =	sadd.s32 $0xFFFFE003, lr  }
0x1b: {  	s9 =	sadd.s32 $0xFFFFFEF7, lr;
	s5 =	simm.s32 $0xFFFFFFFF;
	p2 =	slt.u32 s8, $0xFFFFF086  }
0x1c: {  	p1 =	slt.u32 s9, $0xF7A;
	s5 =	simm.s32 @!p2 $0x0  }
0x1d: {  	s5 =	simm.s32 @p1 $0x1;
	p0 =	seq.s32 s7, s2  }
0x1e: {  	s7 =	smul.u32 @!p0 $0xF7A, s2;
	p2 =	seq.s32 @!p0 s5, $0x0  }
0x1f: {  	s9 =	smul.u32 $0xF7A, s1;
	s8 =	simm.s32 @!p0 $0x1BF5;
	p2 =	por !p2, p0  }
0x20: {  	[sflag:s8] =	ssyncset.s32 @!p0 $0xFFFFF086;
	s6 =	sadd.s32 @!p0 s3, s7;
	s7 =	simm.s32 @!p0 $0x108  }
0x21: {  	s3 =	sadd.s32 s3, s9;
	s6 =	sadd.s32 @!p0 $0x88, s6;
	s7 =	simm.s32 @p2 $0x1082  }
0x22: {  	[simem:s7], [sflag:s8] =	dma.local @!p0 [hbm:s6], $0xF7A  }
0x23: {  	s9 =	sor.u32 $0xD0000000, s2;
	s6 =	simm.s32 $0x108;
	_ =	swait.ge @!p0 [sflag:s8], $0x0  }
0x24: {  	s3 =	sadd.s32 $0x88, s3;
	s6 =	simm.s32 @!p1 $0x1082;
	[sflag:s4] =	ssyncset.s32 $0xFFFFF086  }
0x25: {  	[simem:s6], [sflag:s4] =	dma.local [hbm:s3], $0xF7A  }
0x26: {  	[smem:$0x3F9C] =	sst s1;
	(tag) =	ssettag s2;
	_ =	strace s9  }
0x27: {  	s1 =	sld [smem:$0x3FAC]  }
0x28: {  	s2 =	sld [smem:$0x3FAD]  }
0x29: {  	s4 =	sld [smem:$0x3FAF]  }
0x2a: {  	p0 =	seq.s32 s5, $0x0;
	s5 =	sld [smem:$0x3FB0]  }
0x2b: {  	s6 =	sld [smem:$0x3FB1]  }
0x2c: {  	s7 =	sld [smem:$0x3FB2]  }
0x2d: {  	s3 =	simm.s32 $0x108;
	s8 =	sld [smem:$0x3FB3]  }
0x2e: {  	s3 =	simm.s32 @!p0 $0x1082;
	s9 =	sld [smem:$0x3FB4]  }
0x2f: {  	lr =	sadd.s32 s0, s3;
	s0 =	sld [smem:$0x3FAB]  }
0x30: {  	s3 =	sld [smem:$0x3FAE]  }
0x31: {  	[smem:$0x3FB7] =	sst s10  }
0x32: {  	s10 =	sld [smem:$0x3FB5];
	_ =	sdelay $0x3  }
0x33: {  	p0 =	seq.s32 s10, $0x1;
	s10 =	sld [smem:$0x3FB7];
	_ =	sdelay $0x3  }
0x34: {  	[smem:$0x3FB7] =	sst s10  }
0x35: {  	s10 =	sld [smem:$0x3FB6];
	_ =	sdelay $0x3  }
0x36: {  	p1 =	seq.s32 s10, $0x1;
	s10 =	sld [smem:$0x3FB7];
	_ =	sdelay $0x3  }
0x37: {  	[smem:$0x3FB7] =	sst s10  }
0x38: {  	s10 =	sld [smem:$0x3FB8]  }
0x39: {  	_ = 	snop;
	(pc) =	sbr.ind lr, $3  }
0x3a: {  	_ = 	snop  }
0x3b: {  	_ = 	snop  }
0x3c: {  	p2 =	seq.s32 s10, $0x1;
	s10 =	sld [smem:$0x3FB7]  }
0x3d: {  	_ =	shalt  }
0x3e: {  	_ =	shalt  }
0x3f: {  	_ =	shalt  }
0x40: {  	_ =	shalt  }
0x41: {  	_ =	shalt  }
0x42: {  	_ =	shalt  }
0x43: {  	_ =	shalt  }
0x44: {  	_ =	shalt  }
0x45: {  	_ =	shalt  }
0x46: {  	_ =	shalt  }
0x47: {  	_ =	shalt  }
0x48: {  	_ =	shalt  }
0x49: {  	_ =	shalt  }
0x4a: {  	_ =	shalt  }
0x4b: {  	_ =	shalt  }
0x4c: {  	_ =	shalt  }
0x4d: {  	_ =	shalt  }
0x4e: {  	_ =	shalt  }
0x4f: {  	_ =	shalt  }
0x50: {  	_ =	shalt  }
0x51: {  	_ =	shalt  }
0x52: {  	_ =	shalt  }
0x53: {  	_ =	shalt  }
0x54: {  	_ =	shalt  }
0x55: {  	_ =	shalt  }
0x56: {  	_ =	shalt  }
0x57: {  	_ =	shalt  }
0x58: {  	_ =	shalt  }
0x59: {  	_ =	shalt  }
0x5a: {  	_ =	shalt  }
0x5b: {  	_ =	shalt  }
0x5c: {  	_ =	shalt  }
0x5d: {  	_ =	shalt  }
0x5e: {  	_ =	shalt  }
0x5f: {  	_ =	shalt  }
0x60: {  	_ =	shalt  }
0x61: {  	_ =	shalt  }
0x62: {  	_ =	shalt  }
0x63: {  	_ =	shalt  }
0x64: {  	_ =	shalt  }
0x65: {  	_ =	shalt  }
0x66: {  	_ =	shalt  }
0x67: {  	_ =	shalt  }
0x68: {  	_ =	shalt  }
0x69: {  	_ =	shalt  }
0x6a: {  	_ =	shalt  }
0x6b: {  	_ =	shalt  }
0x6c: {  	_ =	shalt  }
0x6d: {  	_ =	shalt  }
0x6e: {  	_ =	shalt  }
0x6f: {  	_ =	shalt  }
0x70: {  	_ =	shalt  }
0x71: {  	_ =	shalt  }
0x72: {  	_ =	shalt  }
0x73: {  	_ =	shalt  }
0x74: {  	_ =	shalt  }
0x75: {  	_ =	shalt  }
0x76: {  	_ =	shalt  }
0x77: {  	_ =	shalt  }
0x78: {  	_ =	shalt  }
0x79: {  	_ =	shalt  }
0x7a: {  	_ =	shalt  }
0x7b: {  	_ =	shalt  }
0x7c: {  	_ =	shalt  }
0x7d: {  	_ =	shalt  }
0x7e: {  	_ =	shalt  }
0x7f: {  	_ =	shalt  }
0x80: {  	_ =	shalt  }
0x81: {  	_ =	shalt  }
0x82: {  	_ =	shalt  }
0x83: {  	_ =	shalt  }
0x84: {  	_ =	shalt  }
0x85: {  	_ =	shalt  }
0x86: {  	_ =	shalt  }
0x87: {  	_ =	shalt  }
.Lfunc_end0:
.L_simem_size_0:
called_computation.3_lowered:
.L_overlay_start_0:
0x88: {  	s2 =	sld [smem:$0x3FD9]  }
0x89: {  	s3 =	sld [smem:$0x3FFE];
	_ =	sdelay $0x1  }
0x8a: {  	s1 =	srdreg.scid  }
0x8b: {  	s0 =	sand.u32 $0x1, s1  }
0x8c: {  	s17 =	sshll.u32 s0, $0xA;
	s2 =	sadd.s32 s3, s2  }
0x8d: {  	s2 =	sadd.s32 s2, s17  }
0x8e: {  	[smem:$0x3FC3] =	sst s2  }
0x8f: {  	_ = 	snop  }
0x90: {  	s2 =	sld [smem:$0x3FD0];
	(tm) =	ssettm $0x1  }
0x91: {  	s18 =	sld [smem:$0x3FFB];
	_ =	sdelay $0x3  }
0x92: {  	_ =	strace s18  }
0x93: {  	s3 =	sld [smem:$0x3FFC];
	_ =	sdelay $0x3  }
0x94: {  	_ =	strace s3  }
0x95: {  	s3 =	sld [smem:$0x3FFD];
	_ =	sdelay $0x3  }
0x96: {  	_ =	strace s3  }
0x97: {  	_ =	strace $0x8FFFFFFF  }
0x98: {  	s19 =	sld [smem:$0x3FDB];
	_ =	sdelay $0x1  }
0x99: {  	s4 =	simm.s32 $_scs_section_size  }
0x9a: {  	s5 =	simm.s32 $_size__tile_overlayer_lowered;
	s6 =	simm.s32 $_tile_overlayer_lowered  }
0x9b: {  	s22 =	simm.s32 $0x1BFF;
	s21 =	sshll.u32 s6, $0x1;
	s3 =	sadd.s32 s4, s19  }
0x9c: {  	s7 =	simm.s32 $0x0;
	s20 =	sshll.u32 s5, $0x1;
	s5 =	sadd.s32 s21, s3  }
0x9d: {  	[timem:s7], [sflag:s22] =	dma.local [hbm:s5], s20  }
0x9e: {  	_ =	swait.ge [sflag:s22], s20  }
0x9f: {  	s4 =	ssub.s32 $0x0, s20;
	[sflag:s22] =	ssyncset.done $0x0  }
0xa0: {  	[sflag:s22] =	ssyncadd.s32 s4;
	_ =	sdelay $0x1  }
0xa1: {  	s23 =	simm.s32 $0x1B8B  }
0xa2: {  	_ =	swait.ge [sflag:s23], $0x1  }
0xa3: {  	[sflag:s23] =	ssyncset.done $0x0  }
0xa4: {  	s25 =	simm.s32 $0x1B8E;
	s24 =	sld [smem:$0x3FFE];
	[sflag:s23] =	ssyncadd.s32 $0xFFFFFFFF  }
0xa5: {  	s26 =	simm.s32 $execute0_lowered;
	[smem:$0x3FD2] =	sst s25  }
0xa6: {  	s5 =	sshll.u32 s26, $0x1;
	_ =	strace $0x80000058;
	[dreg:$0x1] =	wrdreg $0xFFFFFFFF  }
0xa7: {  	s28 =	simm.s32 $_size_execute0_lowered;
	s3 =	sadd.s32 s3, s5;
	[dreg:$0x0] =	wrdreg $0x0  }
0xa8: {  	s5 =	sshll.u32 s28, $0x1;
	[dreg:$0x2] =	wrdreg s3  }
0xa9: {  	[dreg:$0x3] =	wrdreg s5  }
0xaa: {  	[dreg:$0x4] =	wrdreg $0xC0  }
0xab: {  	_ =	task [dreg:s7], $0x5FFFF  }
0xac: {  	[dreg:$0x1] =	wrdreg $0xFFFFFFFF  }
0xad: {  	[dreg:$0x0] =	wrdreg $0x60  }
0xae: {  	[dreg:$0x2] =	wrdreg s24  }
0xaf: {  	[dreg:$0x3] =	wrdreg s2  }
0xb0: {  	[dreg:$0x4] =	wrdreg $0x9  }
0xb1: {  	_ =	task.clear_ibuf [dreg:s7], $0x5FFFF;
	_ =	strace $0x90000058  }
0xb2: {  	s29 =	simm.s32 $0x9;
	_ =	strace $0x8000005A  }
0xb3: {  	_ =	swait.ge [sflag:s29], $0x1  }
0xb4: {  	[sflag:s29] =	ssyncadd.s32 $0xFFFFFFFF  }
0xb5: {  	_ =	strace $0x9000005A  }
0xb6: {  	_ =	sfence  }
0xb7: {  	s30 =	sld [smem:$0x0];
	_ =	sdelay $0x2  }
0xb8: {  	s31 =	sshll.u32 s1, $0xD;
	s1 =	sshrl.u32 s1, $0x2  }
0xb9: {  	s3 =	sand.u32 $0x4000, s31;
	s1 =	sadd.s32 s1, s30  }
0xba: {  	s0 =	sor.u32 s3, s0;
	s1 =	sshll.u32 s1, $0x11  }
0xbb: {  	s0 =	sor.u32 s1, s0  }
0xbc: {  	s0 =	sadd.s32 $0x8F2B, s0  }
0xbd: {  	[sflag:s0] =	ssyncadd.remote.s32 $0x1  }
0xbe: {  	_ =	sfence.sel $0xFFFF  }
0xbf: {  	[dreg:$0x0] =	wrdreg $0xFFFFFFFF;
	(pc) =	sbr.abs _section_cstart, $3  }
0xc0: {  	[dreg:$0x1] =	wrdreg $0xFFFFFFFF  }
0xc1: {  	_ =	task.clear_ibuf [dreg:s7], $0x2FFFF;
	_ =	strace $0x9FFFFFFF  }
0xc2: {  	(tm) =	ssettm $0x7FFFFFFF  }
0xc3: {  	_ =	shalt  }
tec
execute0_lowered:
.L_overlay_start_1:
0x0: {  	(tag) =	ssettag $0x1  }
0x1: {  	s2 =	rddreg [dreg:$0x0]  }
0x2: {  	s3 =	rddreg [dreg:$0x1]  }
0x3: {  	s0 =	rddreg [dreg:$0x2];
	s1 =	srdreg.scid;
	_ =	strace $0x80000059  }
0x4: {  	s4 =	simm.s32 $0x1;
	s9 =	simm.s32 $0x3;
	s5 =	sshll.u32 s1, $0x4  }
.Ltmp0:
0x5: {  	s1 =	stileid.u32;
	s5 =	sand.u32 $0x10, s5;
	(pc) =	sbr.rel .LBB2_1-.Ltmp0, $4  }
0x6: {  	s11 =	simm.s32 $0x0;
	p0 =	por $0x0, $0x0;
	s6 =	sor.u32 s1, s5  }
0x7: {  	[sflag:s4] =	ssyncpa.u1 $0x0;
	s5 =	simm.s32 $0x2;
	s6 =	sshll.u32 s6, $0x8  }
0x8: {  	s7 =	sadd.s32 $0x281200, s2;
	[sflag:s5] =	ssyncpa.u1 $0x0;
	s8 =	sadd.s32 $0x100, s6  }
0x9: {  	vm0 =	vmmov $0xff;
	vm1 =	vcmask $0x3F20;
	[sflag:s9] =	ssyncpa.u1 $0x0;
	s10 =	smov.u32 s6;
	s9 =	simm.s32 $0x0  }
.LBB2_9:
0xa: {  	p1 =	slt.u32 s9, $0x2;
	s11 =	sadd.s32 $0x20, s10  }
0xb: {  	s13 =	smov.u32 s6;
	s9 =	sadd.s32 $0x1, s9;
	p2 =	slt.s32 s11, s8  }
0xc: {  	s13 =	smov.u32 @p2 s11;
	p2 =	sne.s32 s9, $0xA  }
.Ltmp1:
0xd: {  	_ = 	snop;
	(pc) =	sbr.rel @!p2 .LBB2_10-.Ltmp1, $4  }
0xe: {  	s12 =	simm.s32 @!p1 $0x3  }
0xf: {  	_ =	swait.ge @!p1 [sflag:s12], $0x8000  }
0x10: {  	p0 =	por !p0, !p0;
	[sflag:s12] =	ssyncset.done @!p1 $0x0  }
0x11: {  	s11 =	smov.u32 s10;
	s10 =	smov.u32 s13;
	[sflag:s12] =	ssyncadd.s32 @!p1 $0xFFFF8000  }
.LBB2_1:
0x12: {  	p1 =	sgt.u32 s9, $0x7  }
0x13: {  	s12 =	sxor.u32 @!p1 $0xFFFFFFFF, s9  }
0x14: {  	s13 =	sshrl.u32 @!p1 s10, $0x3;
	s12 =	sshll.u32 @!p1 s12, $0x5  }
0x15: {  	s14 =	sand.u32 @!p1 $0x7, s10;
	s13 =	sadd.s32 @!p1 s2, s13;
	s12 =	sand.u32 @!p1 $0x20, s12  }
0x16: {  	[tilespmem:s12], [sflag:$0x2] =	stream.linear.gather @!p1 [hbm4b:s13+s14], $0x20, $0x38;
	[tilespmem:$0x10040] =	vst v63  }
0x17: {  	p1 =	seq.s32 s9, $0x0  }
0x18: {  	p2 =	seq.s32 @!p1 s9, $0x9  }
0x19: {  	p1 =	por p1, p2  }
.Ltmp2:
0x1a: {  	_ = 	snop;
	(pc) =	sbr.rel @p1 .LBB2_9-.Ltmp2, $1  }
0x1b: {  	_ =	sdelay $0x3  }
0x1c: {  	s12 =	simm.s32 $0x1  }
0x1d: {  	_ =	swait.ge [sflag:s5], $0x20;
	s13 =	sand.u32 $0x1, s9;
	s12 =	simm.s32 @!p0 $0x0  }
0x1e: {  	s15 =	simm.s32 $0x0;
	p2 =	por $0x1, $0x1;
	s12 =	sshll.u32 s12, $0x11  }
0x1f: {  	[sflag:s5] =	ssyncset.done $0x0;
	s13 =	sshll.u32 s13, $0x5;
	s14 =	sshrl.u32 s12, $0x2  }
0x20: {  	[sflag:s5] =	ssyncadd.s32 $0xFFFFFFE0;
	s12 =	sor.u32 $0x40, s14;
	s14 =	sadd.s32 $0x40, s14  }
.LBB2_3:
0x21: {  	s16 =	sshll.u32 s15, $0x4  }
0x22: {  	s16 =	sand.u32 $0x3FFFFFF0, s16  }
0x23: {  	s16 =	sadd.s32 s16, s13  }
0x24: {  	v0 =	vld.msk [tilespmem:s16+$0x0 ss:$0x1], $0xffff;
	_ =	sdelay $0x4  }
0x25: {  	vm2 =	vgt.s32 v0, $0x0  }
0x26: {  	v0 =	vnsel vm2, $0x0, v0  }
0x27: {  	v0 =	vmin.u32 v0, $0x47FF  }
0x28: {  	v1 =	vshll.u32 v0, $0x7;
	v0 =	vshll.u32 v0, $0x4  }
0x29: {  	v1 =	vand.u32 $0x3FFC00, v1;
	v0 =	vand.u32 $0x70, v0  }
0x2a: {  	v0 =	vor.u32 v0, v1  }
0x2b: {  	s31 =	sshll.u32 s15, $0x10  }
0x2c: {  	s15 =	sshra.s32 s31, $0x2  }
0x2d: {  	s15 =	sadd.s32 s15, s14  }
0x2e: {  	s17 =	sadd.s32 $0x0, s15  }
0x2f: {  	[tilespmem:s17], [sflag:$0x1] =	stream.indirect_vreg.gather [hbm:s7], $0x80, v0, vm0, $0x38;
	[tilespmem:$0x10040] =	vst v63  }
0x30: {  	p1 =	por p2, p2;
	s16 =	simm.s32 $0x1000;
	v1 =	vadd.s32 $0x80, v0;
	s17 =	sadd.s32 $0x2000, s17  }
.LBB2_4:
0x31: {  	[tilespmem:s17], [sflag:$0x1] =	stream.indirect_vreg.gather [hbm:s7], $0x80, v0, vm1, $0x38;
	[tilespmem:$0x10040] =	vst v63  }
0x32: {  	v0 =	vmov v1;
	s17 =	smov.u32 s16;
	p2 =	sne.s32 s16, $0x7000  }
.Ltmp3:
0x33: {  	s16 =	sadd.s32 $0x1000, s16;
	(pc) =	sbr.rel @p2 .LBB2_4-.Ltmp3, $4  }
0x34: {  	s17 =	sshra.s32 s17, $0x2  }
0x35: {  	s17 =	sadd.s32 s17, s15  }
0x36: {  	[tilespmem:s17], [sflag:$0x1] =	stream.indirect_vreg.gather [hbm:s7], $0x80, v1, vm0, $0x38;
	[tilespmem:$0x10040] =	vst v63  }
0x37: {  	s17 =	sadd.s32 $0x2000, s17;
	v1 =	vadd.s32 $0x80, v1  }
0x38: {  	_ = 	snop  }
.Ltmp4:
0x39: {  	_ = 	snop;
	(pc) =	sbr.rel @p1 .LBB2_3-.Ltmp4, $3  }
0x3a: {  	_ =	sdelay $0x1  }
0x3b: {  	[tilespmem:s17], [sflag:$0x1] =	stream.indirect_vreg.gather [hbm:s7], $0x80, v0, vm1, $0x38;
	[tilespmem:$0x10040] =	vst v63  }
0x3c: {  	s15 =	simm.s32 $0x1;
	p2 =	por $0x0, $0x0  }
0x3d: {  	s13 =	sshll.u32 s11, $0x7  }
0x3e: {  	s31 =	sshll.u32 s11, $0x4;
	s13 =	sand.u32 $0xFFFFFC00, s13  }
0x3f: {  	_ =	swait.ge [sflag:s4], $0x8000;
	s11 =	sand.u32 $0x70, s31;
	s13 =	sadd.s32 s13, s3  }
0x40: {  	s14 =	sadd.s32 $0x2000, s12;
	[sflag:s4] =	ssyncset.done $0x0;
	s11 =	sadd.s32 s11, s13  }
0x41: {  	[sflag:s4] =	ssyncadd.s32 $0xFFFF8000;
	s13 =	simm.s32 $0x400;
	s15 =	sadd.s32 $0x0, s11  }
.LBB2_7:
0x42: {  	[hbm:s15] =	stream.linear.scatter [tilespmem:s12], [sflag:$0x3], $0x2000, $0x38;
	[tilespmem:$0x10040] =	vst v63  }
0x43: {  	s15 =	smov.u32 s13;
	s12 =	smov.u32 s14;
	p1 =	sne.s32 s13, $0xC00  }
.Ltmp5:
0x44: {  	s13 =	sadd.s32 $0x400, s13;
	(pc) =	sbr.rel @p1 .LBB2_7-.Ltmp5, $2  }
0x45: {  	_ =	sdelay $0x2  }
0x46: {  	s14 =	sadd.s32 $0x2000, s14;
	s15 =	sadd.s32 s15, s11  }
.Ltmp6:
0x47: {  	(pc) =	sbr.rel .LBB2_9-.Ltmp6, $2  }
0x48: {  	_ =	sdelay $0x2  }
0x49: {  	[hbm:s15] =	stream.linear.scatter [tilespmem:s12], [sflag:$0x3], $0x2000, $0x38;
	[tilespmem:$0x10040] =	vst v63  }
.LBB2_10:
0x4a: {  	_ =	sfence.sel $0x180000  }
0x4b: {  	s2 =	simm.s32 $0x2;
	[bflag:$0x0] =	sbarrier.arrive $0xFFFF  }
0x4c: {  	s30 =	simm.s32 $0x3;
	[sflag:s2] =	ssyncpa.u1 $0x1  }
0x4d: {  	s31 =	simm.s32 $0x1;
	[sflag:s30] =	ssyncpa.u1 $0x1  }
0x4e: {  	[sflag:s31] =	ssyncpa.u1 $0x1  }
0x4f: {  	p0 =	sne.s32 s1, $0x0;
	_ =	strace $0x90000059  }
0x50: {  	s0 =	sadd.s32 @!p0 $0x100000, s0;
	[bflag:$0x2] =	sbarrier.arrive $0xFFFF  }
0x51: {  	[sflag:s0] =	ssyncadd.tile.s32 @!p0 $0x1;
	_ =	shalt  }
.Lfunc_end2:
_tile_overlayer_lowered:
.L_overlay_start_2:
0x52: {  	(tag) =	ssettag $0x2  }
0x53: {  	s0 =	rddreg [dreg:$0x0];
	s2 =	stileid.u32  }
0x54: {  	s1 =	rddreg [dreg:$0x1];
	p0 =	sne.s32 s2, $0x0  }
0x55: {  	s3 =	rddreg [dreg:$0x2];
	[bflag:$0x3] =	sbarrier.arrive $0xFFFF;
	s2 =	simm.s32 @!p0 $0x1C01  }
0x56: {  	[timem:s3], [sflag:s2] =	dma.local @!p0 [hbm:s0], s1  }
0x57: {  	s0 =	simm.s32 @!p0 $0x1  }
0x58: {  	_ =	swait.ge @!p0 [sflag:s0], s1  }
0x59: {  	s1 =	ssub.s32 @!p0 $0x0, s1;
	[sflag:s0] =	ssyncset.done @!p0 $0x0  }
0x5a: {  	[sflag:s0] =	ssyncadd.s32 @!p0 s1  }
0x5b: {  	[bflag:$0x3] =	sbarrier.arrive $0xFFFF  }
0x5c: {  	_ =	shalt  }

// kernel: gather_offload_async_start.4
scs
__scs_entry_jumppad:
0x0: {  	(pc) =	sbr.rel $0x88, $3  }
0x1: {  	(tag) =	ssettag $0x0;
	lr =	simm.s32 $0x1  }
0x2: {  	[smem:$0x3F9C] =	sst lr;
	_ =	strace $0xD0000000  }
0x3: {  	_ = 	snop  }
0x4: {  	_ = 	snop  }
0x5: {  	_ = 	snop  }
0x6: {  	_ = 	snop  }
0x7: {  	_ = 	snop  }
__scs_overlays_trampoline_lowered:
0x8: {  	[smem:$0x3FAB] =	sst s0  }
0x9: {  	[smem:$0x3FAC] =	sst s1  }
0xa: {  	[smem:$0x3FAD] =	sst s2  }
0xb: {  	[smem:$0x3FAE] =	sst s3  }
0xc: {  	[smem:$0x3FAF] =	sst s4  }
0xd: {  	[smem:$0x3FB0] =	sst s5  }
0xe: {  	[smem:$0x3FB1] =	sst s6  }
0xf: {  	[smem:$0x3FB2] =	sst s7  }
0x10: {  	[smem:$0x3FB3] =	sst s8  }
0x11: {  	[smem:$0x3FB4] =	sst s9;
	s0 =	simm.s32 @!p0 $0x0  }
0x12: {  	s1 =	sld [smem:$0x3F9A];
	s0 =	simm.s32 @p0 $0x1  }
0x13: {  	[smem:$0x3FB5] =	sst s0;
	s0 =	simm.s32 @!p1 $0x0  }
0x14: {  	s2 =	sld [smem:$0x3F99];
	s0 =	simm.s32 @p1 $0x1  }
0x15: {  	[smem:$0x3FB6] =	sst s0;
	s0 =	simm.s32 @!p2 $0x0  }
0x16: {  	s3 =	sld [smem:$0x3FDB];
	s0 =	simm.s32 @p2 $0x1  }
0x17: {  	s4 =	simm.s32 $0x1BF5;
	[smem:$0x3FB8] =	sst s0  }
0x18: {  	s0 =	sld [smem:$0x3F9B];
	_ =	swait.ge [sflag:s4], $0x0  }
0x19: {  	s7 =	sld [smem:$0x3F9C]  }
0x1a: {  	s8 =	sadd.s32 $0xFFFFE003, lr  }
0x1b: {  	s9 =	sadd.s32 $0xFFFFFEF7, lr;
	s5 =	simm.s32 $0xFFFFFFFF;
	p2 =	slt.u32 s8, $0xFFFFF086  }
0x1c: {  	p1 =	slt.u32 s9, $0xF7A;
	s5 =	simm.s32 @!p2 $0x0  }
0x1d: {  	s5 =	simm.s32 @p1 $0x1;
	p0 =	seq.s32 s7, s2  }
0x1e: {  	s7 =	smul.u32 @!p0 $0xF7A, s2;
	p2 =	seq.s32 @!p0 s5, $0x0  }
0x1f: {  	s9 =	smul.u32 $0xF7A, s1;
	s8 =	simm.s32 @!p0 $0x1BF5;
	p2 =	por !p2, p0  }
0x20: {  	[sflag:s8] =	ssyncset.s32 @!p0 $0xFFFFF086;
	s6 =	sadd.s32 @!p0 s3, s7;
	s7 =	simm.s32 @!p0 $0x108  }
0x21: {  	s3 =	sadd.s32 s3, s9;
	s6 =	sadd.s32 @!p0 $0x88, s6;
	s7 =	simm.s32 @p2 $0x1082  }
0x22: {  	[simem:s7], [sflag:s8] =	dma.local @!p0 [hbm:s6], $0xF7A  }
0x23: {  	s9 =	sor.u32 $0xD0000000, s2;
	s6 =	simm.s32 $0x108;
	_ =	swait.ge @!p0 [sflag:s8], $0x0  }
0x24: {  	s3 =	sadd.s32 $0x88, s3;
	s6 =	simm.s32 @!p1 $0x1082;
	[sflag:s4] =	ssyncset.s32 $0xFFFFF086  }
0x25: {  	[simem:s6], [sflag:s4] =	dma.local [hbm:s3], $0xF7A  }
0x26: {  	[smem:$0x3F9C] =	sst s1;
	(tag) =	ssettag s2;
	_ =	strace s9  }
0x27: {  	s1 =	sld [smem:$0x3FAC]  }
0x28: {  	s2 =	sld [smem:$0x3FAD]  }
0x29: {  	s4 =	sld [smem:$0x3FAF]  }
0x2a: {  	p0 =	seq.s32 s5, $0x0;
	s5 =	sld [smem:$0x3FB0]  }
0x2b: {  	s6 =	sld [smem:$0x3FB1]  }
0x2c: {  	s7 =	sld [smem:$0x3FB2]  }
0x2d: {  	s3 =	simm.s32 $0x108;
	s8 =	sld [smem:$0x3FB3]  }
0x2e: {  	s3 =	simm.s32 @!p0 $0x1082;
	s9 =	sld [smem:$0x3FB4]  }
0x2f: {  	lr =	sadd.s32 s0, s3;
	s0 =	sld [smem:$0x3FAB]  }
0x30: {  	s3 =	sld [smem:$0x3FAE]  }
0x31: {  	[smem:$0x3FB7] =	sst s10  }
0x32: {  	s10 =	sld [smem:$0x3FB5];
	_ =	sdelay $0x3  }
0x33: {  	p0 =	seq.s32 s10, $0x1;
	s10 =	sld [smem:$0x3FB7];
	_ =	sdelay $0x3  }
0x34: {  	[smem:$0x3FB7] =	sst s10  }
0x35: {  	s10 =	sld [smem:$0x3FB6];
	_ =	sdelay $0x3  }
0x36: {  	p1 =	seq.s32 s10, $0x1;
	s10 =	sld [smem:$0x3FB7];
	_ =	sdelay $0x3  }
0x37: {  	[smem:$0x3FB7] =	sst s10  }
0x38: {  	s10 =	sld [smem:$0x3FB8]  }
0x39: {  	_ = 	snop;
	(pc) =	sbr.ind lr, $3  }
0x3a: {  	_ = 	snop  }
0x3b: {  	_ = 	snop  }
0x3c: {  	p2 =	seq.s32 s10, $0x1;
	s10 =	sld [smem:$0x3FB7]  }
0x3d: {  	_ =	shalt  }
0x3e: {  	_ =	shalt  }
0x3f: {  	_ =	shalt  }
0x40: {  	_ =	shalt  }
0x41: {  	_ =	shalt  }
0x42: {  	_ =	shalt  }
0x43: {  	_ =	shalt  }
0x44: {  	_ =	shalt  }
0x45: {  	_ =	shalt  }
0x46: {  	_ =	shalt  }
0x47: {  	_ =	shalt  }
0x48: {  	_ =	shalt  }
0x49: {  	_ =	shalt  }
0x4a: {  	_ =	shalt  }
0x4b: {  	_ =	shalt  }
0x4c: {  	_ =	shalt  }
0x4d: {  	_ =	shalt  }
0x4e: {  	_ =	shalt  }
0x4f: {  	_ =	shalt  }
0x50: {  	_ =	shalt  }
0x51: {  	_ =	shalt  }
0x52: {  	_ =	shalt  }
0x53: {  	_ =	shalt  }
0x54: {  	_ =	shalt  }
0x55: {  	_ =	shalt  }
0x56: {  	_ =	shalt  }
0x57: {  	_ =	shalt  }
0x58: {  	_ =	shalt  }
0x59: {  	_ =	shalt  }
0x5a: {  	_ =	shalt  }
0x5b: {  	_ =	shalt  }
0x5c: {  	_ =	shalt  }
0x5d: {  	_ =	shalt  }
0x5e: {  	_ =	shalt  }
0x5f: {  	_ =	shalt  }
0x60: {  	_ =	shalt  }
0x61: {  	_ =	shalt  }
0x62: {  	_ =	shalt  }
0x63: {  	_ =	shalt  }
0x64: {  	_ =	shalt  }
0x65: {  	_ =	shalt  }
0x66: {  	_ =	shalt  }
0x67: {  	_ =	shalt  }
0x68: {  	_ =	shalt  }
0x69: {  	_ =	shalt  }
0x6a: {  	_ =	shalt  }
0x6b: {  	_ =	shalt  }
0x6c: {  	_ =	shalt  }
0x6d: {  	_ =	shalt  }
0x6e: {  	_ =	shalt  }
0x6f: {  	_ =	shalt  }
0x70: {  	_ =	shalt  }
0x71: {  	_ =	shalt  }
0x72: {  	_ =	shalt  }
0x73: {  	_ =	shalt  }
0x74: {  	_ =	shalt  }
0x75: {  	_ =	shalt  }
0x76: {  	_ =	shalt  }
0x77: {  	_ =	shalt  }
0x78: {  	_ =	shalt  }
0x79: {  	_ =	shalt  }
0x7a: {  	_ =	shalt  }
0x7b: {  	_ =	shalt  }
0x7c: {  	_ =	shalt  }
0x7d: {  	_ =	shalt  }
0x7e: {  	_ =	shalt  }
0x7f: {  	_ =	shalt  }
0x80: {  	_ =	shalt  }
0x81: {  	_ =	shalt  }
0x82: {  	_ =	shalt  }
0x83: {  	_ =	shalt  }
0x84: {  	_ =	shalt  }
0x85: {  	_ =	shalt  }
0x86: {  	_ =	shalt  }
0x87: {  	_ =	shalt  }
.Lfunc_end0:
.L_simem_size_0:
called_computation.4_lowered:
.L_overlay_start_0:
0x88: {  	s2 =	sld [smem:$0x3FD9]  }
0x89: {  	s3 =	sld [smem:$0x3FFE];
	_ =	sdelay $0x1  }
0x8a: {  	s1 =	srdreg.scid  }
0x8b: {  	s0 =	sand.u32 $0x1, s1  }
0x8c: {  	s17 =	sshll.u32 s0, $0xA;
	s2 =	sadd.s32 s3, s2  }
0x8d: {  	s2 =	sadd.s32 s2, s17  }
0x8e: {  	[smem:$0x3FC3] =	sst s2  }
0x8f: {  	_ = 	snop  }
0x90: {  	s2 =	sld [smem:$0x3FD0];
	(tm) =	ssettm $0x1  }
0x91: {  	s18 =	sld [smem:$0x3FFB];
	_ =	sdelay $0x3  }
0x92: {  	_ =	strace s18  }
0x93: {  	s3 =	sld [smem:$0x3FFC];
	_ =	sdelay $0x3  }
0x94: {  	_ =	strace s3  }
0x95: {  	s3 =	sld [smem:$0x3FFD];
	_ =	sdelay $0x3  }
0x96: {  	_ =	strace s3  }
0x97: {  	_ =	strace $0x8FFFFFFF  }
0x98: {  	s19 =	sld [smem:$0x3FDB];
	_ =	sdelay $0x1  }
0x99: {  	s4 =	simm.s32 $_scs_section_size  }
0x9a: {  	s5 =	simm.s32 $_size__tile_overlayer_lowered;
	s6 =	simm.s32 $_tile_overlayer_lowered  }
0x9b: {  	s22 =	simm.s32 $0x1BFF;
	s21 =	sshll.u32 s6, $0x1;
	s3 =	sadd.s32 s4, s19  }
0x9c: {  	s7 =	simm.s32 $0x0;
	s20 =	sshll.u32 s5, $0x1;
	s5 =	sadd.s32 s21, s3  }
0x9d: {  	[timem:s7], [sflag:s22] =	dma.local [hbm:s5], s20  }
0x9e: {  	_ =	swait.ge [sflag:s22], s20  }
0x9f: {  	s4 =	ssub.s32 $0x0, s20;
	[sflag:s22] =	ssyncset.done $0x0  }
0xa0: {  	[sflag:s22] =	ssyncadd.s32 s4;
	_ =	sdelay $0x1  }
0xa1: {  	s23 =	simm.s32 $0x1B8B  }
0xa2: {  	_ =	swait.ge [sflag:s23], $0x1  }
0xa3: {  	[sflag:s23] =	ssyncset.done $0x0  }
0xa4: {  	s25 =	simm.s32 $0x1B8E;
	s24 =	sld [smem:$0x3FFE];
	[sflag:s23] =	ssyncadd.s32 $0xFFFFFFFF  }
0xa5: {  	s26 =	simm.s32 $execute0_lowered;
	[smem:$0x3FD2] =	sst s25  }
0xa6: {  	s5 =	sshll.u32 s26, $0x1;
	_ =	strace $0x80000046;
	[dreg:$0x1] =	wrdreg $0xFFFFFFFF  }
0xa7: {  	s28 =	simm.s32 $_size_execute0_lowered;
	s3 =	sadd.s32 s3, s5;
	[dreg:$0x0] =	wrdreg $0x0  }
0xa8: {  	s5 =	sshll.u32 s28, $0x1;
	[dreg:$0x2] =	wrdreg s3  }
0xa9: {  	[dreg:$0x3] =	wrdreg s5  }
0xaa: {  	[dreg:$0x4] =	wrdreg $0xC0  }
0xab: {  	_ =	task [dreg:s7], $0x5FFFF  }
0xac: {  	[dreg:$0x1] =	wrdreg $0xFFFFFFFF  }
0xad: {  	[dreg:$0x0] =	wrdreg $0x60  }
0xae: {  	[dreg:$0x2] =	wrdreg s2  }
0xaf: {  	[dreg:$0x3] =	wrdreg s24  }
0xb0: {  	[dreg:$0x4] =	wrdreg $0x9  }
0xb1: {  	_ =	task.clear_ibuf [dreg:s7], $0x5FFFF;
	_ =	strace $0x90000046  }
0xb2: {  	s29 =	simm.s32 $0x9;
	_ =	strace $0x80000048  }
0xb3: {  	_ =	swait.ge [sflag:s29], $0x1  }
0xb4: {  	[sflag:s29] =	ssyncadd.s32 $0xFFFFFFFF  }
0xb5: {  	_ =	strace $0x90000048  }
0xb6: {  	_ =	sfence  }
0xb7: {  	s30 =	sld [smem:$0x0];
	_ =	sdelay $0x2  }
0xb8: {  	s31 =	sshll.u32 s1, $0xD;
	s1 =	sshrl.u32 s1, $0x2  }
0xb9: {  	s3 =	sand.u32 $0x4000, s31;
	s1 =	sadd.s32 s1, s30  }
0xba: {  	s0 =	sor.u32 s3, s0;
	s1 =	sshll.u32 s1, $0x11  }
0xbb: {  	s0 =	sor.u32 s1, s0  }
0xbc: {  	s0 =	sadd.s32 $0x8F2B, s0  }
0xbd: {  	[sflag:s0] =	ssyncadd.remote.s32 $0x1  }
0xbe: {  	_ =	sfence.sel $0xFFFF  }
0xbf: {  	[dreg:$0x0] =	wrdreg $0xFFFFFFFF;
	(pc) =	sbr.abs _section_cstart, $3  }
0xc0: {  	[dreg:$0x1] =	wrdreg $0xFFFFFFFF  }
0xc1: {  	_ =	task.clear_ibuf [dreg:s7], $0x2FFFF;
	_ =	strace $0x9FFFFFFF  }
0xc2: {  	(tm) =	ssettm $0x7FFFFFFF  }
0xc3: {  	_ =	shalt  }
tec
execute0_lowered:
.L_overlay_start_1:
0x0: {  	(tag) =	ssettag $0x1  }
0x1: {  	s1 =	srdreg.scid;
	s2 =	rddreg [dreg:$0x0]  }
0x2: {  	s0 =	stileid.u32;
	s5 =	rddreg [dreg:$0x1];
	s6 =	simm.s32 $0x1  }
0x3: {  	s9 =	simm.s32 $0x1;
	s10 =	simm.s32 $0x3;
	s1 =	sshll.u32 s1, $0xF  }
0x4: {  	s13 =	simm.s32 $0x0;
	s3 =	sshll.u32 s0, $0x10;
	s4 =	sand.u32 $0x8000, s1  }
0x5: {  	s12 =	simm.s32 $0x0;
	s1 =	rddreg [dreg:$0x2];
	s3 =	sor.u32 s3, s4  }
0x6: {  	_ =	strace $0x80000047;
	s4 =	sadd.s32 $0x2400, s5;
	s8 =	ssub.s32 $0x270000, s3  }
.Ltmp0:
0x7: {  	s5 =	sadd.s32 $0x50400, s5;
	s7 =	sand.u32 $0xF8000, s8;
	(pc) =	sbr.rel .LBB2_1-.Ltmp0, $4  }
0x8: {  	[sflag:s6] =	ssyncpa.u1 $0x0;
	s11 =	smov.u32 s3;
	p0 =	sne.s32 s7, $0x0  }
0x9: {  	s8 =	sshrl.u32 s8, $0x14;
	s7 =	simm.s32 $0x2;
	s9 =	simm.s32 @!p0 $0x0  }
0xa: {  	[sflag:s7] =	ssyncpa.u1 $0x0;
	p0 =	por $0x0, $0x0;
	s8 =	sadd.s32 s9, s8  }
0xb: {  	vm0 =	vmmov $0xffff;
	[sflag:s10] =	ssyncpa.u1 $0x0;
	s10 =	simm.s32 $0x0;
	s9 =	sadd.s32 $0x1, s8  }
.LBB2_4:
0xc: {  	vm1 =	veq.s32 v0, $0x80000000;
	v62 =	vand.u32 $0x1FF, v0;
	v2 =	vand.u32 $0x1FFF, v2  }
0xd: {  	v0 =	vsel vm1, $0xFFFFFFFF, v62;
	v2 =	vsel vm1, $0xFFFFFFFF, v2  }
0xe: {  	v3 =	vshll.u32 v0, $0xD;
	v4 =	vshll.u32 v2, $0x3  }
0xf: {  	v0 =	vshll.u32 v0, $0x7;
	v3 =	vand.u32 $0xFFFF0000, v3;
	v4 =	vand.u32 $0xFFFFFC00, v4  }
0x10: {  	v0 =	vand.u32 $0x380, v0;
	v3 =	vadd.s32 v3, v4  }
0x11: {  	v2 =	vand.u32 $0x7F, v2;
	v0 =	vor.u32 v0, v3  }
0x12: {  	v0 =	vor.u32 v2, v0;
	_ =	sdelay $0x1  }
0x13: {  	(ifvalue) =	ssetifvalue $0x7FFFFFFF;
	s14 =	sadd.s32 $0x10, s14  }
0x14: {  	[tilespmem:s14], [sflag:$0x1] =	stream.indirect_vreg.gather [hbm4b:s2+s10], $0x1, v1, vm0, $0x4038;
	v63 =	vld [tilespmem:$0x0]  }
0x15: {  	(ifvalue) =	ssetifvalue $0x7FFFFFFF;
	s14 =	sadd.s32 $0x10, s14  }
0x16: {  	[tilespmem:s14], [sflag:$0x1] =	stream.indirect_vreg.gather [hbm4b:s2+s10], $0x1, v0, vm0, $0x4038;
	v63 =	vld [tilespmem:$0x0]  }
0x17: {  	_ =	swait.ge [sflag:s6], $0x8000  }
0x18: {  	s30 =	sshrl.u32 s13, $0x3;
	[sflag:s6] =	ssyncset.done $0x0  }
0x19: {  	s31 =	sand.u32 $0x7, s13;
	s14 =	sadd.s32 s5, s30;
	[sflag:s6] =	ssyncadd.s32 $0xFFFF8000  }
0x1a: {  	[hbm4b:s14+s31] =	stream.linear.scatter [tilespmem:s15], [sflag:$0x3], $0x8000, $0x38;
	v63 =	vld [tilespmem:$0x0]  }
.LBB2_5:
0x1b: {  	s15 =	sadd.s32 $0x100000, s11  }
0x1c: {  	p2 =	sgt.s32 s15, $0x26FFFF  }
0x1d: {  	s15 =	smov.u32 @p2 s3;
	p2 =	sne.s32 s12, s9  }
.Ltmp1:
0x1e: {  	p1 =	slt.u32 s12, $0x2;
	(pc) =	sbr.rel @!p2 .LBB2_6-.Ltmp1, $4  }
0x1f: {  	s14 =	simm.s32 @!p1 $0x3  }
0x20: {  	s16 =	sadd.s32 $0x1, s12;
	_ =	swait.ge @!p1 [sflag:s14], $0x8000  }
0x21: {  	s13 =	smov.u32 s11;
	p0 =	por !p0, !p0;
	[sflag:s14] =	ssyncset.done @!p1 $0x0  }
0x22: {  	s12 =	smov.u32 s16;
	s11 =	smov.u32 s15;
	[sflag:s14] =	ssyncadd.s32 @!p1 $0xFFFF8000  }
.LBB2_1:
0x23: {  	p1 =	sge.u32 s12, s8  }
0x24: {  	s14 =	sxor.u32 @!p1 $0xFFFFFFFF, s12  }
0x25: {  	s31 =	sadd.s32 $0xFFFFFFFF, s12;
	s15 =	sshrl.u32 @!p1 s11, $0x3;
	s14 =	sshll.u32 @!p1 s14, $0xF  }
0x26: {  	s16 =	sand.u32 @!p1 $0x7, s11;
	s15 =	sadd.s32 @!p1 s4, s15;
	s14 =	sand.u32 @!p1 $0x8000, s14  }
0x27: {  	[tilespmem:s14], [sflag:$0x2] =	stream.linear.gather @!p1 [hbm4b:s15+s16], $0x8000, $0x38;
	v63 =	vld [tilespmem:$0x0]  }
0x28: {  	p1 =	sge.u32 s31, s8  }
.Ltmp2:
0x29: {  	_ = 	snop;
	(pc) =	sbr.rel @p1 .LBB2_5-.Ltmp2, $1  }
0x2a: {  	_ =	sdelay $0x3  }
0x2b: {  	s14 =	simm.s32 $0x1  }
0x2c: {  	_ =	swait.ge [sflag:s7], $0x8000;
	s14 =	simm.s32 @!p0 $0x0  }
0x2d: {  	[sflag:s7] =	ssyncset.done $0x0;
	s14 =	sshll.u32 s14, $0xF  }
0x2e: {  	[sflag:s7] =	ssyncadd.s32 $0xFFFF8000;
	(ifvalue) =	ssetifvalue $0x7FFFFFFF;
	v0 =	vld.msk [tilespmem:s14+$0x0 ss:$0x1], $0xffff;
	_ =	sdelay $0x3  }
0x2f: {  	s15 =	sadd.s32 $0x10, s14  }
0x30: {  	v2 =	vld.msk [tilespmem:s15+$0x0 ss:$0x1], $0xffff;
	v1 =	vshrl.u32 v0, $0x9  }
0x31: {  	vm1 =	veq.s32 v0, $0x80000000;
	v0 =	vand.u32 $0x1FF, v0;
	v1 =	vand.u32 $0x1FFF, v1  }
0x32: {  	v0 =	vsel vm1, $0xFFFFFFFF, v0;
	v1 =	vsel vm1, $0xFFFFFFFF, v1  }
0x33: {  	v3 =	vshll.u32 v0, $0xD;
	v4 =	vshll.u32 v1, $0x3  }
0x34: {  	v0 =	vshll.u32 v0, $0x7;
	v3 =	vand.u32 $0xFFFF0000, v3;
	v4 =	vand.u32 $0xFFFFFC00, v4  }
0x35: {  	vm1 =	veq.s32 v2, $0x80000000;
	v0 =	vand.u32 $0x380, v0;
	v3 =	vadd.s32 v3, v4  }
0x36: {  	v1 =	vand.u32 $0x7F, v1;
	v0 =	vor.u32 v0, v3;
	v3 =	vshrl.u32 v2, $0x9  }
0x37: {  	s17 =	sadd.s32 $0x10, s15;
	v2 =	vand.u32 $0x1FF, v2;
	v1 =	vor.u32 v1, v0;
	v3 =	vand.u32 $0x1FFF, v3  }
0x38: {  	v0 =	vld.msk [tilespmem:s17+$0x0 ss:$0x1], $0xffff;
	v2 =	vsel vm1, $0xFFFFFFFF, v2;
	v3 =	vsel vm1, $0xFFFFFFFF, v3  }
0x39: {  	v62 =	vshll.u32 v2, $0xD;
	v5 =	vshll.u32 v3, $0x3  }
0x3a: {  	s31 =	sshll.u32 s12, $0xF;
	v2 =	vshll.u32 v2, $0x7;
	v4 =	vand.u32 $0xFFFF0000, v62;
	v5 =	vand.u32 $0xFFFFFC00, v5  }
0x3b: {  	s14 =	sor.u32 $0x10000, s14;
	s15 =	sand.u32 $0x8000, s31;
	(ifvalue) =	ssetifvalue $0x7FFFFFFF;
	v2 =	vand.u32 $0x380, v2;
	v4 =	vadd.s32 v4, v5  }
0x3c: {  	[tilespmem:s14], [sflag:$0x1] =	stream.indirect_vreg.gather [hbm4b:s2+s10], $0x1, v1, vm0, $0x4038;
	v1 =	vand.u32 $0x7F, v3;
	v3 =	vor.u32 v2, v4;
	v63 =	vld [tilespmem:$0x0]  }
0x3d: {  	s16 =	simm.s32 $0x20;
	s15 =	sor.u32 $0x10000, s15;
	s17 =	sadd.s32 $0x10, s17;
	v2 =	vshrl.u32 v0, $0x9;
	v1 =	vor.u32 v1, v3  }
.LBB2_3:
0x3e: {  	s16 =	sadd.s32 $0x10, s16;
	vm1 =	veq.s32 v0, $0x80000000;
	v3 =	vand.u32 $0x1FF, v0;
	v0 =	vld.msk [tilespmem:s17+$0x0 ss:$0x1], $0xffff;
	v2 =	vand.u32 $0x1FFF, v2  }
0x3f: {  	p1 =	slt.u32 s16, $0x7FF0;
	v3 =	vsel vm1, $0xFFFFFFFF, v3;
	v2 =	vsel vm1, $0xFFFFFFFF, v2  }
.Ltmp3:
0x40: {  	v4 =	vshll.u32 v3, $0xD;
	v5 =	vshll.u32 v2, $0x3;
	(pc) =	sbr.rel @p1 .LBB2_3-.Ltmp3, $4  }
0x41: {  	s14 =	sadd.s32 $0x10, s14;
	v3 =	vshll.u32 v3, $0x7;
	v4 =	vand.u32 $0xFFFF0000, v4;
	v5 =	vand.u32 $0xFFFFFC00, v5;
	(ifvalue) =	ssetifvalue $0x7FFFFFFF  }
0x42: {  	v3 =	vand.u32 $0x380, v3;
	v4 =	vadd.s32 v4, v5;
	[tilespmem:s14], [sflag:$0x1] =	stream.indirect_vreg.gather [hbm4b:s2+s10], $0x1, v1, vm0, $0x4038;
	v63 =	vld [tilespmem:$0x0]  }
0x43: {  	v1 =	vand.u32 $0x7F, v2;
	v3 =	vor.u32 v3, v4  }
0x44: {  	s17 =	sadd.s32 $0x10, s17;
	v2 =	vshrl.u32 v0, $0x9;
	v1 =	vor.u32 v1, v3  }
.Ltmp4:
0x45: {  	_ = 	snop;
	(pc) =	sbr.rel .LBB2_4-.Ltmp4, $1  }
0x46: {  	_ =	sdelay $0x3  }
.LBB2_6:
0x47: {  	_ =	sfence.sel $0x180000  }
0x48: {  	s2 =	simm.s32 $0x2;
	[bflag:$0x0] =	sbarrier.arrive $0xFFFF  }
0x49: {  	s30 =	simm.s32 $0x3;
	[sflag:s2] =	ssyncpa.u1 $0x1  }
0x4a: {  	s31 =	simm.s32 $0x1;
	[sflag:s30] =	ssyncpa.u1 $0x1  }
0x4b: {  	[sflag:s31] =	ssyncpa.u1 $0x1  }
0x4c: {  	p0 =	sne.s32 s0, $0x0;
	_ =	strace $0x90000047  }
0x4d: {  	s0 =	sadd.s32 @!p0 $0x100000, s1;
	[bflag:$0x2] =	sbarrier.arrive $0xFFFF  }
0x4e: {  	[sflag:s0] =	ssyncadd.tile.s32 @!p0 $0x1;
	_ =	shalt  }
.Lfunc_end2:
_tile_overlayer_lowered:
.L_overlay_start_2:
0x4f: {  	(tag) =	ssettag $0x2  }
0x50: {  	s0 =	rddreg [dreg:$0x0];
	s2 =	stileid.u32  }
0x51: {  	s1 =	rddreg [dreg:$0x1];
	p0 =	sne.s32 s2, $0x0  }
0x52: {  	s3 =	rddreg [dreg:$0x2];
	[bflag:$0x3] =	sbarrier.arrive $0xFFFF;
	s2 =	simm.s32 @!p0 $0x1C01  }
0x53: {  	[timem:s3], [sflag:s2] =	dma.local @!p0 [hbm:s0], s1  }
0x54: {  	s0 =	simm.s32 @!p0 $0x1  }
0x55: {  	_ =	swait.ge @!p0 [sflag:s0], s1  }
0x56: {  	s1 =	ssub.s32 @!p0 $0x0, s1;
	[sflag:s0] =	ssyncset.done @!p0 $0x0  }
0x57: {  	[sflag:s0] =	ssyncadd.s32 @!p0 s1  }
0x58: {  	[bflag:$0x3] =	sbarrier.arrive $0xFFFF  }
0x59: {  	_ =	shalt  }

// kernel: gather_offload_async_start
scs
__scs_entry_jumppad:
0x0: {  	(pc) =	sbr.rel $0x88, $3  }
0x1: {  	(tag) =	ssettag $0x0;
	lr =	simm.s32 $0x1  }
0x2: {  	[smem:$0x3F9C] =	sst lr;
	_ =	strace $0xD0000000  }
0x3: {  	_ = 	snop  }
0x4: {  	_ = 	snop  }
0x5: {  	_ = 	snop  }
0x6: {  	_ = 	snop  }
0x7: {  	_ = 	snop  }
__scs_overlays_trampoline_lowered:
0x8: {  	[smem:$0x3FAB] =	sst s0  }
0x9: {  	[smem:$0x3FAC] =	sst s1  }
0xa: {  	[smem:$0x3FAD] =	sst s2  }
0xb: {  	[smem:$0x3FAE] =	sst s3  }
0xc: {  	[smem:$0x3FAF] =	sst s4  }
0xd: {  	[smem:$0x3FB0] =	sst s5  }
0xe: {  	[smem:$0x3FB1] =	sst s6  }
0xf: {  	[smem:$0x3FB2] =	sst s7  }
0x10: {  	[smem:$0x3FB3] =	sst s8  }
0x11: {  	[smem:$0x3FB4] =	sst s9;
	s0 =	simm.s32 @!p0 $0x0  }
0x12: {  	s1 =	sld [smem:$0x3F9A];
	s0 =	simm.s32 @p0 $0x1  }
0x13: {  	[smem:$0x3FB5] =	sst s0;
	s0 =	simm.s32 @!p1 $0x0  }
0x14: {  	s2 =	sld [smem:$0x3F99];
	s0 =	simm.s32 @p1 $0x1  }
0x15: {  	[smem:$0x3FB6] =	sst s0;
	s0 =	simm.s32 @!p2 $0x0  }
0x16: {  	s3 =	sld [smem:$0x3FDB];
	s0 =	simm.s32 @p2 $0x1  }
0x17: {  	s4 =	simm.s32 $0x1BF5;
	[smem:$0x3FB8] =	sst s0  }
0x18: {  	s0 =	sld [smem:$0x3F9B];
	_ =	swait.ge [sflag:s4], $0x0  }
0x19: {  	s7 =	sld [smem:$0x3F9C]  }
0x1a: {  	s8 =	sadd.s32 $0xFFFFE003, lr  }
0x1b: {  	s9 =	sadd.s32 $0xFFFFFEF7, lr;
	s5 =	simm.s32 $0xFFFFFFFF;
	p2 =	slt.u32 s8, $0xFFFFF086  }
0x1c: {  	p1 =	slt.u32 s9, $0xF7A;
	s5 =	simm.s32 @!p2 $0x0  }
0x1d: {  	s5 =	simm.s32 @p1 $0x1;
	p0 =	seq.s32 s7, s2  }
0x1e: {  	s7 =	smul.u32 @!p0 $0xF7A, s2;
	p2 =	seq.s32 @!p0 s5, $0x0  }
0x1f: {  	s9 =	smul.u32 $0xF7A, s1;
	s8 =	simm.s32 @!p0 $0x1BF5;
	p2 =	por !p2, p0  }
0x20: {  	[sflag:s8] =	ssyncset.s32 @!p0 $0xFFFFF086;
	s6 =	sadd.s32 @!p0 s3, s7;
	s7 =	simm.s32 @!p0 $0x108  }
0x21: {  	s3 =	sadd.s32 s3, s9;
	s6 =	sadd.s32 @!p0 $0x88, s6;
	s7 =	simm.s32 @p2 $0x1082  }
0x22: {  	[simem:s7], [sflag:s8] =	dma.local @!p0 [hbm:s6], $0xF7A  }
0x23: {  	s9 =	sor.u32 $0xD0000000, s2;
	s6 =	simm.s32 $0x108;
	_ =	swait.ge @!p0 [sflag:s8], $0x0  }
0x24: {  	s3 =	sadd.s32 $0x88, s3;
	s6 =	simm.s32 @!p1 $0x1082;
	[sflag:s4] =	ssyncset.s32 $0xFFFFF086  }
0x25: {  	[simem:s6], [sflag:s4] =	dma.local [hbm:s3], $0xF7A  }
0x26: {  	[smem:$0x3F9C] =	sst s1;
	(tag) =	ssettag s2;
	_ =	strace s9  }
0x27: {  	s1 =	sld [smem:$0x3FAC]  }
0x28: {  	s2 =	sld [smem:$0x3FAD]  }
0x29: {  	s4 =	sld [smem:$0x3FAF]  }
0x2a: {  	p0 =	seq.s32 s5, $0x0;
	s5 =	sld [smem:$0x3FB0]  }
0x2b: {  	s6 =	sld [smem:$0x3FB1]  }
0x2c: {  	s7 =	sld [smem:$0x3FB2]  }
0x2d: {  	s3 =	simm.s32 $0x108;
	s8 =	sld [smem:$0x3FB3]  }
0x2e: {  	s3 =	simm.s32 @!p0 $0x1082;
	s9 =	sld [smem:$0x3FB4]  }
0x2f: {  	lr =	sadd.s32 s0, s3;
	s0 =	sld [smem:$0x3FAB]  }
0x30: {  	s3 =	sld [smem:$0x3FAE]  }
0x31: {  	[smem:$0x3FB7] =	sst s10  }
0x32: {  	s10 =	sld [smem:$0x3FB5];
	_ =	sdelay $0x3  }
0x33: {  	p0 =	seq.s32 s10, $0x1;
	s10 =	sld [smem:$0x3FB7];
	_ =	sdelay $0x3  }
0x34: {  	[smem:$0x3FB7] =	sst s10  }
0x35: {  	s10 =	sld [smem:$0x3FB6];
	_ =	sdelay $0x3  }
0x36: {  	p1 =	seq.s32 s10, $0x1;
	s10 =	sld [smem:$0x3FB7];
	_ =	sdelay $0x3  }
0x37: {  	[smem:$0x3FB7] =	sst s10  }
0x38: {  	s10 =	sld [smem:$0x3FB8]  }
0x39: {  	_ = 	snop;
	(pc) =	sbr.ind lr, $3  }
0x3a: {  	_ = 	snop  }
0x3b: {  	_ = 	snop  }
0x3c: {  	p2 =	seq.s32 s10, $0x1;
	s10 =	sld [smem:$0x3FB7]  }
0x3d: {  	_ =	shalt  }
0x3e: {  	_ =	shalt  }
0x3f: {  	_ =	shalt  }
0x40: {  	_ =	shalt  }
0x41: {  	_ =	shalt  }
0x42: {  	_ =	shalt  }
0x43: {  	_ =	shalt  }
0x44: {  	_ =	shalt  }
0x45: {  	_ =	shalt  }
0x46: {  	_ =	shalt  }
0x47: {  	_ =	shalt  }
0x48: {  	_ =	shalt  }
0x49: {  	_ =	shalt  }
0x4a: {  	_ =	shalt  }
0x4b: {  	_ =	shalt  }
0x4c: {  	_ =	shalt  }
0x4d: {  	_ =	shalt  }
0x4e: {  	_ =	shalt  }
0x4f: {  	_ =	shalt  }
0x50: {  	_ =	shalt  }
0x51: {  	_ =	shalt  }
0x52: {  	_ =	shalt  }
0x53: {  	_ =	shalt  }
0x54: {  	_ =	shalt  }
0x55: {  	_ =	shalt  }
0x56: {  	_ =	shalt  }
0x57: {  	_ =	shalt  }
0x58: {  	_ =	shalt  }
0x59: {  	_ =	shalt  }
0x5a: {  	_ =	shalt  }
0x5b: {  	_ =	shalt  }
0x5c: {  	_ =	shalt  }
0x5d: {  	_ =	shalt  }
0x5e: {  	_ =	shalt  }
0x5f: {  	_ =	shalt  }
0x60: {  	_ =	shalt  }
0x61: {  	_ =	shalt  }
0x62: {  	_ =	shalt  }
0x63: {  	_ =	shalt  }
0x64: {  	_ =	shalt  }
0x65: {  	_ =	shalt  }
0x66: {  	_ =	shalt  }
0x67: {  	_ =	shalt  }
0x68: {  	_ =	shalt  }
0x69: {  	_ =	shalt  }
0x6a: {  	_ =	shalt  }
0x6b: {  	_ =	shalt  }
0x6c: {  	_ =	shalt  }
0x6d: {  	_ =	shalt  }
0x6e: {  	_ =	shalt  }
0x6f: {  	_ =	shalt  }
0x70: {  	_ =	shalt  }
0x71: {  	_ =	shalt  }
0x72: {  	_ =	shalt  }
0x73: {  	_ =	shalt  }
0x74: {  	_ =	shalt  }
0x75: {  	_ =	shalt  }
0x76: {  	_ =	shalt  }
0x77: {  	_ =	shalt  }
0x78: {  	_ =	shalt  }
0x79: {  	_ =	shalt  }
0x7a: {  	_ =	shalt  }
0x7b: {  	_ =	shalt  }
0x7c: {  	_ =	shalt  }
0x7d: {  	_ =	shalt  }
0x7e: {  	_ =	shalt  }
0x7f: {  	_ =	shalt  }
0x80: {  	_ =	shalt  }
0x81: {  	_ =	shalt  }
0x82: {  	_ =	shalt  }
0x83: {  	_ =	shalt  }
0x84: {  	_ =	shalt  }
0x85: {  	_ =	shalt  }
0x86: {  	_ =	shalt  }
0x87: {  	_ =	shalt  }
.Lfunc_end0:
.L_simem_size_0:
called_computation_lowered:
.L_overlay_start_0:
0x88: {  	s2 =	sld [smem:$0x3FD9]  }
0x89: {  	s3 =	sld [smem:$0x3FFE];
	_ =	sdelay $0x1  }
0x8a: {  	s1 =	srdreg.scid  }
0x8b: {  	s0 =	sand.u32 $0x1, s1  }
0x8c: {  	s17 =	sshll.u32 s0, $0xA;
	s2 =	sadd.s32 s3, s2  }
0x8d: {  	s2 =	sadd.s32 s2, s17  }
0x8e: {  	[smem:$0x3FC3] =	sst s2  }
0x8f: {  	_ = 	snop  }
0x90: {  	(tm) =	ssettm $0x1  }
0x91: {  	s18 =	sld [smem:$0x3FFB];
	_ =	sdelay $0x3  }
0x92: {  	_ =	strace s18  }
0x93: {  	s2 =	sld [smem:$0x3FFC];
	_ =	sdelay $0x3  }
0x94: {  	_ =	strace s2  }
0x95: {  	s2 =	sld [smem:$0x3FFD];
	_ =	sdelay $0x3  }
0x96: {  	_ =	strace s2  }
0x97: {  	_ =	strace $0x8FFFFFFF  }
0x98: {  	s19 =	sld [smem:$0x3FDB];
	_ =	sdelay $0x1  }
0x99: {  	s20 =	simm.s32 $_scs_section_size  }
0x9a: {  	s4 =	simm.s32 $_size__tile_overlayer_lowered;
	s5 =	simm.s32 $_tile_overlayer_lowered  }
0x9b: {  	s6 =	simm.s32 $0x1BFF;
	s21 =	sshll.u32 s5, $0x1;
	s3 =	sadd.s32 s20, s19  }
0x9c: {  	s22 =	simm.s32 $0x0;
	s4 =	sshll.u32 s4, $0x1;
	s5 =	sadd.s32 s21, s3  }
0x9d: {  	[timem:s22], [sflag:s6] =	dma.local [hbm:s5], s4  }
0x9e: {  	_ =	swait.ge [sflag:s6], s4  }
0x9f: {  	s4 =	ssub.s32 $0x0, s4;
	[sflag:s6] =	ssyncset.done $0x0  }
0xa0: {  	[sflag:s6] =	ssyncadd.s32 s4;
	_ =	sdelay $0x1  }
0xa1: {  	s23 =	simm.s32 $0x1B8B  }
0xa2: {  	_ =	swait.ge [sflag:s23], $0x1  }
0xa3: {  	[sflag:s23] =	ssyncset.done $0x0  }
0xa4: {  	[sflag:s23] =	ssyncadd.s32 $0xFFFFFFFF  }
0xa5: {  	s4 =	sld [smem:$0x0]  }
0xa6: {  	s5 =	sand.u32 $0xFFFFFFFE, s1  }
0xa7: {  	p0 =	sne.s32 s1, s5  }
0xa8: {  	s5 =	sshll.u32 @p0 s5, $0xE  }
0xa9: {  	s5 =	sadd.s32 @p0 $0x11B8D, s5;
	s6 =	sshll.u32 @p0 s4, $0x11  }
0xaa: {  	s5 =	sor.u32 @p0 s6, s5  }
0xab: {  	[sflag:s5] =	ssyncadd.remote.s32 @p0 $0x1;
	_ =	sdelay $0x1  }
0xac: {  	s5 =	simm.s32 @p0 $0x1B8D  }
0xad: {  	_ =	swait.eq @p0 [sflag:s5], $0x1  }
0xae: {  	[sflag:s5] =	ssyncadd.s32 @p0 $0xFFFFFFFF  }
0xaf: {  	s6 =	sshll.u32 @!p0 s1, $0xE  }
0xb0: {  	s6 =	sor.u32 @!p0 $0x4000, s6;
	s5 =	simm.s32 @!p0 $0x1B8D  }
0xb1: {  	s4 =	sshll.u32 @!p0 s4, $0x11;
	s6 =	sadd.s32 @!p0 $0x11B8D, s6;
	_ =	swait.eq @!p0 [sflag:s5], $0x1  }
0xb2: {  	s4 =	sor.u32 @!p0 s4, s6;
	[sflag:s5] =	ssyncadd.s32 @!p0 $0xFFFFFFFF  }
0xb3: {  	s25 =	simm.s32 $0x1B8E;
	s24 =	sld [smem:$0x3FFE];
	[sflag:s4] =	ssyncadd.remote.s32 @!p0 $0x1  }
0xb4: {  	s26 =	simm.s32 $execute0_lowered;
	[smem:$0x3FD2] =	sst s25  }
0xb5: {  	s5 =	sshll.u32 s26, $0x1;
	_ =	strace $0x8000004C;
	[dreg:$0x1] =	wrdreg $0xFFFFFFFF  }
0xb6: {  	s28 =	simm.s32 $_size_execute0_lowered;
	s3 =	sadd.s32 s3, s5;
	[dreg:$0x0] =	wrdreg $0x0  }
0xb7: {  	s5 =	sshll.u32 s28, $0x1;
	[dreg:$0x2] =	wrdreg s3  }
0xb8: {  	[dreg:$0x3] =	wrdreg s5  }
0xb9: {  	[dreg:$0x4] =	wrdreg $0xC0  }
0xba: {  	_ =	task [dreg:s22], $0x5FFFF  }
0xbb: {  	[dreg:$0x1] =	wrdreg $0xFFFFFFFF  }
0xbc: {  	[dreg:$0x0] =	wrdreg $0x60  }
0xbd: {  	[dreg:$0x2] =	wrdreg s24  }
0xbe: {  	[dreg:$0x3] =	wrdreg $0x9  }
0xbf: {  	_ =	task.clear_ibuf [dreg:s22], $0x4FFFF;
	_ =	strace $0x9000004C  }
0xc0: {  	s29 =	simm.s32 $0x9;
	_ =	strace $0x8000004E  }
0xc1: {  	_ =	swait.ge [sflag:s29], $0x1  }
0xc2: {  	[sflag:s29] =	ssyncadd.s32 $0xFFFFFFFF  }
0xc3: {  	_ =	strace $0x9000004E  }
0xc4: {  	_ =	sfence  }
0xc5: {  	s30 =	sld [smem:$0x0];
	_ =	sdelay $0x2  }
0xc6: {  	s31 =	sshll.u32 s1, $0xD;
	s1 =	sshrl.u32 s1, $0x2  }
0xc7: {  	s4 =	sand.u32 $0x4000, s31;
	s1 =	sadd.s32 s1, s30  }
0xc8: {  	s0 =	sor.u32 s4, s0;
	s1 =	sshll.u32 s1, $0x11  }
0xc9: {  	s0 =	sor.u32 s1, s0  }
0xca: {  	s0 =	sadd.s32 $0x8F2B, s0  }
0xcb: {  	[sflag:s0] =	ssyncadd.remote.s32 $0x1  }
0xcc: {  	_ =	sfence.sel $0xFFFF  }
0xcd: {  	[dreg:$0x0] =	wrdreg $0xFFFFFFFF;
	(pc) =	sbr.abs _section_cstart, $3  }
0xce: {  	[dreg:$0x1] =	wrdreg $0xFFFFFFFF  }
0xcf: {  	_ =	task.clear_ibuf [dreg:s22], $0x2FFFF;
	_ =	strace $0x9FFFFFFF  }
0xd0: {  	(tm) =	ssettm $0x7FFFFFFF  }
0xd1: {  	_ =	shalt  }
tec
execute0_lowered:
.L_overlay_start_1:
0x0: {  	(tag) =	ssettag $0x1  }
0x1: {  	s1 =	srdreg.scid  }
0x2: {  	s0 =	stileid.u32;
	s2 =	rddreg [dreg:$0x0];
	s6 =	simm.s32 $0x1  }
0x3: {  	s9 =	simm.s32 $0x1;
	s10 =	simm.s32 $0x3;
	s1 =	sshll.u32 s1, $0x7  }
0x4: {  	s13 =	simm.s32 $0x0;
	s3 =	sshll.u32 s0, $0x8;
	s4 =	sand.u32 $0x80, s1  }
0x5: {  	s12 =	simm.s32 $0x0;
	s5 =	sadd.s32 $0x800, s2;
	s3 =	sor.u32 s3, s4  }
0x6: {  	s1 =	rddreg [dreg:$0x1];
	_ =	strace $0x8000004D;
	s8 =	ssub.s32 $0x2000, s3  }
.Ltmp0:
0x7: {  	s4 =	sadd.s32 $0x1200, s2;
	s7 =	sand.u32 $0xF80, s8;
	(pc) =	sbr.rel .LBB2_1-.Ltmp0, $4  }
0x8: {  	[sflag:s6] =	ssyncpa.u1 $0x0;
	s11 =	smov.u32 s3;
	p0 =	sne.s32 s7, $0x0  }
0x9: {  	s8 =	sshrl.u32 s8, $0xC;
	s7 =	simm.s32 $0x2;
	s9 =	simm.s32 @!p0 $0x0  }
0xa: {  	[sflag:s7] =	ssyncpa.u1 $0x0;
	p0 =	por $0x0, $0x0;
	s8 =	sadd.s32 s9, s8  }
0xb: {  	vm0 =	vmmov $0xffff;
	[sflag:s10] =	ssyncpa.u1 $0x0;
	s10 =	simm.s32 $0x0;
	s9 =	sadd.s32 $0x1, s8  }
.LBB2_4:
0xc: {  	v2 =	vnsel vm1, $0x0, v2  }
0xd: {  	vm1 =	vgt.s32 v0, $0x0;
	v2 =	vmin.u32 v2, $0x1FFF  }
0xe: {  	v0 =	vnsel vm1, $0x0, v0  }
0xf: {  	v0 =	vmin.u32 v0, $0x1FFF  }
0x10: {  	[tilespmem:s15], [sflag:$0x1] =	stream.indirect_vreg.gather [hbm4b:s4+s10], $0x1, v1, vm0, $0x4038;
	[tilespmem:$0x200] =	vst v63  }
0x11: {  	(ifvalue) =	ssetifvalue $0x7FFFFFFF  }
0x12: {  	[tilespmem:s16], [sflag:$0x1] =	stream.indirect_vreg.gather [hbm4b:s4+s10], $0x1, v2, vm0, $0x4038;
	[tilespmem:$0x200] =	vst v63  }
0x13: {  	s29 =	sadd.s32 $0x10, s16;
	(ifvalue) =	ssetifvalue $0x7FFFFFFF  }
0x14: {  	[tilespmem:s29], [sflag:$0x1] =	stream.indirect_vreg.gather [hbm4b:s4+s10], $0x1, v0, vm0, $0x4038;
	[tilespmem:$0x200] =	vst v63  }
0x15: {  	_ =	swait.ge [sflag:s6], $0x80  }
0x16: {  	s30 =	sshrl.u32 s13, $0x3;
	[sflag:s6] =	ssyncset.done $0x0  }
0x17: {  	s31 =	sand.u32 $0x7, s13;
	s15 =	sadd.s32 s5, s30;
	[sflag:s6] =	ssyncadd.s32 $0xFFFFFF80  }
0x18: {  	[hbm4b:s15+s31] =	stream.linear.scatter [tilespmem:s14], [sflag:$0x3], $0x80, $0x38;
	[tilespmem:$0x200] =	vst v63  }
.LBB2_5:
0x19: {  	s15 =	sadd.s32 $0x1000, s11  }
0x1a: {  	p2 =	sgt.s32 s15, $0x1FFF  }
0x1b: {  	s15 =	smov.u32 @p2 s3;
	p2 =	sne.s32 s12, s9  }
.Ltmp1:
0x1c: {  	p1 =	slt.u32 s12, $0x2;
	(pc) =	sbr.rel @!p2 .LBB2_6-.Ltmp1, $4  }
0x1d: {  	s14 =	simm.s32 @!p1 $0x3  }
0x1e: {  	s16 =	sadd.s32 $0x1, s12;
	_ =	swait.ge @!p1 [sflag:s14], $0x80  }
0x1f: {  	s13 =	smov.u32 s11;
	p0 =	por !p0, !p0;
	[sflag:s14] =	ssyncset.done @!p1 $0x0  }
0x20: {  	s12 =	smov.u32 s16;
	s11 =	smov.u32 s15;
	[sflag:s14] =	ssyncadd.s32 @!p1 $0xFFFFFF80  }
.LBB2_1:
0x21: {  	p1 =	sge.u32 s12, s8  }
0x22: {  	s14 =	sxor.u32 @!p1 $0xFFFFFFFF, s12  }
0x23: {  	s31 =	sadd.s32 $0xFFFFFFFF, s12;
	s15 =	sshrl.u32 @!p1 s11, $0x3;
	s14 =	sshll.u32 @!p1 s14, $0x7  }
0x24: {  	s16 =	sand.u32 @!p1 $0x7, s11;
	s15 =	sadd.s32 @!p1 s2, s15;
	s14 =	sand.u32 @!p1 $0x80, s14  }
0x25: {  	[tilespmem:s14], [sflag:$0x2] =	stream.linear.gather @!p1 [hbm4b:s15+s16], $0x80, $0x38;
	[tilespmem:$0x200] =	vst v63  }
0x26: {  	p1 =	sge.u32 s31, s8  }
.Ltmp2:
0x27: {  	_ = 	snop;
	(pc) =	sbr.rel @p1 .LBB2_5-.Ltmp2, $1  }
0x28: {  	_ =	sdelay $0x3  }
0x29: {  	s14 =	simm.s32 $0x1  }
0x2a: {  	_ =	swait.ge [sflag:s7], $0x80;
	s14 =	simm.s32 @!p0 $0x0  }
0x2b: {  	[sflag:s7] =	ssyncset.done $0x0;
	s14 =	sshll.u32 s14, $0x7  }
0x2c: {  	[sflag:s7] =	ssyncadd.s32 $0xFFFFFF80;
	(ifvalue) =	ssetifvalue $0x7FFFFFFF;
	v0 =	vld.msk [tilespmem:s14+$0x0 ss:$0x1], $0xffff;
	_ =	sdelay $0x4  }
0x2d: {  	s15 =	sadd.s32 $0x10, s14;
	vm1 =	vgt.s32 v0, $0x0  }
0x2e: {  	v2 =	vld.msk [tilespmem:s15+$0x0 ss:$0x1], $0xffff;
	v1 =	vnsel vm1, $0x0, v0  }
0x2f: {  	v1 =	vmin.u32 v1, $0x1FFF;
	_ =	sdelay $0x1  }
0x30: {  	s16 =	sshll.u32 s12, $0x7;
	s18 =	simm.s32 $0x20  }
0x31: {  	s16 =	sand.u32 $0x80, s16;
	s17 =	sadd.s32 $0x10, s15;
	s15 =	sor.u32 $0x100, s14  }
0x32: {  	s14 =	sor.u32 $0x100, s16;
	s16 =	sadd.s32 $0x10, s15;
	v0 =	vld.msk [tilespmem:s17+$0x0 ss:$0x1], $0xffff;
	vm1 =	vgt.s32 v2, $0x0;
	(ifvalue) =	ssetifvalue $0x7FFFFFFF  }
.LBB2_3:
0x33: {  	[tilespmem:s15], [sflag:$0x1] =	stream.indirect_vreg.gather [hbm4b:s4+s10], $0x1, v1, vm0, $0x4038;
	[tilespmem:$0x200] =	vst v63  }
0x34: {  	s18 =	sadd.s32 $0x10, s18  }
0x35: {  	v2 =	vnsel vm1, $0x0, v2;
	p1 =	slt.u32 s18, $0x70  }
.Ltmp3:
0x36: {  	s15 =	smov.u32 s16;
	v1 =	vmin.u32 v2, $0x1FFF;
	(pc) =	sbr.rel @p1 .LBB2_3-.Ltmp3, $3  }
0x37: {  	_ =	sdelay $0x1  }
0x38: {  	s17 =	sadd.s32 $0x10, s17  }
0x39: {  	vm1 =	vgt.s32 v0, $0x0;
	s16 =	sadd.s32 $0x10, s16;
	v2 =	vmov v0;
	(ifvalue) =	ssetifvalue $0x7FFFFFFF;
	v0 =	vld.msk [tilespmem:s17+$0x0 ss:$0x1], $0xffff  }
.Ltmp4:
0x3a: {  	_ = 	snop;
	(pc) =	sbr.rel .LBB2_4-.Ltmp4, $1  }
0x3b: {  	_ =	sdelay $0x3  }
.LBB2_6:
0x3c: {  	_ =	sfence.sel $0x180000  }
0x3d: {  	s2 =	simm.s32 $0x2;
	[bflag:$0x0] =	sbarrier.arrive $0xFFFF  }
0x3e: {  	s30 =	simm.s32 $0x3;
	[sflag:s2] =	ssyncpa.u1 $0x1  }
0x3f: {  	s31 =	simm.s32 $0x1;
	[sflag:s30] =	ssyncpa.u1 $0x1  }
0x40: {  	[sflag:s31] =	ssyncpa.u1 $0x1  }
0x41: {  	p0 =	sne.s32 s0, $0x0;
	_ =	strace $0x9000004D  }
0x42: {  	s0 =	sadd.s32 @!p0 $0x100000, s1;
	[bflag:$0x2] =	sbarrier.arrive $0xFFFF  }
0x43: {  	[sflag:s0] =	ssyncadd.tile.s32 @!p0 $0x1;
	_ =	shalt  }
.Lfunc_end2:
_tile_overlayer_lowered:
.L_overlay_start_2:
0x44: {  	(tag) =	ssettag $0x2  }
0x45: {  	s0 =	rddreg [dreg:$0x0];
	s2 =	stileid.u32  }
0x46: {  	s1 =	rddreg [dreg:$0x1];
	p0 =	sne.s32 s2, $0x0  }
0x47: {  	s3 =	rddreg [dreg:$0x2];
	[bflag:$0x3] =	sbarrier.arrive $0xFFFF;
	s2 =	simm.s32 @!p0 $0x1C01  }
0x48: {  	[timem:s3], [sflag:s2] =	dma.local @!p0 [hbm:s0], s1  }
0x49: {  	s0 =	simm.s32 @!p0 $0x1  }
0x4a: {  	_ =	swait.ge @!p0 [sflag:s0], s1  }
0x4b: {  	s1 =	ssub.s32 @!p0 $0x0, s1;
	[sflag:s0] =	ssyncset.done @!p0 $0x0  }
0x4c: {  	[sflag:s0] =	ssyncadd.s32 @!p0 s1  }
0x4d: {  	[bflag:$0x3] =	sbarrier.arrive $0xFFFF  }
0x4e: {  	_ =	shalt  }

// kernel: kernel.5.cloned.1.call-start
scs
__scs_entry_jumppad:
0x0: {  	(pc) =	sbr.rel $0x88, $3  }
0x1: {  	(tag) =	ssettag $0x0;
	lr =	simm.s32 $0x1  }
0x2: {  	[smem:$0x3F9C] =	sst lr;
	_ =	strace $0xD0000000  }
0x3: {  	_ = 	snop  }
0x4: {  	_ = 	snop  }
0x5: {  	_ = 	snop  }
0x6: {  	_ = 	snop  }
0x7: {  	_ = 	snop  }
__scs_overlays_trampoline_lowered:
0x8: {  	[smem:$0x3FAB] =	sst s0  }
0x9: {  	[smem:$0x3FAC] =	sst s1  }
0xa: {  	[smem:$0x3FAD] =	sst s2  }
0xb: {  	[smem:$0x3FAE] =	sst s3  }
0xc: {  	[smem:$0x3FAF] =	sst s4  }
0xd: {  	[smem:$0x3FB0] =	sst s5  }
0xe: {  	[smem:$0x3FB1] =	sst s6  }
0xf: {  	[smem:$0x3FB2] =	sst s7  }
0x10: {  	[smem:$0x3FB3] =	sst s8  }
0x11: {  	[smem:$0x3FB4] =	sst s9;
	s0 =	simm.s32 @!p0 $0x0  }
0x12: {  	s1 =	sld [smem:$0x3F9A];
	s0 =	simm.s32 @p0 $0x1  }
0x13: {  	[smem:$0x3FB5] =	sst s0;
	s0 =	simm.s32 @!p1 $0x0  }
0x14: {  	s2 =	sld [smem:$0x3F99];
	s0 =	simm.s32 @p1 $0x1  }
0x15: {  	[smem:$0x3FB6] =	sst s0;
	s0 =	simm.s32 @!p2 $0x0  }
0x16: {  	s3 =	sld [smem:$0x3FDB];
	s0 =	simm.s32 @p2 $0x1  }
0x17: {  	s4 =	simm.s32 $0x1BF5;
	[smem:$0x3FB8] =	sst s0  }
0x18: {  	s0 =	sld [smem:$0x3F9B];
	_ =	swait.ge [sflag:s4], $0x0  }
0x19: {  	s7 =	sld [smem:$0x3F9C]  }
0x1a: {  	s8 =	sadd.s32 $0xFFFFE003, lr  }
0x1b: {  	s9 =	sadd.s32 $0xFFFFFEF7, lr;
	s5 =	simm.s32 $0xFFFFFFFF;
	p2 =	slt.u32 s8, $0xFFFFF086  }
0x1c: {  	p1 =	slt.u32 s9, $0xF7A;
	s5 =	simm.s32 @!p2 $0x0  }
0x1d: {  	s5 =	simm.s32 @p1 $0x1;
	p0 =	seq.s32 s7, s2  }
0x1e: {  	s7 =	smul.u32 @!p0 $0xF7A, s2;
	p2 =	seq.s32 @!p0 s5, $0x0  }
0x1f: {  	s9 =	smul.u32 $0xF7A, s1;
	s8 =	simm.s32 @!p0 $0x1BF5;
	p2 =	por !p2, p0  }
0x20: {  	[sflag:s8] =	ssyncset.s32 @!p0 $0xFFFFF086;
	s6 =	sadd.s32 @!p0 s3, s7;
	s7 =	simm.s32 @!p0 $0x108  }
0x21: {  	s3 =	sadd.s32 s3, s9;
	s6 =	sadd.s32 @!p0 $0x88, s6;
	s7 =	simm.s32 @p2 $0x1082  }
0x22: {  	[simem:s7], [sflag:s8] =	dma.local @!p0 [hbm:s6], $0xF7A  }
0x23: {  	s9 =	sor.u32 $0xD0000000, s2;
	s6 =	simm.s32 $0x108;
	_ =	swait.ge @!p0 [sflag:s8], $0x0  }
0x24: {  	s3 =	sadd.s32 $0x88, s3;
	s6 =	simm.s32 @!p1 $0x1082;
	[sflag:s4] =	ssyncset.s32 $0xFFFFF086  }
0x25: {  	[simem:s6], [sflag:s4] =	dma.local [hbm:s3], $0xF7A  }
0x26: {  	[smem:$0x3F9C] =	sst s1;
	(tag) =	ssettag s2;
	_ =	strace s9  }
0x27: {  	s1 =	sld [smem:$0x3FAC]  }
0x28: {  	s2 =	sld [smem:$0x3FAD]  }
0x29: {  	s4 =	sld [smem:$0x3FAF]  }
0x2a: {  	p0 =	seq.s32 s5, $0x0;
	s5 =	sld [smem:$0x3FB0]  }
0x2b: {  	s6 =	sld [smem:$0x3FB1]  }
0x2c: {  	s7 =	sld [smem:$0x3FB2]  }
0x2d: {  	s3 =	simm.s32 $0x108;
	s8 =	sld [smem:$0x3FB3]  }
0x2e: {  	s3 =	simm.s32 @!p0 $0x1082;
	s9 =	sld [smem:$0x3FB4]  }
0x2f: {  	lr =	sadd.s32 s0, s3;
	s0 =	sld [smem:$0x3FAB]  }
0x30: {  	s3 =	sld [smem:$0x3FAE]  }
0x31: {  	[smem:$0x3FB7] =	sst s10  }
0x32: {  	s10 =	sld [smem:$0x3FB5];
	_ =	sdelay $0x3  }
0x33: {  	p0 =	seq.s32 s10, $0x1;
	s10 =	sld [smem:$0x3FB7];
	_ =	sdelay $0x3  }
0x34: {  	[smem:$0x3FB7] =	sst s10  }
0x35: {  	s10 =	sld [smem:$0x3FB6];
	_ =	sdelay $0x3  }
0x36: {  	p1 =	seq.s32 s10, $0x1;
	s10 =	sld [smem:$0x3FB7];
	_ =	sdelay $0x3  }
0x37: {  	[smem:$0x3FB7] =	sst s10  }
0x38: {  	s10 =	sld [smem:$0x3FB8]  }
0x39: {  	_ = 	snop;
	(pc) =	sbr.ind lr, $3  }
0x3a: {  	_ = 	snop  }
0x3b: {  	_ = 	snop  }
0x3c: {  	p2 =	seq.s32 s10, $0x1;
	s10 =	sld [smem:$0x3FB7]  }
0x3d: {  	_ =	shalt  }
0x3e: {  	_ =	shalt  }
0x3f: {  	_ =	shalt  }
0x40: {  	_ =	shalt  }
0x41: {  	_ =	shalt  }
0x42: {  	_ =	shalt  }
0x43: {  	_ =	shalt  }
0x44: {  	_ =	shalt  }
0x45: {  	_ =	shalt  }
0x46: {  	_ =	shalt  }
0x47: {  	_ =	shalt  }
0x48: {  	_ =	shalt  }
0x49: {  	_ =	shalt  }
0x4a: {  	_ =	shalt  }
0x4b: {  	_ =	shalt  }
0x4c: {  	_ =	shalt  }
0x4d: {  	_ =	shalt  }
0x4e: {  	_ =	shalt  }
0x4f: {  	_ =	shalt  }
0x50: {  	_ =	shalt  }
0x51: {  	_ =	shalt  }
0x52: {  	_ =	shalt  }
0x53: {  	_ =	shalt  }
0x54: {  	_ =	shalt  }
0x55: {  	_ =	shalt  }
0x56: {  	_ =	shalt  }
0x57: {  	_ =	shalt  }
0x58: {  	_ =	shalt  }
0x59: {  	_ =	shalt  }
0x5a: {  	_ =	shalt  }
0x5b: {  	_ =	shalt  }
0x5c: {  	_ =	shalt  }
0x5d: {  	_ =	shalt  }
0x5e: {  	_ =	shalt  }
0x5f: {  	_ =	shalt  }
0x60: {  	_ =	shalt  }
0x61: {  	_ =	shalt  }
0x62: {  	_ =	shalt  }
0x63: {  	_ =	shalt  }
0x64: {  	_ =	shalt  }
0x65: {  	_ =	shalt  }
0x66: {  	_ =	shalt  }
0x67: {  	_ =	shalt  }
0x68: {  	_ =	shalt  }
0x69: {  	_ =	shalt  }
0x6a: {  	_ =	shalt  }
0x6b: {  	_ =	shalt  }
0x6c: {  	_ =	shalt  }
0x6d: {  	_ =	shalt  }
0x6e: {  	_ =	shalt  }
0x6f: {  	_ =	shalt  }
0x70: {  	_ =	shalt  }
0x71: {  	_ =	shalt  }
0x72: {  	_ =	shalt  }
0x73: {  	_ =	shalt  }
0x74: {  	_ =	shalt  }
0x75: {  	_ =	shalt  }
0x76: {  	_ =	shalt  }
0x77: {  	_ =	shalt  }
0x78: {  	_ =	shalt  }
0x79: {  	_ =	shalt  }
0x7a: {  	_ =	shalt  }
0x7b: {  	_ =	shalt  }
0x7c: {  	_ =	shalt  }
0x7d: {  	_ =	shalt  }
0x7e: {  	_ =	shalt  }
0x7f: {  	_ =	shalt  }
0x80: {  	_ =	shalt  }
0x81: {  	_ =	shalt  }
0x82: {  	_ =	shalt  }
0x83: {  	_ =	shalt  }
0x84: {  	_ =	shalt  }
0x85: {  	_ =	shalt  }
0x86: {  	_ =	shalt  }
0x87: {  	_ =	shalt  }
.Lfunc_end0:
.L_simem_size_0:
called_computation.5_lowered:
.L_overlay_start_0:
0x88: {  	s2 =	sld [smem:$0x3FD9]  }
0x89: {  	s3 =	sld [smem:$0x3FFE];
	_ =	sdelay $0x1  }
0x8a: {  	s1 =	srdreg.scid  }
0x8b: {  	s0 =	sand.u32 $0x1, s1  }
0x8c: {  	s17 =	sshll.u32 s0, $0xA;
	s2 =	sadd.s32 s3, s2  }
0x8d: {  	s2 =	sadd.s32 s2, s17  }
0x8e: {  	[smem:$0x3FC3] =	sst s2  }
0x8f: {  	_ = 	snop  }
0x90: {  	s2 =	sld [smem:$0x3FD0];
	(tm) =	ssettm $0x1  }
0x91: {  	s18 =	sld [smem:$0x3FFB];
	_ =	sdelay $0x3  }
0x92: {  	_ =	strace s18  }
0x93: {  	s3 =	sld [smem:$0x3FFC];
	_ =	sdelay $0x3  }
0x94: {  	_ =	strace s3  }
0x95: {  	s3 =	sld [smem:$0x3FFD];
	_ =	sdelay $0x3  }
0x96: {  	_ =	strace s3  }
0x97: {  	_ =	strace $0x8FFFFFFF  }
0x98: {  	s19 =	sld [smem:$0x3FDB];
	_ =	sdelay $0x1  }
0x99: {  	s4 =	simm.s32 $_scs_section_size  }
0x9a: {  	s5 =	simm.s32 $_size__tile_overlayer_lowered;
	s6 =	simm.s32 $_tile_overlayer_lowered  }
0x9b: {  	s22 =	simm.s32 $0x1BFF;
	s21 =	sshll.u32 s6, $0x1;
	s3 =	sadd.s32 s4, s19  }
0x9c: {  	s7 =	simm.s32 $0x0;
	s20 =	sshll.u32 s5, $0x1;
	s5 =	sadd.s32 s21, s3  }
0x9d: {  	[timem:s7], [sflag:s22] =	dma.local [hbm:s5], s20  }
0x9e: {  	_ =	swait.ge [sflag:s22], s20  }
0x9f: {  	s4 =	ssub.s32 $0x0, s20;
	[sflag:s22] =	ssyncset.done $0x0  }
0xa0: {  	[sflag:s22] =	ssyncadd.s32 s4;
	_ =	sdelay $0x1  }
0xa1: {  	s23 =	simm.s32 $0x1B8B  }
0xa2: {  	_ =	swait.ge [sflag:s23], $0x1  }
0xa3: {  	[sflag:s23] =	ssyncset.done $0x0  }
0xa4: {  	s25 =	simm.s32 $0x1B8E;
	s24 =	sld [smem:$0x3FFE];
	[sflag:s23] =	ssyncadd.s32 $0xFFFFFFFF  }
0xa5: {  	s26 =	simm.s32 $execute0_lowered;
	[smem:$0x3FD2] =	sst s25  }
0xa6: {  	s5 =	sshll.u32 s26, $0x1;
	_ =	strace $0x80000049;
	[dreg:$0x1] =	wrdreg $0xFFFFFFFF  }
0xa7: {  	s28 =	simm.s32 $_size_execute0_lowered;
	s3 =	sadd.s32 s3, s5;
	[dreg:$0x0] =	wrdreg $0x0  }
0xa8: {  	s5 =	sshll.u32 s28, $0x1;
	[dreg:$0x2] =	wrdreg s3  }
0xa9: {  	[dreg:$0x3] =	wrdreg s5  }
0xaa: {  	[dreg:$0x4] =	wrdreg $0xC0  }
0xab: {  	_ =	task [dreg:s7], $0x5FFFF  }
0xac: {  	[dreg:$0x1] =	wrdreg $0xFFFFFFFF  }
0xad: {  	[dreg:$0x0] =	wrdreg $0x60  }
0xae: {  	[dreg:$0x2] =	wrdreg s2  }
0xaf: {  	[dreg:$0x3] =	wrdreg s24  }
0xb0: {  	[dreg:$0x4] =	wrdreg $0xA  }
0xb1: {  	_ =	task.clear_ibuf [dreg:s7], $0x5FFFF;
	_ =	strace $0x90000049  }
0xb2: {  	s29 =	simm.s32 $0xA;
	_ =	strace $0x8000004B  }
0xb3: {  	_ =	swait.ge [sflag:s29], $0x1  }
0xb4: {  	[sflag:s29] =	ssyncadd.s32 $0xFFFFFFFF  }
0xb5: {  	_ =	strace $0x9000004B  }
0xb6: {  	_ =	sfence  }
0xb7: {  	s30 =	sld [smem:$0x0];
	_ =	sdelay $0x2  }
0xb8: {  	s31 =	sshll.u32 s1, $0xD;
	s1 =	sshrl.u32 s1, $0x2  }
0xb9: {  	s3 =	sand.u32 $0x4000, s31;
	s1 =	sadd.s32 s1, s30  }
0xba: {  	s0 =	sor.u32 s3, s0;
	s1 =	sshll.u32 s1, $0x11  }
0xbb: {  	s0 =	sor.u32 s1, s0  }
0xbc: {  	s0 =	sadd.s32 $0x8F2B, s0  }
0xbd: {  	[sflag:s0] =	ssyncadd.remote.s32 $0x1  }
0xbe: {  	_ =	sfence.sel $0xFFFF  }
0xbf: {  	[dreg:$0x0] =	wrdreg $0xFFFFFFFF;
	(pc) =	sbr.abs _section_cstart, $3  }
0xc0: {  	[dreg:$0x1] =	wrdreg $0xFFFFFFFF  }
0xc1: {  	_ =	task.clear_ibuf [dreg:s7], $0x2FFFF;
	_ =	strace $0x9FFFFFFF  }
0xc2: {  	(tm) =	ssettm $0x7FFFFFFF  }
0xc3: {  	_ =	shalt  }
tec
execute0_lowered:
.L_overlay_start_1:
0x0: {  	(tag) =	ssettag $0x1  }
0x1: {  	s1 =	rddreg [dreg:$0x0]  }
0x2: {  	s6 =	rddreg [dreg:$0x1]  }
0x3: {  	s0 =	rddreg [dreg:$0x2];
	s2 =	simm.s32 $0x0  }
0x4: {  	s3 =	srdreg.scid;
	s9 =	simm.s32 $0xB000;
	s10 =	simm.s32 $0x1  }
0x5: {  	s11 =	simm.s32 $0x2;
	s12 =	simm.s32 $0x8000;
	s13 =	simm.s32 $0x2000  }
.Ltmp0:
0x6: {  	s14 =	simm.s32 $0x6000;
	s4 =	sand.u32 $0x1, s3;
	(pc) =	sbr.rel .LBB2_1-.Ltmp0, $4  }
0x7: {  	v0 =	vlaneseq.u32;
	s15 =	simm.s32 $0x4000;
	s16 =	simm.s32 $0x0;
	s7 =	ssub.s32 $0x2, s4  }
0x8: {  	[smem:$0x7FF] =	sst s2;
	s5 =	sadd.s32 $0x1C00, s6;
	v1 =	vmul.u32 $0x200, v0;
	s8 =	sshrl.u32 s7, $0x1  }
0x9: {  	s3 =	stileid.u32;
	s6 =	sadd.s32 $0x1E00, s6;
	s8 =	ssub.s32 s7, s8  }
0xa: {  	v3 =	vimm.s32 $0x0;
	v4 =	vor.u32 $0xFF8, v0;
	_ =	strace $0x8000004A;
	v2 =	vor.u32 $0x1, v1;
	s7 =	sshll.u32 s3, $0x1;
	s8 =	smax.u32 s8, $0x1  }
.LBB2_44:
0xb: {  	s16 =	sadd.s32 $0x1, s16  }
0xc: {  	p0 =	sne.s32 s16, s8  }
.Ltmp1:
0xd: {  	_ = 	snop;
	(pc) =	sbr.rel @!p0 .LBB2_45-.Ltmp1, $1  }
0xe: {  	_ =	sdelay $0x3  }
.LBB2_1:
.Ltmp2:
0xf: {  	(pc) =	sbr.rel .LBB2_2-.Ltmp2, $4  }
0x10: {  	[tilespmem:s9], [sflag:$0x1] =	stream.linear.gather [hbm4b:s5+s2], $0x10, $0x38;
	[tilespmem:$0xB010] =	vst v63  }
0x11: {  	_ =	swait.ge [sflag:s10], $0x10  }
0x12: {  	[sflag:s10] =	ssyncset.done $0x0  }
0x13: {  	s17 =	simm.s32 $0x0;
	[sflag:s10] =	ssyncadd.s32 $0xFFFFFFF0  }
.LBB2_6:
0x14: {  	s19 =	simm.s32 $0x1  }
.LBB2_42:
0x15: {  	s18 =	sadd.s32 s6, s18  }
0x16: {  	[hbm4b:s18+s2] =	stream.linear.scatter [tilespmem:s15], [sflag:s19], $0x2000, $0x38;
	[tilespmem:$0xB010] =	vst v63  }
0x17: {  	_ =	swait.ge [sflag:s19], $0x2000  }
0x18: {  	[sflag:s19] =	ssyncset.done $0x0  }
0x19: {  	[sflag:s19] =	ssyncadd.s32 $0xFFFFE000  }
.LBB2_43:
0x1a: {  	s17 =	sadd.s32 $0x1, s17  }
0x1b: {  	p0 =	sne.s32 s17, $0xA  }
.Ltmp3:
0x1c: {  	_ = 	snop;
	(pc) =	sbr.rel @!p0 .LBB2_44-.Ltmp3, $1  }
0x1d: {  	_ =	sdelay $0x3  }
.LBB2_2:
0x1e: {  	s18 =	sshll.u32 s17, $0x5  }
0x1f: {  	s19 =	sor.u32 s7, s18  }
0x20: {  	p0 =	sgt.u32 s19, $0x137  }
.Ltmp4:
0x21: {  	_ = 	snop;
	(pc) =	sbr.rel @p0 .LBB2_43-.Ltmp4, $1  }
0x22: {  	_ =	sdelay $0x3  }
0x23: {  	v5 =	vld [tilespmem:$0xB000]  }
0x24: {  	s18 =	sor.u32 s4, s19  }
0x25: {  	s20 =	sand.u32 $0x7, s18  }
0x26: {  	v6 =	vmov s20  }
0x27: {  	vm0 =	veq.s32 v6, v0  }
0x28: {  	v5 =	vnsel vm0, $0x0, v5  }
0x29: {  	(xrf0) =	vadd.scan.msk.s32 $0xffff, v5;
	_ =	sdelay $0x5  }
0x2a: {  	v5, _, _ =	vpop (xrf0)  }
0x2b: {  	(v2sf) =	vpush v5, $0xF;
	_ =	sdelay $0xe  }
0x2c: {  	s30 =	sshrl.u32 s19, $0x3;
	s31 =	spop (v2sf)  }
0x2d: {  	p0 =	sge.s32 s30, s31  }
.Ltmp5:
0x2e: {  	_ = 	snop;
	(pc) =	sbr.rel @p0 .LBB2_4-.Ltmp5, $1  }
0x2f: {  	_ =	sdelay $0x3  }
0x30: {  	s18 =	sshll.u32 s18, $0xA  }
0x31: {  	s20 =	simm.s32 $0x0;
	s19 =	sadd.s32 s1, s18  }
0x32: {  	[tilespmem:s20], [sflag:$0x2] =	stream.linear.gather [hbm4b:s19+s20], $0x2000, $0x38;
	[tilespmem:$0xB010] =	vst v63  }
0x33: {  	_ =	swait.ge [sflag:s11], $0x2000  }
0x34: {  	[sflag:s11] =	ssyncset.done $0x0  }
0x35: {  	v5 =	vor.u32 s20, v2;
	s19 =	simm.s32 $0x4010;
	[sflag:s11] =	ssyncadd.s32 $0xFFFFE000  }
0x36: {  	v6 =	vor.u32 s20, v1;
	[tilespmem:s19+$0x0] =	vst v5  }
0x37: {  	s20 =	simm.s32 $0x2;
	[tilespmem:s19+$0xFFFFFFF0] =	vst v6  }
.LBB2_8:
0x38: {  	p0 =	sne.s32 s20, $0x1FE  }
.Ltmp6:
0x39: {  	_ = 	snop;
	(pc) =	sbr.rel @p0 .LBB2_8-.Ltmp6, $4  }
0x3a: {  	_ = 	snop  }
0x3b: {  	v5 =	vor.u32 s20, v2;
	s19 =	sadd.s32 $0x20, s19;
	s21 =	smov.u32 s20;
	s20 =	sadd.s32 $0x2, s20  }
0x3c: {  	v6 =	vor.u32 s21, v1;
	[tilespmem:s19+$0x0] =	vst v5  }
0x3d: {  	[tilespmem:s19+$0xFFFFFFF0] =	vst v6  }
0x3e: {  	s19 =	simm.s32 $0x100;
	s20 =	simm.s32 $0x0  }
.LBB2_10:
0x3f: {  	p0 =	sne.s32 s19, $0x3F00;
	[tilespmem:s20+$0x8030] =	vst v3;
	s21 =	smov.u32 s19;
	s19 =	sadd.s32 $0x100, s19  }
.Ltmp7:
0x40: {  	[tilespmem:s20+$0x8020] =	vst v3;
	(pc) =	sbr.rel @p0 .LBB2_10-.Ltmp7, $3  }
0x41: {  	[tilespmem:s20+$0x8000] =	vst v3  }
0x42: {  	[tilespmem:s20+$0x8010] =	vst v3;
	_ =	sdelay $0x1  }
0x43: {  	s20 =	sshra.s32 s21, $0x2  }
0x44: {  	[tilespmem:s20+$0x8030] =	vst v3  }
0x45: {  	[tilespmem:s20+$0x8020] =	vst v3  }
0x46: {  	[tilespmem:s20+$0x8000] =	vst v3  }
0x47: {  	s19 =	simm.s32 $0x0;
	[tilespmem:s20+$0x8010] =	vst v3;
	s20 =	simm.s32 $0x0  }
.LBB2_12:
0x48: {  	s21 =	sshra.s32 s20, $0x2  }
0x49: {  	v5 =	vld [tilespmem:s21+$0x0];
	_ =	sdelay $0x4  }
0x4a: {  	v5 =	vshll.u32 v5, $0x4  }
0x4b: {  	v5 =	vor.u32 v0, v5  }
0x4c: {  	v5 =	vand.u32 v4, v5;
	_ =	sdelay $0x4  }
0x4d: {  	v6 =	vld.idx.msk [tilespmem:v5+s12+$0x0], $0xffff;
	_ =	sdelay $0x4  }
0x4e: {  	v7 =	vadd.s32 $0x1, v6  }
0x4f: {  	[tilespmem:v5+s12+$0x0] =	vst.idx.msk $0xffff, v7  }
0x50: {  	v5 =	vld [tilespmem:s21+$0x10];
	_ =	sdelay $0x4  }
0x51: {  	v5 =	vshll.u32 v5, $0x4  }
0x52: {  	v5 =	vor.u32 v0, v5  }
0x53: {  	v5 =	vand.u32 v4, v5;
	_ =	sdelay $0x3  }
0x54: {  	[tilespmem:s21+$0x9000] =	vst v6  }
0x55: {  	v6 =	vld.idx.msk [tilespmem:v5+s12+$0x0], $0xffff;
	_ =	sdelay $0x1  }
0x56: {  	p0 =	sne.s32 s20, $0x7F80  }
.Ltmp8:
0x57: {  	_ = 	snop;
	(pc) =	sbr.rel @p0 .LBB2_12-.Ltmp8, $4  }
0x58: {  	_ = 	snop  }
0x59: {  	v7 =	vadd.s32 $0x1, v6  }
0x5a: {  	[tilespmem:v5+s12+$0x0] =	vst.idx.msk $0xffff, v7  }
0x5b: {  	s20 =	sadd.s32 $0x80, s20;
	[tilespmem:s21+$0x9010] =	vst v6  }
0x5c: {  	s22 =	sshra.s32 s19, $0x2  }
0x5d: {  	v5 =	vld [tilespmem:s22+$0x8000];
	_ =	sdelay $0x4  }
0x5e: {  	(xrf0) =	vadd.scan.msk.s32 $0xffff, v5;
	_ =	sdelay $0x5  }
0x5f: {  	v6, _, _ =	vpop (xrf0)  }
0x60: {  	(v2sf) =	vpush v6, $0xF  }
0x61: {  	v5 =	vsub.s32 s19, v5  }
0x62: {  	s21 =	sadd.s32 $0x40, s19;
	v5 =	vadd.s32 v6, v5  }
0x63: {  	s20 =	sshra.s32 s21, $0x2;
	s21 =	sadd.s32 $0x40, s21;
	[tilespmem:s22+$0x8000] =	vst v5  }
.LBB2_14:
0x64: {  	p0 =	sne.s32 s21, $0x3FC0;
	v5 =	vld [tilespmem:s20+$0x8000];
	_ =	sdelay $0x4  }
0x65: {  	(xrf0) =	vadd.scan.msk.s32 $0xffff, v5;
	_ =	sdelay $0x5  }
.Ltmp9:
0x66: {  	v6, _, _ =	vpop (xrf0);
	s22 =	spop (v2sf);
	(pc) =	sbr.rel @p0 .LBB2_14-.Ltmp9, $4  }
0x67: {  	(v2sf) =	vpush v6, $0xF;
	s19 =	sadd.s32 s19, s22  }
0x68: {  	v5 =	vsub.s32 s19, v5  }
0x69: {  	v5 =	vadd.s32 v6, v5  }
0x6a: {  	[tilespmem:s20+$0x8000] =	vst v5;
	s20 =	sshra.s32 s21, $0x2;
	s21 =	sadd.s32 $0x40, s21  }
0x6b: {  	v5 =	vld [tilespmem:s20+$0x8000];
	_ =	sdelay $0x4  }
0x6c: {  	(xrf0) =	vadd.scan.msk.s32 $0xffff, v5;
	_ =	sdelay $0x5  }
0x6d: {  	v6, _, _ =	vpop (xrf0)  }
0x6e: {  	(v2sf) =	vpush v6, $0xF;
	_ =	sdelay $0xa  }
0x6f: {  	s21 =	spop (v2sf)  }
0x70: {  	s19 =	sadd.s32 s19, s21  }
0x71: {  	v5 =	vsub.s32 s19, v5  }
0x72: {  	v5 =	vadd.s32 v6, v5  }
0x73: {  	s19 =	simm.s32 $0x0;
	[tilespmem:s20+$0x8000] =	vst v5;
	s31 =	spop (v2sf)  }
.LBB2_16:
0x74: {  	s20 =	sshra.s32 s19, $0x2  }
0x75: {  	v5 =	vld [tilespmem:s20+$0x0];
	_ =	sdelay $0x4  }
0x76: {  	v6 =	vshll.u32 v5, $0x4  }
0x77: {  	v6 =	vor.u32 v0, v6  }
0x78: {  	v6 =	vand.u32 v4, v6;
	_ =	sdelay $0x3  }
0x79: {  	v7 =	vld [tilespmem:s20+$0x9000]  }
0x7a: {  	v6 =	vld.idx.msk [tilespmem:v6+s12+$0x0], $0xffff;
	_ =	sdelay $0x4  }
0x7b: {  	v6 =	vadd.s32 v6, v7  }
0x7c: {  	v7 =	vshll.u32 v6, $0x4  }
0x7d: {  	v6 =	vshrl.u32 v6, $0x9;
	v7 =	vand.u32 $0x1FF0, v7  }
0x7e: {  	v7 =	vadd.s32 v6, v7  }
0x7f: {  	v6 =	vand.u32 $0x7, v6;
	v7 =	vand.u32 $0xFFFFF8, v7  }
0x80: {  	v6 =	vor.u32 v6, v7  }
0x81: {  	v7 =	vld [tilespmem:s20+$0x4000];
	_ =	sdelay $0x3  }
0x82: {  	[tilespmem:v6+s13+$0x0] =	vst.idx.msk $0xffff, v5  }
0x83: {  	[tilespmem:v6+s14+$0x0] =	vst.idx.msk $0xffff, v7  }
0x84: {  	v5 =	vld [tilespmem:s20+$0x10];
	_ =	sdelay $0x4  }
0x85: {  	v6 =	vshll.u32 v5, $0x4  }
0x86: {  	v6 =	vor.u32 v0, v6  }
0x87: {  	v6 =	vand.u32 v4, v6;
	_ =	sdelay $0x3  }
0x88: {  	v7 =	vld [tilespmem:s20+$0x9010]  }
0x89: {  	v6 =	vld.idx.msk [tilespmem:v6+s12+$0x0], $0xffff;
	_ =	sdelay $0x4  }
0x8a: {  	v6 =	vadd.s32 v6, v7  }
0x8b: {  	v7 =	vshll.u32 v6, $0x4  }
0x8c: {  	v6 =	vshrl.u32 v6, $0x9;
	v7 =	vand.u32 $0x1FF0, v7  }
0x8d: {  	v7 =	vadd.s32 v6, v7  }
0x8e: {  	v6 =	vand.u32 $0x7, v6;
	v7 =	vand.u32 $0xFFFFF8, v7  }
0x8f: {  	v6 =	vor.u32 v6, v7  }
0x90: {  	p0 =	sne.s32 s19, $0x7F80;
	v7 =	vld [tilespmem:s20+$0x4010]  }
.Ltmp10:
0x91: {  	_ = 	snop;
	(pc) =	sbr.rel @p0 .LBB2_16-.Ltmp10, $3  }
0x92: {  	_ =	sdelay $0x1  }
0x93: {  	[tilespmem:v6+s13+$0x0] =	vst.idx.msk $0xffff, v5  }
0x94: {  	s19 =	sadd.s32 $0x80, s19;
	[tilespmem:v6+s14+$0x0] =	vst.idx.msk $0xffff, v7  }
0x95: {  	s19 =	simm.s32 $0x100;
	s20 =	simm.s32 $0x0  }
.LBB2_18:
0x96: {  	p0 =	sne.s32 s19, $0x3F00;
	[tilespmem:s20+$0x8030] =	vst v3;
	s21 =	smov.u32 s19;
	s19 =	sadd.s32 $0x100, s19  }
.Ltmp11:
0x97: {  	[tilespmem:s20+$0x8020] =	vst v3;
	(pc) =	sbr.rel @p0 .LBB2_18-.Ltmp11, $3  }
0x98: {  	[tilespmem:s20+$0x8000] =	vst v3  }
0x99: {  	[tilespmem:s20+$0x8010] =	vst v3;
	_ =	sdelay $0x1  }
0x9a: {  	s20 =	sshra.s32 s21, $0x2  }
0x9b: {  	[tilespmem:s20+$0x8030] =	vst v3  }
0x9c: {  	[tilespmem:s20+$0x8020] =	vst v3  }
0x9d: {  	[tilespmem:s20+$0x8000] =	vst v3  }
0x9e: {  	s19 =	simm.s32 $0x0;
	[tilespmem:s20+$0x8010] =	vst v3;
	s20 =	simm.s32 $0x0  }
.LBB2_20:
0x9f: {  	s21 =	sshra.s32 s20, $0x2  }
0xa0: {  	v5 =	vld [tilespmem:s21+$0x2000];
	_ =	sdelay $0x4  }
0xa1: {  	v5 =	vshrl.u32 v5, $0x4  }
0xa2: {  	v5 =	vand.u32 $0xFF0, v5  }
0xa3: {  	v5 =	vor.u32 v0, v5;
	_ =	sdelay $0x4  }
0xa4: {  	v6 =	vld.idx.msk [tilespmem:v5+s12+$0x0], $0xffff;
	_ =	sdelay $0x4  }
0xa5: {  	v7 =	vadd.s32 $0x1, v6  }
0xa6: {  	[tilespmem:v5+s12+$0x0] =	vst.idx.msk $0xffff, v7  }
0xa7: {  	v5 =	vld [tilespmem:s21+$0x2010];
	_ =	sdelay $0x4  }
0xa8: {  	v5 =	vshrl.u32 v5, $0x4  }
0xa9: {  	v5 =	vand.u32 $0xFF0, v5  }
0xaa: {  	v5 =	vor.u32 v0, v5;
	_ =	sdelay $0x3  }
0xab: {  	[tilespmem:s21+$0x9000] =	vst v6  }
0xac: {  	v6 =	vld.idx.msk [tilespmem:v5+s12+$0x0], $0xffff;
	_ =	sdelay $0x1  }
0xad: {  	p0 =	sne.s32 s20, $0x7F80  }
.Ltmp12:
0xae: {  	_ = 	snop;
	(pc) =	sbr.rel @p0 .LBB2_20-.Ltmp12, $4  }
0xaf: {  	_ = 	snop  }
0xb0: {  	v7 =	vadd.s32 $0x1, v6  }
0xb1: {  	[tilespmem:v5+s12+$0x0] =	vst.idx.msk $0xffff, v7  }
0xb2: {  	s20 =	sadd.s32 $0x80, s20;
	[tilespmem:s21+$0x9010] =	vst v6  }
0xb3: {  	s22 =	sshra.s32 s19, $0x2  }
0xb4: {  	v5 =	vld [tilespmem:s22+$0x8000];
	_ =	sdelay $0x4  }
0xb5: {  	(xrf0) =	vadd.scan.msk.s32 $0xffff, v5;
	_ =	sdelay $0x5  }
0xb6: {  	v6, _, _ =	vpop (xrf0)  }
0xb7: {  	(v2sf) =	vpush v6, $0xF  }
0xb8: {  	v5 =	vsub.s32 s19, v5  }
0xb9: {  	s21 =	sadd.s32 $0x40, s19;
	v5 =	vadd.s32 v6, v5  }
0xba: {  	s20 =	sshra.s32 s21, $0x2;
	s21 =	sadd.s32 $0x40, s21;
	[tilespmem:s22+$0x8000] =	vst v5  }
.LBB2_22:
0xbb: {  	p0 =	sne.s32 s21, $0x3FC0;
	v5 =	vld [tilespmem:s20+$0x8000];
	_ =	sdelay $0x4  }
0xbc: {  	(xrf0) =	vadd.scan.msk.s32 $0xffff, v5;
	_ =	sdelay $0x5  }
.Ltmp13:
0xbd: {  	v6, _, _ =	vpop (xrf0);
	s22 =	spop (v2sf);
	(pc) =	sbr.rel @p0 .LBB2_22-.Ltmp13, $4  }
0xbe: {  	(v2sf) =	vpush v6, $0xF;
	s19 =	sadd.s32 s19, s22  }
0xbf: {  	v5 =	vsub.s32 s19, v5  }
0xc0: {  	v5 =	vadd.s32 v6, v5  }
0xc1: {  	[tilespmem:s20+$0x8000] =	vst v5;
	s20 =	sshra.s32 s21, $0x2;
	s21 =	sadd.s32 $0x40, s21  }
0xc2: {  	v5 =	vld [tilespmem:s20+$0x8000];
	_ =	sdelay $0x4  }
0xc3: {  	(xrf0) =	vadd.scan.msk.s32 $0xffff, v5;
	_ =	sdelay $0x5  }
0xc4: {  	v6, _, _ =	vpop (xrf0)  }
0xc5: {  	(v2sf) =	vpush v6, $0xF;
	_ =	sdelay $0xa  }
0xc6: {  	s21 =	spop (v2sf)  }
0xc7: {  	s19 =	sadd.s32 s19, s21  }
0xc8: {  	v5 =	vsub.s32 s19, v5  }
0xc9: {  	v5 =	vadd.s32 v6, v5  }
0xca: {  	s19 =	simm.s32 $0x0;
	[tilespmem:s20+$0x8000] =	vst v5;
	s20 =	simm.s32 $0x0;
	s31 =	spop (v2sf)  }
.LBB2_24:
0xcb: {  	s21 =	sshra.s32 s20, $0x2  }
0xcc: {  	v5 =	vld [tilespmem:s21+$0x2000];
	_ =	sdelay $0x4  }
0xcd: {  	v6 =	vshrl.u32 v5, $0x4  }
0xce: {  	v6 =	vand.u32 $0xFF0, v6  }
0xcf: {  	v6 =	vor.u32 v0, v6;
	_ =	sdelay $0x3  }
0xd0: {  	v7 =	vld [tilespmem:s21+$0x9000]  }
0xd1: {  	v6 =	vld.idx.msk [tilespmem:v6+s12+$0x0], $0xffff;
	_ =	sdelay $0x4  }
0xd2: {  	v6 =	vadd.s32 v6, v7  }
0xd3: {  	v7 =	vshll.u32 v6, $0x4  }
0xd4: {  	v6 =	vshrl.u32 v6, $0x9;
	v7 =	vand.u32 $0x1FF0, v7  }
0xd5: {  	v7 =	vadd.s32 v6, v7  }
0xd6: {  	v6 =	vand.u32 $0x7, v6;
	v7 =	vand.u32 $0xFFFFF8, v7  }
0xd7: {  	v6 =	vor.u32 v6, v7  }
0xd8: {  	v7 =	vld [tilespmem:s21+$0x6000];
	_ =	sdelay $0x3  }
0xd9: {  	[tilespmem:v6+s19+$0x0] =	vst.idx.msk $0xffff, v5  }
0xda: {  	[tilespmem:v6+s15+$0x0] =	vst.idx.msk $0xffff, v7  }
0xdb: {  	v5 =	vld [tilespmem:s21+$0x2010];
	_ =	sdelay $0x4  }
0xdc: {  	v6 =	vshrl.u32 v5, $0x4  }
0xdd: {  	v6 =	vand.u32 $0xFF0, v6  }
0xde: {  	v6 =	vor.u32 v0, v6;
	_ =	sdelay $0x3  }
0xdf: {  	v7 =	vld [tilespmem:s21+$0x9010]  }
0xe0: {  	v6 =	vld.idx.msk [tilespmem:v6+s12+$0x0], $0xffff;
	_ =	sdelay $0x4  }
0xe1: {  	v6 =	vadd.s32 v6, v7  }
0xe2: {  	v7 =	vshll.u32 v6, $0x4  }
0xe3: {  	v6 =	vshrl.u32 v6, $0x9;
	v7 =	vand.u32 $0x1FF0, v7  }
0xe4: {  	v7 =	vadd.s32 v6, v7  }
0xe5: {  	v6 =	vand.u32 $0x7, v6;
	v7 =	vand.u32 $0xFFFFF8, v7  }
0xe6: {  	v6 =	vor.u32 v6, v7  }
0xe7: {  	p0 =	sne.s32 s20, $0x7F80;
	v7 =	vld [tilespmem:s21+$0x6010]  }
.Ltmp14:
0xe8: {  	_ = 	snop;
	(pc) =	sbr.rel @p0 .LBB2_24-.Ltmp14, $3  }
0xe9: {  	_ =	sdelay $0x1  }
0xea: {  	[tilespmem:v6+s19+$0x0] =	vst.idx.msk $0xffff, v5  }
0xeb: {  	s20 =	sadd.s32 $0x80, s20;
	[tilespmem:v6+s15+$0x0] =	vst.idx.msk $0xffff, v7  }
0xec: {  	s19 =	simm.s32 $0x100;
	s20 =	simm.s32 $0x0  }
.LBB2_26:
0xed: {  	p0 =	sne.s32 s19, $0x3F00;
	[tilespmem:s20+$0x8030] =	vst v3;
	s21 =	smov.u32 s19;
	s19 =	sadd.s32 $0x100, s19  }
.Ltmp15:
0xee: {  	[tilespmem:s20+$0x8020] =	vst v3;
	(pc) =	sbr.rel @p0 .LBB2_26-.Ltmp15, $3  }
0xef: {  	[tilespmem:s20+$0x8000] =	vst v3  }
0xf0: {  	[tilespmem:s20+$0x8010] =	vst v3;
	_ =	sdelay $0x1  }
0xf1: {  	s20 =	sshra.s32 s21, $0x2  }
0xf2: {  	[tilespmem:s20+$0x8030] =	vst v3  }
0xf3: {  	[tilespmem:s20+$0x8020] =	vst v3  }
0xf4: {  	[tilespmem:s20+$0x8000] =	vst v3  }
0xf5: {  	s19 =	simm.s32 $0x0;
	[tilespmem:s20+$0x8010] =	vst v3;
	s20 =	simm.s32 $0x0  }
.LBB2_28:
0xf6: {  	s21 =	sshra.s32 s20, $0x2  }
0xf7: {  	v5 =	vld [tilespmem:s21+$0x0];
	_ =	sdelay $0x4  }
0xf8: {  	v5 =	vshrl.u32 v5, $0xC  }
0xf9: {  	v5 =	vand.u32 $0xFF0, v5  }
0xfa: {  	v5 =	vor.u32 v0, v5;
	_ =	sdelay $0x4  }
0xfb: {  	v6 =	vld.idx.msk [tilespmem:v5+s12+$0x0], $0xffff;
	_ =	sdelay $0x4  }
0xfc: {  	v7 =	vadd.s32 $0x1, v6  }
0xfd: {  	[tilespmem:v5+s12+$0x0] =	vst.idx.msk $0xffff, v7  }
0xfe: {  	v5 =	vld [tilespmem:s21+$0x10];
	_ =	sdelay $0x4  }
0xff: {  	v5 =	vshrl.u32 v5, $0xC  }
0x100: {  	v5 =	vand.u32 $0xFF0, v5  }
0x101: {  	v5 =	vor.u32 v0, v5;
	_ =	sdelay $0x3  }
0x102: {  	[tilespmem:s21+$0x9000] =	vst v6  }
0x103: {  	v6 =	vld.idx.msk [tilespmem:v5+s12+$0x0], $0xffff;
	_ =	sdelay $0x1  }
0x104: {  	p0 =	sne.s32 s20, $0x7F80  }
.Ltmp16:
0x105: {  	_ = 	snop;
	(pc) =	sbr.rel @p0 .LBB2_28-.Ltmp16, $4  }
0x106: {  	_ = 	snop  }
0x107: {  	v7 =	vadd.s32 $0x1, v6  }
0x108: {  	[tilespmem:v5+s12+$0x0] =	vst.idx.msk $0xffff, v7  }
0x109: {  	s20 =	sadd.s32 $0x80, s20;
	[tilespmem:s21+$0x9010] =	vst v6  }
0x10a: {  	s22 =	sshra.s32 s19, $0x2  }
0x10b: {  	v5 =	vld [tilespmem:s22+$0x8000];
	_ =	sdelay $0x4  }
0x10c: {  	(xrf0) =	vadd.scan.msk.s32 $0xffff, v5;
	_ =	sdelay $0x5  }
0x10d: {  	v6, _, _ =	vpop (xrf0)  }
0x10e: {  	(v2sf) =	vpush v6, $0xF  }
0x10f: {  	v5 =	vsub.s32 s19, v5  }
0x110: {  	s21 =	sadd.s32 $0x40, s19;
	v5 =	vadd.s32 v6, v5  }
0x111: {  	s20 =	sshra.s32 s21, $0x2;
	s21 =	sadd.s32 $0x40, s21;
	[tilespmem:s22+$0x8000] =	vst v5  }
.LBB2_30:
0x112: {  	p0 =	sne.s32 s21, $0x3FC0;
	v5 =	vld [tilespmem:s20+$0x8000];
	_ =	sdelay $0x4  }
0x113: {  	(xrf0) =	vadd.scan.msk.s32 $0xffff, v5;
	_ =	sdelay $0x5  }
.Ltmp17:
0x114: {  	v6, _, _ =	vpop (xrf0);
	s22 =	spop (v2sf);
	(pc) =	sbr.rel @p0 .LBB2_30-.Ltmp17, $4  }
0x115: {  	(v2sf) =	vpush v6, $0xF;
	s19 =	sadd.s32 s19, s22  }
0x116: {  	v5 =	vsub.s32 s19, v5  }
0x117: {  	v5 =	vadd.s32 v6, v5  }
0x118: {  	[tilespmem:s20+$0x8000] =	vst v5;
	s20 =	sshra.s32 s21, $0x2;
	s21 =	sadd.s32 $0x40, s21  }
0x119: {  	v5 =	vld [tilespmem:s20+$0x8000];
	_ =	sdelay $0x4  }
0x11a: {  	(xrf0) =	vadd.scan.msk.s32 $0xffff, v5;
	_ =	sdelay $0x5  }
0x11b: {  	v6, _, _ =	vpop (xrf0)  }
0x11c: {  	(v2sf) =	vpush v6, $0xF;
	_ =	sdelay $0xa  }
0x11d: {  	s21 =	spop (v2sf)  }
0x11e: {  	s19 =	sadd.s32 s19, s21  }
0x11f: {  	v5 =	vsub.s32 s19, v5  }
0x120: {  	v5 =	vadd.s32 v6, v5  }
0x121: {  	s19 =	simm.s32 $0x0;
	[tilespmem:s20+$0x8000] =	vst v5;
	s31 =	spop (v2sf)  }
.LBB2_32:
0x122: {  	s20 =	sshra.s32 s19, $0x2  }
0x123: {  	v5 =	vld [tilespmem:s20+$0x0];
	_ =	sdelay $0x4  }
0x124: {  	v6 =	vshrl.u32 v5, $0xC  }
0x125: {  	v6 =	vand.u32 $0xFF0, v6  }
0x126: {  	v6 =	vor.u32 v0, v6;
	_ =	sdelay $0x3  }
0x127: {  	v7 =	vld [tilespmem:s20+$0x9000]  }
0x128: {  	v6 =	vld.idx.msk [tilespmem:v6+s12+$0x0], $0xffff;
	_ =	sdelay $0x4  }
0x129: {  	v6 =	vadd.s32 v6, v7  }
0x12a: {  	v7 =	vshll.u32 v6, $0x4  }
0x12b: {  	v6 =	vshrl.u32 v6, $0x9;
	v7 =	vand.u32 $0x1FF0, v7  }
0x12c: {  	v7 =	vadd.s32 v6, v7  }
0x12d: {  	v6 =	vand.u32 $0x7, v6;
	v7 =	vand.u32 $0xFFFFF8, v7  }
0x12e: {  	v6 =	vor.u32 v6, v7  }
0x12f: {  	v7 =	vld [tilespmem:s20+$0x4000];
	_ =	sdelay $0x3  }
0x130: {  	[tilespmem:v6+s13+$0x0] =	vst.idx.msk $0xffff, v5  }
0x131: {  	[tilespmem:v6+s14+$0x0] =	vst.idx.msk $0xffff, v7  }
0x132: {  	v5 =	vld [tilespmem:s20+$0x10];
	_ =	sdelay $0x4  }
0x133: {  	v6 =	vshrl.u32 v5, $0xC  }
0x134: {  	v6 =	vand.u32 $0xFF0, v6  }
0x135: {  	v6 =	vor.u32 v0, v6;
	_ =	sdelay $0x3  }
0x136: {  	v7 =	vld [tilespmem:s20+$0x9010]  }
0x137: {  	v6 =	vld.idx.msk [tilespmem:v6+s12+$0x0], $0xffff;
	_ =	sdelay $0x4  }
0x138: {  	v6 =	vadd.s32 v6, v7  }
0x139: {  	v7 =	vshll.u32 v6, $0x4  }
0x13a: {  	v6 =	vshrl.u32 v6, $0x9;
	v7 =	vand.u32 $0x1FF0, v7  }
0x13b: {  	v7 =	vadd.s32 v6, v7  }
0x13c: {  	v6 =	vand.u32 $0x7, v6;
	v7 =	vand.u32 $0xFFFFF8, v7  }
0x13d: {  	v6 =	vor.u32 v6, v7  }
0x13e: {  	p0 =	sne.s32 s19, $0x7F80;
	v7 =	vld [tilespmem:s20+$0x4010]  }
.Ltmp18:
0x13f: {  	_ = 	snop;
	(pc) =	sbr.rel @p0 .LBB2_32-.Ltmp18, $3  }
0x140: {  	_ =	sdelay $0x1  }
0x141: {  	[tilespmem:v6+s13+$0x0] =	vst.idx.msk $0xffff, v5  }
0x142: {  	s19 =	sadd.s32 $0x80, s19;
	[tilespmem:v6+s14+$0x0] =	vst.idx.msk $0xffff, v7  }
0x143: {  	s19 =	simm.s32 $0x100;
	s20 =	simm.s32 $0x0  }
.LBB2_34:
0x144: {  	p0 =	sne.s32 s19, $0x3F00;
	[tilespmem:s20+$0x8030] =	vst v3;
	s21 =	smov.u32 s19;
	s19 =	sadd.s32 $0x100, s19  }
.Ltmp19:
0x145: {  	[tilespmem:s20+$0x8020] =	vst v3;
	(pc) =	sbr.rel @p0 .LBB2_34-.Ltmp19, $3  }
0x146: {  	[tilespmem:s20+$0x8000] =	vst v3  }
0x147: {  	[tilespmem:s20+$0x8010] =	vst v3;
	_ =	sdelay $0x1  }
0x148: {  	s20 =	sshra.s32 s21, $0x2  }
0x149: {  	[tilespmem:s20+$0x8030] =	vst v3  }
0x14a: {  	[tilespmem:s20+$0x8020] =	vst v3  }
0x14b: {  	[tilespmem:s20+$0x8000] =	vst v3  }
0x14c: {  	s19 =	simm.s32 $0x0;
	[tilespmem:s20+$0x8010] =	vst v3;
	s20 =	simm.s32 $0x0  }
.LBB2_36:
0x14d: {  	s21 =	sshra.s32 s20, $0x2  }
0x14e: {  	v5 =	vld [tilespmem:s21+$0x2000];
	_ =	sdelay $0x4  }
0x14f: {  	v5 =	vshrl.u32 v5, $0x14  }
0x150: {  	v5 =	vand.u32 $0xFF0, v5  }
0x151: {  	v5 =	vor.u32 v0, v5;
	_ =	sdelay $0x4  }
0x152: {  	v6 =	vld.idx.msk [tilespmem:v5+s12+$0x0], $0xffff;
	_ =	sdelay $0x4  }
0x153: {  	v7 =	vadd.s32 $0x1, v6  }
0x154: {  	[tilespmem:v5+s12+$0x0] =	vst.idx.msk $0xffff, v7  }
0x155: {  	v5 =	vld [tilespmem:s21+$0x2010];
	_ =	sdelay $0x4  }
0x156: {  	v5 =	vshrl.u32 v5, $0x14  }
0x157: {  	v5 =	vand.u32 $0xFF0, v5  }
0x158: {  	v5 =	vor.u32 v0, v5;
	_ =	sdelay $0x3  }
0x159: {  	[tilespmem:s21+$0x9000] =	vst v6  }
0x15a: {  	v6 =	vld.idx.msk [tilespmem:v5+s12+$0x0], $0xffff;
	_ =	sdelay $0x1  }
0x15b: {  	p0 =	sne.s32 s20, $0x7F80  }
.Ltmp20:
0x15c: {  	_ = 	snop;
	(pc) =	sbr.rel @p0 .LBB2_36-.Ltmp20, $4  }
0x15d: {  	_ = 	snop  }
0x15e: {  	v7 =	vadd.s32 $0x1, v6  }
0x15f: {  	[tilespmem:v5+s12+$0x0] =	vst.idx.msk $0xffff, v7  }
0x160: {  	s20 =	sadd.s32 $0x80, s20;
	[tilespmem:s21+$0x9010] =	vst v6  }
0x161: {  	s22 =	sshra.s32 s19, $0x2  }
0x162: {  	v5 =	vld [tilespmem:s22+$0x8000];
	_ =	sdelay $0x4  }
0x163: {  	(xrf0) =	vadd.scan.msk.s32 $0xffff, v5;
	_ =	sdelay $0x5  }
0x164: {  	v6, _, _ =	vpop (xrf0)  }
0x165: {  	(v2sf) =	vpush v6, $0xF  }
0x166: {  	v5 =	vsub.s32 s19, v5  }
0x167: {  	s21 =	sadd.s32 $0x40, s19;
	v5 =	vadd.s32 v6, v5  }
0x168: {  	s20 =	sshra.s32 s21, $0x2;
	s21 =	sadd.s32 $0x40, s21;
	[tilespmem:s22+$0x8000] =	vst v5  }
.LBB2_38:
0x169: {  	p0 =	sne.s32 s21, $0x3FC0;
	v5 =	vld [tilespmem:s20+$0x8000];
	_ =	sdelay $0x4  }
0x16a: {  	(xrf0) =	vadd.scan.msk.s32 $0xffff, v5;
	_ =	sdelay $0x5  }
.Ltmp21:
0x16b: {  	v6, _, _ =	vpop (xrf0);
	s22 =	spop (v2sf);
	(pc) =	sbr.rel @p0 .LBB2_38-.Ltmp21, $4  }
0x16c: {  	(v2sf) =	vpush v6, $0xF;
	s19 =	sadd.s32 s19, s22  }
0x16d: {  	v5 =	vsub.s32 s19, v5  }
0x16e: {  	v5 =	vadd.s32 v6, v5  }
0x16f: {  	[tilespmem:s20+$0x8000] =	vst v5;
	s20 =	sshra.s32 s21, $0x2;
	s21 =	sadd.s32 $0x40, s21  }
0x170: {  	v5 =	vld [tilespmem:s20+$0x8000];
	_ =	sdelay $0x4  }
0x171: {  	(xrf0) =	vadd.scan.msk.s32 $0xffff, v5;
	_ =	sdelay $0x5  }
0x172: {  	v6, _, _ =	vpop (xrf0)  }
0x173: {  	(v2sf) =	vpush v6, $0xF;
	_ =	sdelay $0xa  }
0x174: {  	s21 =	spop (v2sf)  }
0x175: {  	s19 =	sadd.s32 s19, s21  }
0x176: {  	v5 =	vsub.s32 s19, v5  }
0x177: {  	v5 =	vadd.s32 v6, v5  }
0x178: {  	s19 =	simm.s32 $0x0;
	[tilespmem:s20+$0x8000] =	vst v5;
	s31 =	spop (v2sf)  }
.LBB2_40:
0x179: {  	s20 =	sshra.s32 s19, $0x2  }
0x17a: {  	v5 =	vld [tilespmem:s20+$0x2000];
	_ =	sdelay $0x4  }
0x17b: {  	v5 =	vshrl.u32 v5, $0x14  }
0x17c: {  	v5 =	vand.u32 $0xFF0, v5  }
0x17d: {  	v5 =	vor.u32 v0, v5;
	_ =	sdelay $0x3  }
0x17e: {  	v6 =	vld [tilespmem:s20+$0x9000]  }
0x17f: {  	v5 =	vld.idx.msk [tilespmem:v5+s12+$0x0], $0xffff;
	_ =	sdelay $0x4  }
0x180: {  	v7 =	vld [tilespmem:s20+$0x6000];
	v5 =	vadd.s32 v5, v6;
	_ =	sdelay $0x4  }
0x181: {  	[tilespmem:v5+s15+$0x0] =	vst.idx.msk $0xffff, v7  }
0x182: {  	v5 =	vld [tilespmem:s20+$0x2010];
	_ =	sdelay $0x4  }
0x183: {  	v5 =	vshrl.u32 v5, $0x14  }
0x184: {  	v5 =	vand.u32 $0xFF0, v5  }
0x185: {  	v5 =	vor.u32 v0, v5;
	_ =	sdelay $0x3  }
0x186: {  	v6 =	vld [tilespmem:s20+$0x9010]  }
0x187: {  	v5 =	vld.idx.msk [tilespmem:v5+s12+$0x0], $0xffff;
	_ =	sdelay $0x4  }
0x188: {  	p0 =	seq.s32 s19, $0x7F80;
	v7 =	vld [tilespmem:s20+$0x6010];
	v5 =	vadd.s32 v5, v6  }
.Ltmp22:
0x189: {  	_ = 	snop;
	(pc) =	sbr.rel @!p0 .LBB2_40-.Ltmp22, $2  }
0x18a: {  	_ =	sdelay $0x2  }
0x18b: {  	s19 =	sadd.s32 $0x80, s19;
	[tilespmem:v5+s15+$0x0] =	vst.idx.msk $0xffff, v7  }
.Ltmp23:
0x18c: {  	(pc) =	sbr.rel .LBB2_42-.Ltmp23, $2  }
0x18d: {  	_ =	sdelay $0x2  }
0x18e: {  	s19 =	simm.s32 $0x2  }
.LBB2_4:
0x18f: {  	s21 =	simm.s32 $0x10  }
0x190: {  	s20 =	simm.s32 $0x0;
	s19 =	simm.s32 $0x4010;
	v5 =	vor.u32 s21, v0  }
0x191: {  	v6 =	vor.u32 s20, v0;
	[tilespmem:s19+$0x0] =	vst v5  }
0x192: {  	s18 =	sshll.u32 s18, $0xA;
	s20 =	simm.s32 $0x20;
	[tilespmem:s19+$0xFFFFFFF0] =	vst v6  }
.LBB2_5:
0x193: {  	p0 =	sne.s32 s20, $0x1FE0  }
.Ltmp24:
0x194: {  	_ = 	snop;
	(pc) =	sbr.rel @p0 .LBB2_5-.Ltmp24, $4  }
0x195: {  	s21 =	sadd.s32 $0x10, s20  }
0x196: {  	s22 =	smov.u32 s20;
	s19 =	sadd.s32 $0x20, s19;
	v5 =	vor.u32 s21, v0  }
0x197: {  	v6 =	vor.u32 s22, v0;
	[tilespmem:s19+$0x0] =	vst v5  }
0x198: {  	s20 =	sadd.s32 $0x20, s20;
	[tilespmem:s19+$0xFFFFFFF0] =	vst v6  }
.Ltmp25:
0x199: {  	_ = 	snop;
	(pc) =	sbr.rel .LBB2_6-.Ltmp25, $1  }
0x19a: {  	_ =	sdelay $0x3  }
.LBB2_45:
0x19b: {  	_ =	sfence.sel $0x180000  }
0x19c: {  	[bflag:$0x0] =	sbarrier.arrive $0xFFFF  }
0x19d: {  	p0 =	sne.s32 s3, $0x0;
	_ =	strace $0x9000004A  }
0x19e: {  	s0 =	sadd.s32 @!p0 $0x100000, s0;
	[bflag:$0x2] =	sbarrier.arrive $0xFFFF  }
0x19f: {  	[sflag:s0] =	ssyncadd.tile.s32 @!p0 $0x1;
	_ =	shalt  }
.Lfunc_end2:
_tile_overlayer_lowered:
.L_overlay_start_2:
0x1a0: {  	(tag) =	ssettag $0x2  }
0x1a1: {  	s0 =	rddreg [dreg:$0x0];
	s2 =	stileid.u32  }
0x1a2: {  	s1 =	rddreg [dreg:$0x1];
	p0 =	sne.s32 s2, $0x0  }
0x1a3: {  	s3 =	rddreg [dreg:$0x2];
	[bflag:$0x3] =	sbarrier.arrive $0xFFFF;
	s2 =	simm.s32 @!p0 $0x1C01  }
0x1a4: {  	[timem:s3], [sflag:s2] =	dma.local @!p0 [hbm:s0], s1  }
0x1a5: {  	s0 =	simm.s32 @!p0 $0x1  }
0x1a6: {  	_ =	swait.ge @!p0 [sflag:s0], s1  }
0x1a7: {  	s1 =	ssub.s32 @!p0 $0x0, s1;
	[sflag:s0] =	ssyncset.done @!p0 $0x0  }
0x1a8: {  	[sflag:s0] =	ssyncadd.s32 @!p0 s1  }
0x1a9: {  	[bflag:$0x3] =	sbarrier.arrive $0xFFFF  }
0x1aa: {  	_ =	shalt  }

// kernel: kernel.8.cloned.1.call-start
scs
__scs_entry_jumppad:
0x0: {  	(pc) =	sbr.rel $0x88, $3  }
0x1: {  	(tag) =	ssettag $0x0;
	lr =	simm.s32 $0x1  }
0x2: {  	[smem:$0x3F9C] =	sst lr;
	_ =	strace $0xD0000000  }
0x3: {  	_ = 	snop  }
0x4: {  	_ = 	snop  }
0x5: {  	_ = 	snop  }
0x6: {  	_ = 	snop  }
0x7: {  	_ = 	snop  }
__scs_overlays_trampoline_lowered:
0x8: {  	[smem:$0x3FAB] =	sst s0  }
0x9: {  	[smem:$0x3FAC] =	sst s1  }
0xa: {  	[smem:$0x3FAD] =	sst s2  }
0xb: {  	[smem:$0x3FAE] =	sst s3  }
0xc: {  	[smem:$0x3FAF] =	sst s4  }
0xd: {  	[smem:$0x3FB0] =	sst s5  }
0xe: {  	[smem:$0x3FB1] =	sst s6  }
0xf: {  	[smem:$0x3FB2] =	sst s7  }
0x10: {  	[smem:$0x3FB3] =	sst s8  }
0x11: {  	[smem:$0x3FB4] =	sst s9;
	s0 =	simm.s32 @!p0 $0x0  }
0x12: {  	s1 =	sld [smem:$0x3F9A];
	s0 =	simm.s32 @p0 $0x1  }
0x13: {  	[smem:$0x3FB5] =	sst s0;
	s0 =	simm.s32 @!p1 $0x0  }
0x14: {  	s2 =	sld [smem:$0x3F99];
	s0 =	simm.s32 @p1 $0x1  }
0x15: {  	[smem:$0x3FB6] =	sst s0;
	s0 =	simm.s32 @!p2 $0x0  }
0x16: {  	s3 =	sld [smem:$0x3FDB];
	s0 =	simm.s32 @p2 $0x1  }
0x17: {  	s4 =	simm.s32 $0x1BF5;
	[smem:$0x3FB8] =	sst s0  }
0x18: {  	s0 =	sld [smem:$0x3F9B];
	_ =	swait.ge [sflag:s4], $0x0  }
0x19: {  	s7 =	sld [smem:$0x3F9C]  }
0x1a: {  	s8 =	sadd.s32 $0xFFFFE003, lr  }
0x1b: {  	s9 =	sadd.s32 $0xFFFFFEF7, lr;
	s5 =	simm.s32 $0xFFFFFFFF;
	p2 =	slt.u32 s8, $0xFFFFF086  }
0x1c: {  	p1 =	slt.u32 s9, $0xF7A;
	s5 =	simm.s32 @!p2 $0x0  }
0x1d: {  	s5 =	simm.s32 @p1 $0x1;
	p0 =	seq.s32 s7, s2  }
0x1e: {  	s7 =	smul.u32 @!p0 $0xF7A, s2;
	p2 =	seq.s32 @!p0 s5, $0x0  }
0x1f: {  	s9 =	smul.u32 $0xF7A, s1;
	s8 =	simm.s32 @!p0 $0x1BF5;
	p2 =	por !p2, p0  }
0x20: {  	[sflag:s8] =	ssyncset.s32 @!p0 $0xFFFFF086;
	s6 =	sadd.s32 @!p0 s3, s7;
	s7 =	simm.s32 @!p0 $0x108  }
0x21: {  	s3 =	sadd.s32 s3, s9;
	s6 =	sadd.s32 @!p0 $0x88, s6;
	s7 =	simm.s32 @p2 $0x1082  }
0x22: {  	[simem:s7], [sflag:s8] =	dma.local @!p0 [hbm:s6], $0xF7A  }
0x23: {  	s9 =	sor.u32 $0xD0000000, s2;
	s6 =	simm.s32 $0x108;
	_ =	swait.ge @!p0 [sflag:s8], $0x0  }
0x24: {  	s3 =	sadd.s32 $0x88, s3;
	s6 =	simm.s32 @!p1 $0x1082;
	[sflag:s4] =	ssyncset.s32 $0xFFFFF086  }
0x25: {  	[simem:s6], [sflag:s4] =	dma.local [hbm:s3], $0xF7A  }
0x26: {  	[smem:$0x3F9C] =	sst s1;
	(tag) =	ssettag s2;
	_ =	strace s9  }
0x27: {  	s1 =	sld [smem:$0x3FAC]  }
0x28: {  	s2 =	sld [smem:$0x3FAD]  }
0x29: {  	s4 =	sld [smem:$0x3FAF]  }
0x2a: {  	p0 =	seq.s32 s5, $0x0;
	s5 =	sld [smem:$0x3FB0]  }
0x2b: {  	s6 =	sld [smem:$0x3FB1]  }
0x2c: {  	s7 =	sld [smem:$0x3FB2]  }
0x2d: {  	s3 =	simm.s32 $0x108;
	s8 =	sld [smem:$0x3FB3]  }
0x2e: {  	s3 =	simm.s32 @!p0 $0x1082;
	s9 =	sld [smem:$0x3FB4]  }
0x2f: {  	lr =	sadd.s32 s0, s3;
	s0 =	sld [smem:$0x3FAB]  }
0x30: {  	s3 =	sld [smem:$0x3FAE]  }
0x31: {  	[smem:$0x3FB7] =	sst s10  }
0x32: {  	s10 =	sld [smem:$0x3FB5];
	_ =	sdelay $0x3  }
0x33: {  	p0 =	seq.s32 s10, $0x1;
	s10 =	sld [smem:$0x3FB7];
	_ =	sdelay $0x3  }
0x34: {  	[smem:$0x3FB7] =	sst s10  }
0x35: {  	s10 =	sld [smem:$0x3FB6];
	_ =	sdelay $0x3  }
0x36: {  	p1 =	seq.s32 s10, $0x1;
	s10 =	sld [smem:$0x3FB7];
	_ =	sdelay $0x3  }
0x37: {  	[smem:$0x3FB7] =	sst s10  }
0x38: {  	s10 =	sld [smem:$0x3FB8]  }
0x39: {  	_ = 	snop;
	(pc) =	sbr.ind lr, $3  }
0x3a: {  	_ = 	snop  }
0x3b: {  	_ = 	snop  }
0x3c: {  	p2 =	seq.s32 s10, $0x1;
	s10 =	sld [smem:$0x3FB7]  }
0x3d: {  	_ =	shalt  }
0x3e: {  	_ =	shalt  }
0x3f: {  	_ =	shalt  }
0x40: {  	_ =	shalt  }
0x41: {  	_ =	shalt  }
0x42: {  	_ =	shalt  }
0x43: {  	_ =	shalt  }
0x44: {  	_ =	shalt  }
0x45: {  	_ =	shalt  }
0x46: {  	_ =	shalt  }
0x47: {  	_ =	shalt  }
0x48: {  	_ =	shalt  }
0x49: {  	_ =	shalt  }
0x4a: {  	_ =	shalt  }
0x4b: {  	_ =	shalt  }
0x4c: {  	_ =	shalt  }
0x4d: {  	_ =	shalt  }
0x4e: {  	_ =	shalt  }
0x4f: {  	_ =	shalt  }
0x50: {  	_ =	shalt  }
0x51: {  	_ =	shalt  }
0x52: {  	_ =	shalt  }
0x53: {  	_ =	shalt  }
0x54: {  	_ =	shalt  }
0x55: {  	_ =	shalt  }
0x56: {  	_ =	shalt  }
0x57: {  	_ =	shalt  }
0x58: {  	_ =	shalt  }
0x59: {  	_ =	shalt  }
0x5a: {  	_ =	shalt  }
0x5b: {  	_ =	shalt  }
0x5c: {  	_ =	shalt  }
0x5d: {  	_ =	shalt  }
0x5e: {  	_ =	shalt  }
0x5f: {  	_ =	shalt  }
0x60: {  	_ =	shalt  }
0x61: {  	_ =	shalt  }
0x62: {  	_ =	shalt  }
0x63: {  	_ =	shalt  }
0x64: {  	_ =	shalt  }
0x65: {  	_ =	shalt  }
0x66: {  	_ =	shalt  }
0x67: {  	_ =	shalt  }
0x68: {  	_ =	shalt  }
0x69: {  	_ =	shalt  }
0x6a: {  	_ =	shalt  }
0x6b: {  	_ =	shalt  }
0x6c: {  	_ =	shalt  }
0x6d: {  	_ =	shalt  }
0x6e: {  	_ =	shalt  }
0x6f: {  	_ =	shalt  }
0x70: {  	_ =	shalt  }
0x71: {  	_ =	shalt  }
0x72: {  	_ =	shalt  }
0x73: {  	_ =	shalt  }
0x74: {  	_ =	shalt  }
0x75: {  	_ =	shalt  }
0x76: {  	_ =	shalt  }
0x77: {  	_ =	shalt  }
0x78: {  	_ =	shalt  }
0x79: {  	_ =	shalt  }
0x7a: {  	_ =	shalt  }
0x7b: {  	_ =	shalt  }
0x7c: {  	_ =	shalt  }
0x7d: {  	_ =	shalt  }
0x7e: {  	_ =	shalt  }
0x7f: {  	_ =	shalt  }
0x80: {  	_ =	shalt  }
0x81: {  	_ =	shalt  }
0x82: {  	_ =	shalt  }
0x83: {  	_ =	shalt  }
0x84: {  	_ =	shalt  }
0x85: {  	_ =	shalt  }
0x86: {  	_ =	shalt  }
0x87: {  	_ =	shalt  }
.Lfunc_end0:
.L_simem_size_0:
called_computation.6_lowered:
.L_overlay_start_0:
0x88: {  	s2 =	sld [smem:$0x3FD9]  }
0x89: {  	s3 =	sld [smem:$0x3FFE];
	_ =	sdelay $0x1  }
0x8a: {  	s1 =	srdreg.scid  }
0x8b: {  	s0 =	sand.u32 $0x1, s1  }
0x8c: {  	s17 =	sshll.u32 s0, $0xA;
	s2 =	sadd.s32 s3, s2  }
0x8d: {  	s2 =	sadd.s32 s2, s17  }
0x8e: {  	[smem:$0x3FC3] =	sst s2  }
0x8f: {  	_ = 	snop  }
0x90: {  	s18 =	sld [smem:$0x3FD0];
	(tm) =	ssettm $0x1  }
0x91: {  	s19 =	sld [smem:$0x3FFB];
	_ =	sdelay $0x3  }
0x92: {  	_ =	strace s19  }
0x93: {  	s2 =	sld [smem:$0x3FFC];
	_ =	sdelay $0x3  }
0x94: {  	_ =	strace s2  }
0x95: {  	s2 =	sld [smem:$0x3FFD];
	_ =	sdelay $0x3  }
0x96: {  	_ =	strace s2  }
0x97: {  	_ =	strace $0x8FFFFFFF  }
0x98: {  	s20 =	sld [smem:$0x3FDB];
	_ =	sdelay $0x1  }
0x99: {  	s4 =	simm.s32 $_scs_section_size  }
0x9a: {  	s5 =	simm.s32 $_size__tile_overlayer_lowered;
	s6 =	simm.s32 $_tile_overlayer_lowered  }
0x9b: {  	s7 =	simm.s32 $0x1BFF;
	s21 =	sshll.u32 s6, $0x1;
	s4 =	sadd.s32 s4, s20  }
0x9c: {  	s22 =	simm.s32 $0x0;
	s5 =	sshll.u32 s5, $0x1;
	s6 =	sadd.s32 s21, s4  }
0x9d: {  	[timem:s22], [sflag:s7] =	dma.local [hbm:s6], s5  }
0x9e: {  	_ =	swait.ge [sflag:s7], s5  }
0x9f: {  	s5 =	ssub.s32 $0x0, s5;
	[sflag:s7] =	ssyncset.done $0x0  }
0xa0: {  	[sflag:s7] =	ssyncadd.s32 s5;
	_ =	sdelay $0x1  }
0xa1: {  	s23 =	simm.s32 $0x1B8B  }
0xa2: {  	_ =	swait.ge [sflag:s23], $0x1  }
0xa3: {  	[sflag:s23] =	ssyncset.done $0x0  }
0xa4: {  	[sflag:s23] =	ssyncadd.s32 $0xFFFFFFFF  }
0xa5: {  	s5 =	sld [smem:$0x0]  }
0xa6: {  	s6 =	sand.u32 $0xFFFFFFFE, s1  }
0xa7: {  	p0 =	sne.s32 s1, s6  }
0xa8: {  	s6 =	sshll.u32 @p0 s6, $0xE  }
0xa9: {  	s6 =	sadd.s32 @p0 $0x11B8D, s6;
	s7 =	sshll.u32 @p0 s5, $0x11  }
0xaa: {  	s6 =	sor.u32 @p0 s7, s6  }
0xab: {  	[sflag:s6] =	ssyncadd.remote.s32 @p0 $0x1;
	_ =	sdelay $0x1  }
0xac: {  	s6 =	simm.s32 @p0 $0x1B8D  }
0xad: {  	_ =	swait.eq @p0 [sflag:s6], $0x1  }
0xae: {  	[sflag:s6] =	ssyncadd.s32 @p0 $0xFFFFFFFF  }
0xaf: {  	s7 =	sshll.u32 @!p0 s1, $0xE  }
0xb0: {  	s7 =	sor.u32 @!p0 $0x4000, s7;
	s6 =	simm.s32 @!p0 $0x1B8D  }
0xb1: {  	s5 =	sshll.u32 @!p0 s5, $0x11;
	s7 =	sadd.s32 @!p0 $0x11B8D, s7;
	_ =	swait.eq @!p0 [sflag:s6], $0x1  }
0xb2: {  	s5 =	sor.u32 @!p0 s5, s7;
	[sflag:s6] =	ssyncadd.s32 @!p0 $0xFFFFFFFF  }
0xb3: {  	s25 =	simm.s32 $0x1B8E;
	s24 =	sld [smem:$0x3FFE];
	[sflag:s5] =	ssyncadd.remote.s32 @!p0 $0x1  }
0xb4: {  	s26 =	simm.s32 $execute0_lowered;
	[smem:$0x3FD2] =	sst s25  }
0xb5: {  	s6 =	sshll.u32 s26, $0x1;
	_ =	strace $0x8000004F;
	[dreg:$0x1] =	wrdreg $0xFFFFFFFF  }
0xb6: {  	s28 =	simm.s32 $_size_execute0_lowered;
	s4 =	sadd.s32 s4, s6;
	[dreg:$0x0] =	wrdreg $0x0  }
0xb7: {  	s6 =	sshll.u32 s28, $0x1;
	[dreg:$0x2] =	wrdreg s4  }
0xb8: {  	[dreg:$0x3] =	wrdreg s6  }
0xb9: {  	[dreg:$0x4] =	wrdreg $0xC0  }
0xba: {  	_ =	task [dreg:s22], $0x5FFFF  }
0xbb: {  	[dreg:$0x1] =	wrdreg $0xFFFFFFFF  }
0xbc: {  	[dreg:$0x0] =	wrdreg $0x60  }
0xbd: {  	[dreg:$0x2] =	wrdreg s24  }
0xbe: {  	[dreg:$0x3] =	wrdreg s18  }
0xbf: {  	[dreg:$0x4] =	wrdreg $0xA  }
0xc0: {  	_ =	task.clear_ibuf [dreg:s22], $0x5FFFF;
	_ =	strace $0x9000004F  }
0xc1: {  	s29 =	simm.s32 $0xA;
	_ =	strace $0x80000051  }
0xc2: {  	_ =	swait.ge [sflag:s29], $0x1  }
0xc3: {  	[sflag:s29] =	ssyncadd.s32 $0xFFFFFFFF  }
0xc4: {  	_ =	strace $0x90000051  }
0xc5: {  	_ =	sfence  }
0xc6: {  	s30 =	sld [smem:$0x0];
	_ =	sdelay $0x2  }
0xc7: {  	s31 =	sshll.u32 s1, $0xD;
	s1 =	sshrl.u32 s1, $0x2  }
0xc8: {  	s4 =	sand.u32 $0x4000, s31;
	s1 =	sadd.s32 s1, s30  }
0xc9: {  	s0 =	sor.u32 s4, s0;
	s1 =	sshll.u32 s1, $0x11  }
0xca: {  	s0 =	sor.u32 s1, s0  }
0xcb: {  	s0 =	sadd.s32 $0x8F2B, s0  }
0xcc: {  	[sflag:s0] =	ssyncadd.remote.s32 $0x1  }
0xcd: {  	_ =	sfence.sel $0xFFFF  }
0xce: {  	[dreg:$0x0] =	wrdreg $0xFFFFFFFF;
	(pc) =	sbr.abs _section_cstart, $3  }
0xcf: {  	[dreg:$0x1] =	wrdreg $0xFFFFFFFF  }
0xd0: {  	_ =	task.clear_ibuf [dreg:s22], $0x2FFFF;
	_ =	strace $0x9FFFFFFF  }
0xd1: {  	(tm) =	ssettm $0x7FFFFFFF  }
tec
execute0_lowered:
.L_overlay_start_1:
0x0: {  	(tag) =	ssettag $0x1  }
0x1: {  	s4 =	rddreg [dreg:$0x0]  }
0x2: {  	s6 =	rddreg [dreg:$0x1]  }
0x3: {  	s0 =	rddreg [dreg:$0x2]  }
0x4: {  	s2 =	simm.s32 $0x0;
	s3 =	srdreg.scid;
	s1 =	stileid.u32  }
0x5: {  	s10 =	simm.s32 $0x2000;
	s11 =	simm.s32 $0x4000;
	s12 =	simm.s32 $0x0  }
0x6: {  	[smem:$0x7FF] =	sst s2;
	s5 =	sand.u32 $0x1, s3;
	s8 =	sshll.u32 s1, $0x1  }
.Ltmp0:
0x7: {  	s3 =	sadd.s32 $0x1E00, s4;
	s4 =	sadd.s32 $0x1C00, s4;
	(pc) =	sbr.rel .LBB2_1-.Ltmp0, $4  }
0x8: {  	p0 =	sgt.u32 s1, $0x3;
	s7 =	ssub.s32 $0x2, s5;
	s8 =	sor.u32 s5, s8  }
0x9: {  	_ =	strace $0x80000050;
	s9 =	sshrl.u32 s7, $0x1;
	s31 =	sshll.u32 s8, $0xA  }
0xa: {  	v2 =	vlaneseq.u32;
	s5 =	sshll.u32 s8, $0xD;
	v1 =	vmov s8;
	s8 =	simm.s32 $0x6000;
	s7 =	ssub.s32 s7, s9  }
0xb: {  	v0 =	vimm.s32 $0x0;
	s6 =	sadd.s32 s6, s31;
	s9 =	simm.s32 $0x1;
	vm0 =	veq.s32 v1, v2;
	v1 =	vimm.s32 $0x1;
	s7 =	smax.u32 s7, $0x1  }
.LBB2_13:
0xc: {  	[hbm4b:s6+s2] =	stream.linear.scatter [tilespmem:s11], [sflag:$0x1], $0x2000, $0x38;
	[tilespmem:$0x6010] =	vst v63  }
0xd: {  	_ =	swait.ge [sflag:s9], $0x2000  }
0xe: {  	[sflag:s9] =	ssyncset.done $0x0  }
0xf: {  	[sflag:s9] =	ssyncadd.s32 $0xFFFFE000  }
.LBB2_14:
0x10: {  	s12 =	sadd.s32 $0x1, s12  }
0x11: {  	p1 =	sne.s32 s12, s7  }
.Ltmp1:
0x12: {  	_ = 	snop;
	(pc) =	sbr.rel @!p1 .LBB2_15-.Ltmp1, $1  }
0x13: {  	_ =	sdelay $0x3  }
.LBB2_1:
.Ltmp2:
0x14: {  	(pc) =	sbr.rel @p0 .LBB2_14-.Ltmp2, $4  }
0x15: {  	[tilespmem:s8], [sflag:$0x1] =	stream.linear.gather [hbm4b:s4+s2], $0x10, $0x38;
	[tilespmem:$0x6010] =	vst v63  }
0x16: {  	_ =	swait.ge [sflag:s9], $0x10  }
0x17: {  	[sflag:s9] =	ssyncset.done $0x0  }
0x18: {  	[sflag:s9] =	ssyncadd.s32 $0xFFFFFFF0  }
0x19: {  	v2 =	vld [tilespmem:$0x6000];
	s13 =	simm.s32 $0x40;
	s15 =	simm.s32 $0x0  }
.LBB2_3:
0x1a: {  	p1 =	sne.s32 s13, $0x7FC0;
	[tilespmem:s15+$0x4000] =	vst v0;
	s14 =	smov.u32 s13;
	s13 =	sadd.s32 $0x40, s13  }
.Ltmp3:
0x1b: {  	(pc) =	sbr.rel @p1 .LBB2_3-.Ltmp3, $2  }
0x1c: {  	_ =	sdelay $0x2  }
0x1d: {  	s15 =	sshra.s32 s14, $0x2  }
0x1e: {  	v2 =	vnsel vm0, $0x0, v2  }
0x1f: {  	(xrf0) =	vadd.scan.msk.s32 $0xffff, v2;
	_ =	sdelay $0x5  }
0x20: {  	v2, _, _ =	vpop (xrf0)  }
0x21: {  	(v2sf) =	vpush v2, $0xF;
	_ =	sdelay $0xe  }
0x22: {  	s14 =	spop (v2sf)  }
0x23: {  	p1 =	slt.s32 s14, $0x1  }
.Ltmp4:
0x24: {  	_ = 	snop;
	(pc) =	sbr.rel @p1 .LBB2_13-.Ltmp4, $2  }
0x25: {  	_ =	sdelay $0x2  }
0x26: {  	[tilespmem:s15+$0x4000] =	vst v0  }
0x27: {  	s13 =	sadd.s32 $0xFFFFFFFF, s14  }
0x28: {  	s15 =	sshll.u32 s13, $0x10  }
0x29: {  	s15 =	sor.u32 s5, s15  }
0x2a: {  	p1 =	seq.s32 s14, $0x1;
	s15 =	sshrl.u32 s15, $0x3  }
.Ltmp5:
0x2b: {  	s15 =	sadd.s32 s3, s15;
	(pc) =	sbr.rel @p1 .LBB2_10-.Ltmp5, $4  }
0x2c: {  	[tilespmem:s10], [sflag:$0x1] =	stream.linear.gather [hbm4b:s15+s2], $0x2000, $0x38;
	[tilespmem:$0x6010] =	vst v63  }
0x2d: {  	_ =	swait.ge [sflag:s9], $0x2000  }
0x2e: {  	[sflag:s9] =	ssyncset.done $0x0  }
0x2f: {  	[sflag:s9] =	ssyncadd.s32 $0xFFFFE000  }
0x30: {  	s14 =	sadd.s32 $0xFFFE, s14;
	s15 =	simm.s32 $0x0;
	s16 =	simm.s32 $0x0  }
.LBB2_7:
0x31: {  	s17 =	ssub.s32 s14, s16  }
0x32: {  	s17 =	sshll.u32 s17, $0x10  }
0x33: {  	s17 =	sor.u32 s5, s17  }
0x34: {  	s17 =	sshrl.u32 s17, $0x3  }
0x35: {  	s17 =	sadd.s32 s3, s17  }
0x36: {  	[tilespmem:s15], [sflag:$0x1] =	stream.linear.gather [hbm4b:s17+s15], $0x2000, $0x38;
	[tilespmem:$0x6010] =	vst v63  }
0x37: {  	_ =	swait.ge [sflag:s9], $0x2000  }
0x38: {  	[sflag:s9] =	ssyncset.done $0x0  }
0x39: {  	s18 =	simm.s32 $0x40;
	s17 =	simm.s32 $0x0;
	[sflag:s9] =	ssyncadd.s32 $0xFFFFE000  }
.LBB2_8:
0x3a: {  	p1 =	sne.s32 s18, $0x7FC0;
	v2 =	vld [tilespmem:s17+$0x2000];
	_ =	sdelay $0x7  }
0x3b: {  	v2 =	vld.idx.msk [tilespmem:v2+s2+$0x0], $0xffff;
	_ =	sdelay $0x1  }
.Ltmp6:
0x3c: {  	(pc) =	sbr.rel @p1 .LBB2_8-.Ltmp6, $2  }
0x3d: {  	_ =	sdelay $0x2  }
0x3e: {  	[tilespmem:s17+$0x2000] =	vst v2;
	s17 =	sshra.s32 s18, $0x2;
	s18 =	sadd.s32 $0x40, s18  }
0x3f: {  	v2 =	vld [tilespmem:s17+$0x2000];
	_ =	sdelay $0x6  }
0x40: {  	s16 =	sadd.s32 $0x1, s16  }
0x41: {  	p1 =	sne.s32 s16, s13;
	v2 =	vld.idx.msk [tilespmem:v2+s2+$0x0], $0xffff  }
.Ltmp7:
0x42: {  	_ = 	snop;
	(pc) =	sbr.rel @p1 .LBB2_7-.Ltmp7, $2  }
0x43: {  	_ =	sdelay $0x2  }
0x44: {  	[tilespmem:s17+$0x2000] =	vst v2  }
.LBB2_10:
0x45: {  	s14 =	simm.s32 $0x0;
	s13 =	simm.s32 $0x40  }
.LBB2_11:
0x46: {  	p1 =	sne.s32 s13, $0x12C0;
	v2 =	vld [tilespmem:s14+$0x2000];
	_ =	sdelay $0x3  }
.Ltmp8:
0x47: {  	(pc) =	sbr.rel @p1 .LBB2_11-.Ltmp8, $2  }
0x48: {  	_ =	sdelay $0x2  }
0x49: {  	s14 =	sshra.s32 s13, $0x2;
	s13 =	sadd.s32 $0x40, s13;
	[tilespmem:v2+s11+$0x0] =	vst.idx.msk $0xffff, v1  }
0x4a: {  	v2 =	vld [tilespmem:s14+$0x2000];
	_ =	sdelay $0x7  }
0x4b: {  	[tilespmem:v2+s11+$0x0] =	vst.idx.msk $0xffff, v1  }
0x4c: {  	v2 =	vld [tilespmem:$0x24C0];
	_ =	sdelay $0x3  }
.Ltmp9:
0x4d: {  	_ = 	snop;
	(pc) =	sbr.rel .LBB2_13-.Ltmp9, $2  }
0x4e: {  	_ =	sdelay $0x2  }
0x4f: {  	[tilespmem:v2+s11+$0x0] =	vst.idx.msk $0xfff, v1  }
.LBB2_15:
0x50: {  	_ =	sfence.sel $0x180000  }
0x51: {  	[bflag:$0x0] =	sbarrier.arrive $0xFFFF  }
0x52: {  	p0 =	sne.s32 s1, $0x0;
	_ =	strace $0x90000050  }
0x53: {  	s0 =	sadd.s32 @!p0 $0x100000, s0;
	[bflag:$0x2] =	sbarrier.arrive $0xFFFF  }
0x54: {  	[sflag:s0] =	ssyncadd.tile.s32 @!p0 $0x1;
	_ =	shalt  }
.Lfunc_end2:
_tile_overlayer_lowered:
.L_overlay_start_2:
0x55: {  	(tag) =	ssettag $0x2  }
0x56: {  	s0 =	rddreg [dreg:$0x0];
	s2 =	stileid.u32  }
0x57: {  	s1 =	rddreg [dreg:$0x1];
	p0 =	sne.s32 s2, $0x0  }
0x58: {  	s3 =	rddreg [dreg:$0x2];
	[bflag:$0x3] =	sbarrier.arrive $0xFFFF;
	s2 =	simm.s32 @!p0 $0x1C01  }
0x59: {  	[timem:s3], [sflag:s2] =	dma.local @!p0 [hbm:s0], s1  }
0x5a: {  	s0 =	simm.s32 @!p0 $0x1  }
0x5b: {  	_ =	swait.ge @!p0 [sflag:s0], s1  }
0x5c: {  	s1 =	ssub.s32 @!p0 $0x0, s1;
	[sflag:s0] =	ssyncset.done @!p0 $0x0  }
0x5d: {  	[sflag:s0] =	ssyncadd.s32 @!p0 s1  }
0x5e: {  	[bflag:$0x3] =	sbarrier.arrive $0xFFFF  }
0x5f: {  	_ =	shalt  }

</sc_bundles>
